<compile_context>
chip_gen: v7x
topology: tpu7x:2x2x1
jax: 0.10.2.dev20260603
libtpu: 0.0.44.dev20260713+nightly
codegen_flags: <defaults>
</compile_context>

<pallas_src>
import jax
import jax.numpy as jnp
from jax import lax
from jax.experimental import pallas as pl
from jax.experimental.pallas import tpu as pltpu
from jax.experimental.pallas import tpu_sc as plsc

N = 10000
E = 160000
D = 256
DH = 128
DE = 16
EP = 163840
NT = 16
NC = 2
CH = 128
EPT = EP // NT
NCHUNK = EPT // CH
RPT = 632
ACC_ROWS = NT * RPT
DUMMY = N
NBD = 3
NBS = 4
GRP = 12


def _eproj_body(ef_ref, we_ref, be_ref, out_ref):
    z = jnp.dot(ef_ref[...], we_ref[...], preferred_element_type=jnp.float32)
    zb = z + be_ref[...]
    out_ref[0] = zb[:, :DH]
    out_ref[1] = zb[:, DH:]


def _eproj(ef, W_e, b_e):
    BE = 4000
    return pl.pallas_call(
        _eproj_body,
        grid=(E // BE,),
        in_specs=[
            pl.BlockSpec((BE, DE), lambda i: (i, 0)),
            pl.BlockSpec((DE, D), lambda i: (0, 0)),
            pl.BlockSpec((1, D), lambda i: (0, 0)),
        ],
        out_specs=pl.BlockSpec((NC, BE, DH), lambda i: (0, i, 0)),
        out_shape=jax.ShapeDtypeStruct((NC, EP, DH), jnp.float32),
    )(ef, W_e, b_e.reshape(1, D))


def _sc_agg(node_cat, ep_flat, src_adj, dst_p):
    mesh = plsc.VectorSubcoreMesh(core_axis_name="c", subcore_axis_name="s")

    def body(node_hbm, ep_hbm, srcadj_hbm, dst_hbm, out_hbm,
             sidx, didx, n0, n1, n2, acc, *sems):
        nbufs = (n0, n1, n2)
        ssi = sems[0:NBD]
        sep = sems[NBD:2 * NBD]
        sga = sems[2 * NBD:3 * NBD]
        sdi = sems[3 * NBD:3 * NBD + NBS]
        ssc = sems[3 * NBD + NBS:]
        c = lax.axis_index("c")
        s = lax.axis_index("s")

        def zero_row(i, _):
            for v in range(DH // 16):
                n0[i, pl.ds(v * 16, 16)] = jnp.zeros((16,), jnp.float32)
            return 0
        lax.fori_loop(0, CH, zero_row, 0)
        for k in range(RPT // CH):
            pltpu.sync_copy(n0, acc.at[pl.ds(s * RPT + k * CH, CH)])
        rem = RPT - (RPT // CH) * CH
        if rem:
            pltpu.sync_copy(n0.at[pl.ds(0, rem)],
                            acc.at[pl.ds(s * RPT + (RPT // CH) * CH, rem)])
        plsc.subcore_barrier()

        def ep_src(j):
            off = pl.multiple_of(c * EP + s * EPT + j * CH, 8)
            return ep_hbm.at[pl.ds(off, CH)]

        def sidx_src(j):
            return srcadj_hbm.at[pl.ds(c * EP + s * EPT + j * CH, CH)]

        def didx_src(j):
            return dst_hbm.at[pl.ds(s * EPT + j * CH, CH)]

        def group(gg, _):
            for u in range(GRP):
                i = gg * GRP + u
                ia, ib, ic, id_ = i, i - 1, i - 2, i - 3
                nd, dd = (u - 3) % NBD, (u - 3) % NBS

                @pl.when((ic >= 0) & (ic < NCHUNK))
                def _():
                    qc = (u - 2) % NBD
                    pltpu.make_async_copy(
                        ep_src(ic), nbufs[qc], sep[qc]).wait()
                    pltpu.make_async_copy(
                        sidx_src(ic), sidx.at[qc], ssi[qc]).wait()
                    pltpu.async_copy(node_hbm.at[sidx.at[qc]], nbufs[qc],
                                     sga[qc], add=True)

                @pl.when((id_ >= 0) & (id_ < NCHUNK))
                def _():
                    pltpu.make_async_copy(
                        node_hbm.at[sidx.at[nd]], nbufs[nd], sga[nd]).wait()
                    pltpu.make_async_copy(
                        didx_src(id_), didx.at[dd], sdi[dd]).wait()

                    def relu_row(r2, _):
                        for h in range(2):
                            rr = 2 * r2 + h
                            for g in range(DH // 16):
                                sl = pl.ds(16 * g, 16)
                                nbufs[nd][rr, sl] = jnp.maximum(
                                    nbufs[nd][rr, sl], 0.0)
                        return 0
                    lax.fori_loop(0, 0, relu_row, 0)
                    pltpu.async_copy(nbufs[nd], acc.at[didx.at[dd]],
                                     ssc[dd], add=True)

                @pl.when(ia < NCHUNK)
                def _():
                    @pl.when(ia >= NBS)
                    def _():
                        pltpu.make_async_copy(
                            nbufs[(u - 4) % NBD], acc.at[didx.at[u % NBS]],
                            ssc[u % NBS]).wait()
                    pltpu.async_copy(sidx_src(ia), sidx.at[u % NBD],
                                     ssi[u % NBD])
                    pltpu.async_copy(didx_src(ia), didx.at[u % NBS],
                                     sdi[u % NBS])

                @pl.when((ib >= 0) & (ib < NCHUNK))
                def _():
                    qb = (u - 1) % NBD
                    pltpu.async_copy(ep_src(ib), nbufs[qb], sep[qb])
            return 0
        lax.fori_loop(0, (NCHUNK + 3 + GRP - 1) // GRP, group, 0)

        for j in range(NCHUNK - NBS, NCHUNK):
            pltpu.make_async_copy(nbufs[j % NBD], acc.at[didx.at[j % NBS]],
                                  ssc[j % NBS]).wait()
        plsc.subcore_barrier()

        for k in range(RPT // CH):
            r = s * RPT + k * CH
            pltpu.sync_copy(acc.at[pl.ds(r, CH)],
                            out_hbm.at[pl.ds(c * ACC_ROWS + r, CH)])
        if rem:
            r = s * RPT + (RPT // CH) * CH
            pltpu.sync_copy(acc.at[pl.ds(r, rem)],
                            out_hbm.at[pl.ds(c * ACC_ROWS + r, rem)])

    f = pl.kernel(
        body,
        out_type=jax.ShapeDtypeStruct((NC * ACC_ROWS, DH), jnp.float32),
        mesh=mesh,
        scratch_types=[
            pltpu.VMEM((NBD, CH), jnp.int32),
            pltpu.VMEM((NBS, CH), jnp.int32),
            pltpu.VMEM((CH, DH), jnp.float32),
            pltpu.VMEM((CH, DH), jnp.float32),
            pltpu.VMEM((CH, DH), jnp.float32),
            pltpu.VMEM_SHARED((ACC_ROWS, DH), jnp.float32),
        ] + [pltpu.SemaphoreType.DMA] * (3 * NBD + 2 * NBS),
    )
    return f(node_cat, ep_flat, src_adj, dst_p)


def _mlp1_body(eps_ref, alo_ref, ahi_ref, nf_ref, w1_ref, b1_ref,
               z_ref, sum_ref, sq_ref):
    i = pl.program_id(0)
    scale = 1.0 + eps_ref[0]
    rl = alo_ref[...] + scale * nf_ref[:, :DH]
    rh = ahi_ref[...] + scale * nf_ref[:, DH:]
    z = jnp.dot(rl, w1_ref[:DH, :], preferred_element_type=jnp.float32)
    z = z + jnp.dot(rh, w1_ref[DH:, :], preferred_element_type=jnp.float32)
    z = z + b1_ref[...]
    z_ref[...] = z

    @pl.when(i == 0)
    def _():
        sum_ref[...] = jnp.zeros_like(sum_ref)
        sq_ref[...] = jnp.zeros_like(sq_ref)
    sum_ref[...] += jnp.sum(z, axis=0, keepdims=True)
    sq_ref[...] += jnp.sum(z * z, axis=0, keepdims=True)


def _mlp1(eps, agg_lo, agg_hi, node_feats, W1, b1):
    RB = 400
    return pl.pallas_call(
        _mlp1_body,
        grid=(N // RB,),
        in_specs=[
            pl.BlockSpec(memory_space=pltpu.SMEM),
            pl.BlockSpec((RB, DH), lambda i: (i, 0)),
            pl.BlockSpec((RB, DH), lambda i: (i, 0)),
            pl.BlockSpec((RB, D), lambda i: (i, 0)),
            pl.BlockSpec((D, 2 * D), lambda i: (0, 0)),
            pl.BlockSpec((1, 2 * D), lambda i: (0, 0)),
        ],
        out_specs=[
            pl.BlockSpec((RB, 2 * D), lambda i: (i, 0)),
            pl.BlockSpec((1, 2 * D), lambda i: (0, 0)),
            pl.BlockSpec((1, 2 * D), lambda i: (0, 0)),
        ],
        out_shape=[
            jax.ShapeDtypeStruct((N, 2 * D), jnp.float32),
            jax.ShapeDtypeStruct((1, 2 * D), jnp.float32),
            jax.ShapeDtypeStruct((1, 2 * D), jnp.float32),
        ],
    )(eps, agg_lo, agg_hi, node_feats, W1, b1.reshape(1, 2 * D))


def _mlp2_body(z_ref, sum_ref, sq_ref, g_ref, b_ref, w2_ref, b2_ref, out_ref):
    mean = sum_ref[...] * (1.0 / N)
    var = sq_ref[...] * (1.0 / N) - mean * mean
    inv = lax.rsqrt(var + 1e-5)
    sc = g_ref[...] * inv
    sh = b_ref[...] - mean * sc
    a = jnp.maximum(z_ref[...] * sc + sh, 0.0)
    out = jnp.dot(a, w2_ref[...], preferred_element_type=jnp.float32)
    out_ref[...] = out + b2_ref[...]


def _mlp2(z, sums, sqs, gamma, beta, W2, b2):
    RB = 400
    return pl.pallas_call(
        _mlp2_body,
        grid=(N // RB,),
        in_specs=[
            pl.BlockSpec((RB, 2 * D), lambda i: (i, 0)),
            pl.BlockSpec((1, 2 * D), lambda i: (0, 0)),
            pl.BlockSpec((1, 2 * D), lambda i: (0, 0)),
            pl.BlockSpec((1, 2 * D), lambda i: (0, 0)),
            pl.BlockSpec((1, 2 * D), lambda i: (0, 0)),
            pl.BlockSpec((2 * D, D), lambda i: (0, 0)),
            pl.BlockSpec((1, D), lambda i: (0, 0)),
        ],
        out_specs=pl.BlockSpec((RB, D), lambda i: (i, 0)),
        out_shape=jax.ShapeDtypeStruct((N, D), jnp.float32),
    )(z, sums, sqs, gamma.reshape(1, 2 * D), beta.reshape(1, 2 * D),
      W2, b2.reshape(1, D))


def kernel(node_feats, edge_feats, edge_index, W_e, b_e, eps, W1, b1,
           gamma, beta, W2, b2):
    pad = EP - E
    src = edge_index[0]
    dst = edge_index[1]
    src_p = jnp.concatenate([src, jnp.zeros((pad,), jnp.int32)])
    dst_p = jnp.concatenate([dst, jnp.full((pad,), DUMMY, jnp.int32)])
    src_adj = jnp.concatenate([src_p, src_p + N])
    node_cat = jnp.concatenate([node_feats[:, :DH], node_feats[:, DH:]],
                               axis=0)

    ep2 = _eproj(edge_feats, W_e, b_e)
    agg2 = _sc_agg(node_cat, ep2.reshape(NC * EP, DH), src_adj, dst_p)
    agg_lo = agg2[:N]
    agg_hi = agg2[ACC_ROWS:ACC_ROWS + N]
    z, sums, sqs = _mlp1(eps, agg_lo, agg_hi, node_feats, W1, b1)
    return _mlp2(z, sums, sqs, gamma, beta, W2, b2)

# --- scband reference (transcript-rebuilt; emitter-appended) ---
"""Pipeline reference for scband-ginogblayer-9586367005319 (READ-ONLY COPY).

The authoritative reference and input builder live on the scoring server;
editing this copy changes nothing except your own understanding.
"""

import jax, jax.numpy as jnp
import numpy as np

N = 10000
E = 160000
D = 256
DE = 16

def setup_inputs(seed: int = 0) -> dict:
    key = jax.random.key(seed)
    ks = jax.random.split(key, 12)
    node_feats = jax.random.normal(ks[0], (N, D), dtype=jnp.float32)
    edge_feats = jax.random.normal(ks[1], (E, DE), dtype=jnp.float32)
    edge_index = jax.random.randint(ks[2], (2, E), 0, N, dtype=jnp.int32)
    # project_in_edge_feats: Linear(DE, D)
    W_e = jax.random.normal(ks[3], (DE, D), dtype=jnp.float32) * (1.0 / np.sqrt(DE))
    b_e = jnp.zeros((D,), dtype=jnp.float32)
    # eps parameter (initialized to 0)
    eps = jnp.zeros((1,), dtype=jnp.float32)
    # project_out: Linear(D, 2D) -> BatchNorm1d(2D) -> ReLU -> Linear(2D, D)
    W1 = jax.random.normal(ks[4], (D, 2 * D), dtype=jnp.float32) * (1.0 / np.sqrt(D))
    b1 = jnp.zeros((2 * D,), dtype=jnp.float32)
    gamma = jnp.ones((2 * D,), dtype=jnp.float32)
    beta = jnp.zeros((2 * D,), dtype=jnp.float32)
    W2 = jax.random.normal(ks[5], (2 * D, D), dtype=jnp.float32) * (1.0 / np.sqrt(2 * D))
    b2 = jnp.zeros((D,), dtype=jnp.float32)
    return {"node_feats": node_feats, "edge_feats": edge_feats, "edge_index": edge_index,
            "W_e": W_e, "b_e": b_e, "eps": eps, "W1": W1, "b1": b1,
            "gamma": gamma, "beta": beta, "W2": W2, "b2": b2}

def reference(node_feats, edge_feats, edge_index, W_e, b_e, eps, W1, b1, gamma, beta, W2, b2):
    src = edge_index[0]
    dst = edge_index[1]
    # edge_feats = self.project_in_edge_feats(edge_feats)
    e_proj = edge_feats @ W_e + b_e
    # apply_edges(copy_u): gather source node features onto edges
    msg = jax.nn.relu(e_proj + jnp.take(node_feats, src, axis=0))
    # update_all(copy_e, sum): scatter-add messages to destination nodes
    agg = jax.ops.segment_sum(msg, dst, num_segments=N)
    rst = agg + (1.0 + eps[0]) * node_feats
    # project_out: Linear -> BatchNorm1d (training-mode batch stats) -> ReLU -> Linear
    z = rst @ W1 + b1
    mean = jnp.mean(z, axis=0)
    var = jnp.var(z, axis=0)
    z = (z - mean) / jnp.sqrt(var + 1e-5) * gamma + beta
    z = jax.nn.relu(z)
    out = z @ W2 + b2
    return out

if __name__ == "__main__":
    import jax
    _d = setup_inputs()
    print(jax.jit(kernel)(*tuple(_d.values())))

</pallas_src>

<mosaic_0001>
#map = affine_map<(d0, d1) -> (0, 0)>
#map1 = affine_map<(d0, d1) -> (0)>
module attributes {stable_mosaic.version = 14 : i64} {
  func.func @body(%arg0: i32, %arg1: i32, %arg2: memref<20000x128xf32, #tpu.memory_space<hbm>>, %arg3: memref<327680x128xf32, #tpu.memory_space<hbm>>, %arg4: memref<327680xi32, #tpu.memory_space<hbm>>, %arg5: memref<163840xi32, #tpu.memory_space<hbm>>, %arg6: memref<20224x128xf32, #tpu.memory_space<hbm>>, %arg7: memref<3x128xi32, #tpu.memory_space<vmem>>, %arg8: memref<4x128xi32, #tpu.memory_space<vmem>>, %arg9: memref<128x128xf32, #tpu.memory_space<vmem>>, %arg10: memref<128x128xf32, #tpu.memory_space<vmem>>, %arg11: memref<128x128xf32, #tpu.memory_space<vmem>>, %arg12: memref<10112x128xf32, #tpu.memory_space<vmem_shared>>, %arg13: memref<!tpu.dma_semaphore, #tpu.memory_space<semaphore_mem>>, %arg14: memref<!tpu.dma_semaphore, #tpu.memory_space<semaphore_mem>>, %arg15: memref<!tpu.dma_semaphore, #tpu.memory_space<semaphore_mem>>, %arg16: memref<!tpu.dma_semaphore, #tpu.memory_space<semaphore_mem>>, %arg17: memref<!tpu.dma_semaphore, #tpu.memory_space<semaphore_mem>>, %arg18: memref<!tpu.dma_semaphore, #tpu.memory_space<semaphore_mem>>, %arg19: memref<!tpu.dma_semaphore, #tpu.memory_space<semaphore_mem>>, %arg20: memref<!tpu.dma_semaphore, #tpu.memory_space<semaphore_mem>>, %arg21: memref<!tpu.dma_semaphore, #tpu.memory_space<semaphore_mem>>, %arg22: memref<!tpu.dma_semaphore, #tpu.memory_space<semaphore_mem>>, %arg23: memref<!tpu.dma_semaphore, #tpu.memory_space<semaphore_mem>>, %arg24: memref<!tpu.dma_semaphore, #tpu.memory_space<semaphore_mem>>, %arg25: memref<!tpu.dma_semaphore, #tpu.memory_space<semaphore_mem>>, %arg26: memref<!tpu.dma_semaphore, #tpu.memory_space<semaphore_mem>>, %arg27: memref<!tpu.dma_semaphore, #tpu.memory_space<semaphore_mem>>, %arg28: memref<!tpu.dma_semaphore, #tpu.memory_space<semaphore_mem>>, %arg29: memref<!tpu.dma_semaphore, #tpu.memory_space<semaphore_mem>>) attributes {dimension_semantics = [#tpu.dimension_semantics<core_parallel>, #tpu.dimension_semantics<subcore_parallel>], iteration_bounds = array<i64: 2, 16>, scalar_prefetch = 0 : i64, scratch_operands = 23 : i64, tpu.core_type = #tpu.core_type<sc_vector_subcore>, window_params = [{transform_indices = #map}, {transform_indices = #map}, {transform_indices = #map1}, {transform_indices = #map1}, {transform_indices = #map}]} {
    %scan3A = arith.constant 0 : i32
    %scan3A_0 = arith.constant 0 : i32
    %scan3A_1 = arith.constant 128 : i32
    %scan3A_2 = arith.addi %scan3A_0, %scan3A_1 : i32
    %scan3A_3 = arith.constant 1 : i32
    %scan3A_4 = scf.for %scan3A_94 = %scan3A_0 to %scan3A_2 step %scan3A_3 iter_args(%scan3A_95 = %scan3A) -> (i32)  : i32 {
      %broadcast_in_dim3A = arith.constant 0.000000e+00 : f32
      %broadcast_in_dim3A_96 = vector.broadcast %broadcast_in_dim3A : f32 to vector<16xf32>
      %swap3A = arith.index_cast %scan3A_94 : i32 to index
      %swap3A_97 = arith.constant 0 : index
      %swap3A_98 = tpu.vector_load %arg9[%swap3A, %swap3A_97] {strides = array<i32>} : memref<128x128xf32, #tpu.memory_space<vmem>>, vector<1x16xf32>,
      %swap3A_99 = vector.shape_cast %swap3A_98 : vector<1x16xf32> to vector<16xf32>
      %swap3A_100 = vector.shape_cast %broadcast_in_dim3A_96 : vector<16xf32> to vector<1x16xf32>
      tpu.vector_store %arg9[%swap3A, %swap3A_97], %swap3A_100 {strides = array<i32>} : memref<128x128xf32, #tpu.memory_space<vmem>>, vector<1x16xf32>,
      %broadcast_in_dim3A_101 = arith.constant 0.000000e+00 : f32
      %broadcast_in_dim3A_102 = vector.broadcast %broadcast_in_dim3A_101 : f32 to vector<16xf32>
      %swap3A_103 = arith.index_cast %scan3A_94 : i32 to index
      %swap3A_104 = arith.constant 16 : index
      %swap3A_105 = tpu.vector_load %arg9[%swap3A_103, %swap3A_104] {strides = array<i32>} : memref<128x128xf32, #tpu.memory_space<vmem>>, vector<1x16xf32>,
      %swap3A_106 = vector.shape_cast %swap3A_105 : vector<1x16xf32> to vector<16xf32>
      %swap3A_107 = vector.shape_cast %broadcast_in_dim3A_102 : vector<16xf32> to vector<1x16xf32>
      tpu.vector_store %arg9[%swap3A_103, %swap3A_104], %swap3A_107 {strides = array<i32>} : memref<128x128xf32, #tpu.memory_space<vmem>>, vector<1x16xf32>,
      %broadcast_in_dim3A_108 = arith.constant 0.000000e+00 : f32
      %broadcast_in_dim3A_109 = vector.broadcast %broadcast_in_dim3A_108 : f32 to vector<16xf32>
      %swap3A_110 = arith.index_cast %scan3A_94 : i32 to index
      %swap3A_111 = arith.constant 32 : index
      %swap3A_112 = tpu.vector_load %arg9[%swap3A_110, %swap3A_111] {strides = array<i32>} : memref<128x128xf32, #tpu.memory_space<vmem>>, vector<1x16xf32>,
      %swap3A_113 = vector.shape_cast %swap3A_112 : vector<1x16xf32> to vector<16xf32>
      %swap3A_114 = vector.shape_cast %broadcast_in_dim3A_109 : vector<16xf32> to vector<1x16xf32>
      tpu.vector_store %arg9[%swap3A_110, %swap3A_111], %swap3A_114 {strides = array<i32>} : memref<128x128xf32, #tpu.memory_space<vmem>>, vector<1x16xf32>,
      %broadcast_in_dim3A_115 = arith.constant 0.000000e+00 : f32
      %broadcast_in_dim3A_116 = vector.broadcast %broadcast_in_dim3A_115 : f32 to vector<16xf32>
      %swap3A_117 = arith.index_cast %scan3A_94 : i32 to index
      %swap3A_118 = arith.constant 48 : index
      %swap3A_119 = tpu.vector_load %arg9[%swap3A_117, %swap3A_118] {strides = array<i32>} : memref<128x128xf32, #tpu.memory_space<vmem>>, vector<1x16xf32>,
      %swap3A_120 = vector.shape_cast %swap3A_119 : vector<1x16xf32> to vector<16xf32>
      %swap3A_121 = vector.shape_cast %broadcast_in_dim3A_116 : vector<16xf32> to vector<1x16xf32>
      tpu.vector_store %arg9[%swap3A_117, %swap3A_118], %swap3A_121 {strides = array<i32>} : memref<128x128xf32, #tpu.memory_space<vmem>>, vector<1x16xf32>,
      %broadcast_in_dim3A_122 = arith.constant 0.000000e+00 : f32
      %broadcast_in_dim3A_123 = vector.broadcast %broadcast_in_dim3A_122 : f32 to vector<16xf32>
      %swap3A_124 = arith.index_cast %scan3A_94 : i32 to index
      %swap3A_125 = arith.constant 64 : index
      %swap3A_126 = tpu.vector_load %arg9[%swap3A_124, %swap3A_125] {strides = array<i32>} : memref<128x128xf32, #tpu.memory_space<vmem>>, vector<1x16xf32>,
      %swap3A_127 = vector.shape_cast %swap3A_126 : vector<1x16xf32> to vector<16xf32>
      %swap3A_128 = vector.shape_cast %broadcast_in_dim3A_123 : vector<16xf32> to vector<1x16xf32>
      tpu.vector_store %arg9[%swap3A_124, %swap3A_125], %swap3A_128 {strides = array<i32>} : memref<128x128xf32, #tpu.memory_space<vmem>>, vector<1x16xf32>,
      %broadcast_in_dim3A_129 = arith.constant 0.000000e+00 : f32
      %broadcast_in_dim3A_130 = vector.broadcast %broadcast_in_dim3A_129 : f32 to vector<16xf32>
      %swap3A_131 = arith.index_cast %scan3A_94 : i32 to index
      %swap3A_132 = arith.constant 80 : index
      %swap3A_133 = tpu.vector_load %arg9[%swap3A_131, %swap3A_132] {strides = array<i32>} : memref<128x128xf32, #tpu.memory_space<vmem>>, vector<1x16xf32>,
      %swap3A_134 = vector.shape_cast %swap3A_133 : vector<1x16xf32> to vector<16xf32>
      %swap3A_135 = vector.shape_cast %broadcast_in_dim3A_130 : vector<16xf32> to vector<1x16xf32>
      tpu.vector_store %arg9[%swap3A_131, %swap3A_132], %swap3A_135 {strides = array<i32>} : memref<128x128xf32, #tpu.memory_space<vmem>>, vector<1x16xf32>,
      %broadcast_in_dim3A_136 = arith.constant 0.000000e+00 : f32
      %broadcast_in_dim3A_137 = vector.broadcast %broadcast_in_dim3A_136 : f32 to vector<16xf32>
      %swap3A_138 = arith.index_cast %scan3A_94 : i32 to index
      %swap3A_139 = arith.constant 96 : index
      %swap3A_140 = tpu.vector_load %arg9[%swap3A_138, %swap3A_139] {strides = array<i32>} : memref<128x128xf32, #tpu.memory_space<vmem>>, vector<1x16xf32>,
      %swap3A_141 = vector.shape_cast %swap3A_140 : vector<1x16xf32> to vector<16xf32>
      %swap3A_142 = vector.shape_cast %broadcast_in_dim3A_137 : vector<16xf32> to vector<1x16xf32>
      tpu.vector_store %arg9[%swap3A_138, %swap3A_139], %swap3A_142 {strides = array<i32>} : memref<128x128xf32, #tpu.memory_space<vmem>>, vector<1x16xf32>,
      %broadcast_in_dim3A_143 = arith.constant 0.000000e+00 : f32
      %broadcast_in_dim3A_144 = vector.broadcast %broadcast_in_dim3A_143 : f32 to vector<16xf32>
      %swap3A_145 = arith.index_cast %scan3A_94 : i32 to index
      %swap3A_146 = arith.constant 112 : index
      %swap3A_147 = tpu.vector_load %arg9[%swap3A_145, %swap3A_146] {strides = array<i32>} : memref<128x128xf32, #tpu.memory_space<vmem>>, vector<1x16xf32>,
      %swap3A_148 = vector.shape_cast %swap3A_147 : vector<1x16xf32> to vector<16xf32>
      %swap3A_149 = vector.shape_cast %broadcast_in_dim3A_144 : vector<16xf32> to vector<1x16xf32>
      tpu.vector_store %arg9[%swap3A_145, %swap3A_146], %swap3A_149 {strides = array<i32>} : memref<128x128xf32, #tpu.memory_space<vmem>>, vector<1x16xf32>,
      %scan3A_150 = arith.constant 0 : i32
      scf.yield %scan3A_150 : i32
    }
    %scan3A_5 = arith.constant 128 : i32
    %mul3A = arith.constant 632 : i32
    %mul3A_6 = arith.muli %arg1, %mul3A : i32
    %add3A = arith.constant 0 : i32
    %add3A_7 = arith.addi %mul3A_6, %add3A : i32
    "tpu.region"() ({
      %run_scoped3A = tpu.sem_alloc : memref<!tpu.dma_semaphore, #tpu.memory_space<semaphore_mem>>
      %dma_start3A = arith.constant 0 : i32
      %dma_start3A_94 = tpu.memref_slice %arg12[%add3A_7, %dma_start3A] : memref<10112x128xf32, #tpu.memory_space<vmem_shared>> -> memref<128x128xf32, #tpu.memory_space<vmem_shared>>
      %dma_start3A_95 = arith.constant 0 : i32
      %dma_start3A_96 = tpu.memref_slice %arg12[%add3A_7, %dma_start3A_95] : memref<10112x128xf32, #tpu.memory_space<vmem_shared>> -> memref<128x128xf32, #tpu.memory_space<vmem_shared>>
      tpu.enqueue_dma source(%arg9 : memref<128x128xf32, #tpu.memory_space<vmem>>) target(%dma_start3A_96 : memref<128x128xf32, #tpu.memory_space<vmem_shared>>) target_semaphore(%run_scoped3A : memref<!tpu.dma_semaphore, #tpu.memory_space<semaphore_mem>>)
      %dma_wait3A_97 = arith.constant 0 : i32
      %dma_wait3A_98 = tpu.memref_slice %arg12[%add3A_7, %dma_wait3A_97] : memref<10112x128xf32, #tpu.memory_space<vmem_shared>> -> memref<128x128xf32, #tpu.memory_space<vmem_shared>>
      %dma_wait3A_99 = arith.constant 0 : i32
      %dma_wait3A_100 = tpu.memref_slice %arg12[%add3A_7, %dma_wait3A_99] : memref<10112x128xf32, #tpu.memory_space<vmem_shared>> -> memref<128x128xf32, #tpu.memory_space<vmem_shared>>
      tpu.wait_dma2 semaphore(%run_scoped3A : memref<!tpu.dma_semaphore, #tpu.memory_space<semaphore_mem>>) src(%arg9 : memref<128x128xf32, #tpu.memory_space<vmem>>) dst(%dma_wait3A_100 : memref<128x128xf32, #tpu.memory_space<vmem_shared>>)
      tpu.yield
    }) : () -> ()
    %mul3A_8 = arith.constant 632 : i32
    %mul3A_9 = arith.muli %arg1, %mul3A_8 : i32
    %add3A_10 = arith.constant 128 : i32
    %add3A_11 = arith.addi %mul3A_9, %add3A_10 : i32
    "tpu.region"() ({
      %run_scoped3A = tpu.sem_alloc : memref<!tpu.dma_semaphore, #tpu.memory_space<semaphore_mem>>
      %dma_start3A = arith.constant 0 : i32
      %dma_start3A_94 = tpu.memref_slice %arg12[%add3A_11, %dma_start3A] : memref<10112x128xf32, #tpu.memory_space<vmem_shared>> -> memref<128x128xf32, #tpu.memory_space<vmem_shared>>
      %dma_start3A_95 = arith.constant 0 : i32
      %dma_start3A_96 = tpu.memref_slice %arg12[%add3A_11, %dma_start3A_95] : memref<10112x128xf32, #tpu.memory_space<vmem_shared>> -> memref<128x128xf32, #tpu.memory_space<vmem_shared>>
      tpu.enqueue_dma source(%arg9 : memref<128x128xf32, #tpu.memory_space<vmem>>) target(%dma_start3A_96 : memref<128x128xf32, #tpu.memory_space<vmem_shared>>) target_semaphore(%run_scoped3A : memref<!tpu.dma_semaphore, #tpu.memory_space<semaphore_mem>>)
      %dma_wait3A_97 = arith.constant 0 : i32
      %dma_wait3A_98 = tpu.memref_slice %arg12[%add3A_11, %dma_wait3A_97] : memref<10112x128xf32, #tpu.memory_space<vmem_shared>> -> memref<128x128xf32, #tpu.memory_space<vmem_shared>>
      %dma_wait3A_99 = arith.constant 0 : i32
      %dma_wait3A_100 = tpu.memref_slice %arg12[%add3A_11, %dma_wait3A_99] : memref<10112x128xf32, #tpu.memory_space<vmem_shared>> -> memref<128x128xf32, #tpu.memory_space<vmem_shared>>
      tpu.wait_dma2 semaphore(%run_scoped3A : memref<!tpu.dma_semaphore, #tpu.memory_space<semaphore_mem>>) src(%arg9 : memref<128x128xf32, #tpu.memory_space<vmem>>) dst(%dma_wait3A_100 : memref<128x128xf32, #tpu.memory_space<vmem_shared>>)
      tpu.yield
    }) : () -> ()
    %mul3A_12 = arith.constant 632 : i32
    %mul3A_13 = arith.muli %arg1, %mul3A_12 : i32
    %add3A_14 = arith.constant 256 : i32
    %add3A_15 = arith.addi %mul3A_13, %add3A_14 : i32
    "tpu.region"() ({
      %run_scoped3A = tpu.sem_alloc : memref<!tpu.dma_semaphore, #tpu.memory_space<semaphore_mem>>
      %dma_start3A = arith.constant 0 : i32
      %dma_start3A_94 = tpu.memref_slice %arg12[%add3A_15, %dma_start3A] : memref<10112x128xf32, #tpu.memory_space<vmem_shared>> -> memref<128x128xf32, #tpu.memory_space<vmem_shared>>
      %dma_start3A_95 = arith.constant 0 : i32
      %dma_start3A_96 = tpu.memref_slice %arg12[%add3A_15, %dma_start3A_95] : memref<10112x128xf32, #tpu.memory_space<vmem_shared>> -> memref<128x128xf32, #tpu.memory_space<vmem_shared>>
      tpu.enqueue_dma source(%arg9 : memref<128x128xf32, #tpu.memory_space<vmem>>) target(%dma_start3A_96 : memref<128x128xf32, #tpu.memory_space<vmem_shared>>) target_semaphore(%run_scoped3A : memref<!tpu.dma_semaphore, #tpu.memory_space<semaphore_mem>>)
      %dma_wait3A_97 = arith.constant 0 : i32
      %dma_wait3A_98 = tpu.memref_slice %arg12[%add3A_15, %dma_wait3A_97] : memref<10112x128xf32, #tpu.memory_space<vmem_shared>> -> memref<128x128xf32, #tpu.memory_space<vmem_shared>>
      %dma_wait3A_99 = arith.constant 0 : i32
      %dma_wait3A_100 = tpu.memref_slice %arg12[%add3A_15, %dma_wait3A_99] : memref<10112x128xf32, #tpu.memory_space<vmem_shared>> -> memref<128x128xf32, #tpu.memory_space<vmem_shared>>
      tpu.wait_dma2 semaphore(%run_scoped3A : memref<!tpu.dma_semaphore, #tpu.memory_space<semaphore_mem>>) src(%arg9 : memref<128x128xf32, #tpu.memory_space<vmem>>) dst(%dma_wait3A_100 : memref<128x128xf32, #tpu.memory_space<vmem_shared>>)
      tpu.yield
    }) : () -> ()
    %mul3A_16 = arith.constant 632 : i32
    %mul3A_17 = arith.muli %arg1, %mul3A_16 : i32
    %add3A_18 = arith.constant 384 : i32
    %add3A_19 = arith.addi %mul3A_17, %add3A_18 : i32
    "tpu.region"() ({
      %run_scoped3A = tpu.sem_alloc : memref<!tpu.dma_semaphore, #tpu.memory_space<semaphore_mem>>
      %dma_start3A = arith.constant 0 : i32
      %dma_start3A_94 = tpu.memref_slice %arg12[%add3A_19, %dma_start3A] : memref<10112x128xf32, #tpu.memory_space<vmem_shared>> -> memref<128x128xf32, #tpu.memory_space<vmem_shared>>
      %dma_start3A_95 = arith.constant 0 : i32
      %dma_start3A_96 = tpu.memref_slice %arg12[%add3A_19, %dma_start3A_95] : memref<10112x128xf32, #tpu.memory_space<vmem_shared>> -> memref<128x128xf32, #tpu.memory_space<vmem_shared>>
      tpu.enqueue_dma source(%arg9 : memref<128x128xf32, #tpu.memory_space<vmem>>) target(%dma_start3A_96 : memref<128x128xf32, #tpu.memory_space<vmem_shared>>) target_semaphore(%run_scoped3A : memref<!tpu.dma_semaphore, #tpu.memory_space<semaphore_mem>>)
      %dma_wait3A_97 = arith.constant 0 : i32
      %dma_wait3A_98 = tpu.memref_slice %arg12[%add3A_19, %dma_wait3A_97] : memref<10112x128xf32, #tpu.memory_space<vmem_shared>> -> memref<128x128xf32, #tpu.memory_space<vmem_shared>>
      %dma_wait3A_99 = arith.constant 0 : i32
      %dma_wait3A_100 = tpu.memref_slice %arg12[%add3A_19, %dma_wait3A_99] : memref<10112x128xf32, #tpu.memory_space<vmem_shared>> -> memref<128x128xf32, #tpu.memory_space<vmem_shared>>
      tpu.wait_dma2 semaphore(%run_scoped3A : memref<!tpu.dma_semaphore, #tpu.memory_space<semaphore_mem>>) src(%arg9 : memref<128x128xf32, #tpu.memory_space<vmem>>) dst(%dma_wait3A_100 : memref<128x128xf32, #tpu.memory_space<vmem_shared>>)
      tpu.yield
    }) : () -> ()
    %mul3A_20 = arith.constant 632 : i32
    %mul3A_21 = arith.muli %arg1, %mul3A_20 : i32
    %add3A_22 = arith.constant 512 : i32
    %add3A_23 = arith.addi %mul3A_21, %add3A_22 : i32
    "tpu.region"() ({
      %run_scoped3A = tpu.sem_alloc : memref<!tpu.dma_semaphore, #tpu.memory_space<semaphore_mem>>
      %dma_start3A = arith.constant 0 : i32
      %dma_start3A_94 = arith.constant 0 : i32
      %dma_start3A_95 = tpu.memref_slice %arg9[%dma_start3A, %dma_start3A_94] : memref<128x128xf32, #tpu.memory_space<vmem>> -> memref<120x128xf32, #tpu.memory_space<vmem>>
      %dma_start3A_96 = arith.constant 0 : i32
      %dma_start3A_97 = tpu.memref_slice %arg12[%add3A_23, %dma_start3A_96] : memref<10112x128xf32, #tpu.memory_space<vmem_shared>> -> memref<120x128xf32, #tpu.memory_space<vmem_shared>>
      %dma_start3A_98 = arith.constant 0 : i32
      %dma_start3A_99 = tpu.memref_slice %arg12[%add3A_23, %dma_start3A_98] : memref<10112x128xf32, #tpu.memory_space<vmem_shared>> -> memref<120x128xf32, #tpu.memory_space<vmem_shared>>
      %dma_start3A_100 = arith.constant 0 : i32
      %dma_start3A_101 = arith.constant 0 : i32
      %dma_start3A_102 = tpu.memref_slice %arg9[%dma_start3A_100, %dma_start3A_101] : memref<128x128xf32, #tpu.memory_space<vmem>> -> memref<120x128xf32, #tpu.memory_space<vmem>>
      tpu.enqueue_dma source(%dma_start3A_102 : memref<120x128xf32, #tpu.memory_space<vmem>>) target(%dma_start3A_99 : memref<120x128xf32, #tpu.memory_space<vmem_shared>>) target_semaphore(%run_scoped3A : memref<!tpu.dma_semaphore, #tpu.memory_space<semaphore_mem>>)
      %dma_wait3A_103 = arith.constant 0 : i32
      %dma_wait3A_104 = arith.constant 0 : i32
      %dma_wait3A_105 = tpu.memref_slice %arg9[%dma_wait3A_103, %dma_wait3A_104] : memref<128x128xf32, #tpu.memory_space<vmem>> -> memref<120x128xf32, #tpu.memory_space<vmem>>
      %dma_wait3A_106 = arith.constant 0 : i32
      %dma_wait3A_107 = tpu.memref_slice %arg12[%add3A_23, %dma_wait3A_106] : memref<10112x128xf32, #tpu.memory_space<vmem_shared>> -> memref<120x128xf32, #tpu.memory_space<vmem_shared>>
      %dma_wait3A_108 = arith.constant 0 : i32
      %dma_wait3A_109 = tpu.memref_slice %arg12[%add3A_23, %dma_wait3A_108] : memref<10112x128xf32, #tpu.memory_space<vmem_shared>> -> memref<120x128xf32, #tpu.memory_space<vmem_shared>>
      %dma_wait3A_110 = arith.constant 0 : i32
      %dma_wait3A_111 = arith.constant 0 : i32
      %dma_wait3A_112 = tpu.memref_slice %arg9[%dma_wait3A_110, %dma_wait3A_111] : memref<128x128xf32, #tpu.memory_space<vmem>> -> memref<120x128xf32, #tpu.memory_space<vmem>>
      tpu.wait_dma2 semaphore(%run_scoped3A : memref<!tpu.dma_semaphore, #tpu.memory_space<semaphore_mem>>) src(%dma_wait3A_112 : memref<120x128xf32, #tpu.memory_space<vmem>>) dst(%dma_wait3A_109 : memref<120x128xf32, #tpu.memory_space<vmem_shared>>)
      tpu.yield
    }) : () -> ()
    %barrier3A = arith.constant 0 : index
    tpu.barrier barrier_id(%barrier3A)
    %scan3A_24 = arith.constant 0 : i32
    %scan3A_25 = arith.constant 0 : i32
    %scan3A_26 = arith.constant 7 : i32
    %scan3A_27 = arith.addi %scan3A_25, %scan3A_26 : i32
    %scan3A_28 = arith.constant 1 : i32
    %scan3A_29 = scf.for %scan3A_94 = %scan3A_25 to %scan3A_27 step %scan3A_28 iter_args(%scan3A_95 = %scan3A_24) -> (i32)  : i32 {
      %mul3A_96 = arith.constant 12 : i32
      %mul3A_97 = arith.muli %scan3A_94, %mul3A_96 : i32
      %add3A_98 = arith.constant 0 : i32
      %add3A_99 = arith.addi %mul3A_97, %add3A_98 : i32
      %sub3A = arith.constant 1 : i32
      %sub3A_100 = arith.subi %add3A_99, %sub3A : i32
      %sub3A_101 = arith.constant 2 : i32
      %sub3A_102 = arith.subi %add3A_99, %sub3A_101 : i32
      %sub3A_103 = arith.constant 3 : i32
      %sub3A_104 = arith.subi %add3A_99, %sub3A_103 : i32
      %ge3A = arith.constant 0 : i32
      %ge3A_105 = arith.cmpi sge, %sub3A_102, %ge3A : i32
      %lt3A = arith.constant 80 : i32
      %lt3A_106 = arith.cmpi slt, %sub3A_102, %lt3A : i32
      %and3A = arith.andi %ge3A_105, %lt3A_106 : i1
      %convert_element_type3A = arith.extui %and3A : i1 to i32
      %cond3A = arith.constant 0 : i32
      %cond3A_107 = arith.cmpi ne, %convert_element_type3A, %cond3A : i32
      scf.if %cond3A_107 {
        %mul3A_559 = arith.constant 163840 : i32
        %mul3A_560 = arith.muli %arg0, %mul3A_559 : i32
        %mul3A_561 = arith.constant 10240 : i32
        %mul3A_562 = arith.muli %arg1, %mul3A_561 : i32
        %add3A_563 = arith.addi %mul3A_560, %mul3A_562 : i32
        %mul3A_564 = arith.constant 128 : i32
        %mul3A_565 = arith.muli %sub3A_102, %mul3A_564 : i32
        %add3A_566 = arith.addi %add3A_563, %mul3A_565 : i32
        %multiple_of3A = tpu.assume_multiple %add3A_566, 8 : i32
        %dma_wait3A_567 = arith.constant 0 : i32
        %dma_wait3A_568 = tpu.memref_slice %arg3[%multiple_of3A, %dma_wait3A_567] : memref<327680x128xf32, #tpu.memory_space<hbm>> -> memref<128x128xf32, #tpu.memory_space<hbm>>
        %dma_wait3A_569 = arith.constant 0 : i32
        %dma_wait3A_570 = tpu.memref_slice %arg3[%multiple_of3A, %dma_wait3A_569] : memref<327680x128xf32, #tpu.memory_space<hbm>> -> memref<128x128xf32, #tpu.memory_space<hbm>>
        tpu.wait_dma2 semaphore(%arg17 : memref<!tpu.dma_semaphore, #tpu.memory_space<semaphore_mem>>) src(%dma_wait3A_570 : memref<128x128xf32, #tpu.memory_space<hbm>>) dst(%arg10 : memref<128x128xf32, #tpu.memory_space<vmem>>)
        %mul3A_571 = arith.constant 163840 : i32
        %mul3A_572 = arith.muli %arg0, %mul3A_571 : i32
        %mul3A_573 = arith.constant 10240 : i32
        %mul3A_574 = arith.muli %arg1, %mul3A_573 : i32
        %add3A_575 = arith.addi %mul3A_572, %mul3A_574 : i32
        %mul3A_576 = arith.constant 128 : i32
        %mul3A_577 = arith.muli %sub3A_102, %mul3A_576 : i32
        %add3A_578 = arith.addi %add3A_575, %mul3A_577 : i32
        %dma_wait3A_579 = arith.constant 1 : i32
        %dma_wait3A_580 = arith.constant 0 : i32
        %dma_wait3A_581 = tpu.memref_slice %arg7[%dma_wait3A_579, %dma_wait3A_580] : memref<3x128xi32, #tpu.memory_space<vmem>> -> memref<1x128xi32, #tpu.memory_space<vmem>>
        %dma_wait3A_582 = tpu.memref_squeeze %dma_wait3A_581 : memref<1x128xi32, #tpu.memory_space<vmem>> -> memref<128xi32, #tpu.memory_space<vmem>>
        %dma_wait3A_583 = tpu.memref_slice %arg4[%add3A_578] : memref<327680xi32, #tpu.memory_space<hbm>> -> memref<128xi32, #tpu.memory_space<hbm>>
        %dma_wait3A_584 = arith.constant 0 : i32
        %dma_wait3A_585 = tpu.memref_slice %arg7[%dma_wait3A_579, %dma_wait3A_584] : memref<3x128xi32, #tpu.memory_space<vmem>> -> memref<1x128xi32, #tpu.memory_space<vmem>>
        %dma_wait3A_586 = tpu.memref_squeeze %dma_wait3A_585 : memref<1x128xi32, #tpu.memory_space<vmem>> -> memref<128xi32, #tpu.memory_space<vmem>>
        %dma_wait3A_587 = tpu.memref_slice %arg4[%add3A_578] : memref<327680xi32, #tpu.memory_space<hbm>> -> memref<128xi32, #tpu.memory_space<hbm>>
        tpu.wait_dma2 semaphore(%arg14 : memref<!tpu.dma_semaphore, #tpu.memory_space<semaphore_mem>>) src(%dma_wait3A_587 : memref<128xi32, #tpu.memory_space<hbm>>) dst(%dma_wait3A_586 : memref<128xi32, #tpu.memory_space<vmem>>)
        %dma_start3A = arith.constant 1 : i32
        %dma_start3A_588 = arith.constant 0 : i32
        %dma_start3A_589 = tpu.memref_slice %arg7[%dma_start3A, %dma_start3A_588] : memref<3x128xi32, #tpu.memory_space<vmem>> -> memref<1x128xi32, #tpu.memory_space<vmem>>
        %dma_start3A_590 = tpu.memref_squeeze %dma_start3A_589 : memref<1x128xi32, #tpu.memory_space<vmem>> -> memref<128xi32, #tpu.memory_space<vmem>>
        %dma_start3A_591 = arith.constant 0 : i32
        %dma_start3A_592 = arith.constant 0 : i32
        %dma_start3A_593 = tpu.memref_slice %arg2[%dma_start3A_591, %dma_start3A_592] : memref<20000x128xf32, #tpu.memory_space<hbm>> -> memref<20000x128xf32, #tpu.memory_space<hbm>>
        tpu.enqueue_indirect_dma source(%dma_start3A_593 : memref<20000x128xf32, #tpu.memory_space<hbm>>) target(%arg10 : memref<128x128xf32, #tpu.memory_space<vmem>>) offsets(%dma_start3A_590 : memref<128xi32, #tpu.memory_space<vmem>>) semaphore(%arg20 : memref<!tpu.dma_semaphore, #tpu.memory_space<semaphore_mem>>) {add = true}
      } else {
      }
      %ge3A_108 = arith.constant 0 : i32
      %ge3A_109 = arith.cmpi sge, %sub3A_104, %ge3A_108 : i32
      %lt3A_110 = arith.constant 80 : i32
      %lt3A_111 = arith.cmpi slt, %sub3A_104, %lt3A_110 : i32
      %and3A_112 = arith.andi %ge3A_109, %lt3A_111 : i1
      %convert_element_type3A_113 = arith.extui %and3A_112 : i1 to i32
      %cond3A_114 = arith.constant 0 : i32
      %cond3A_115 = arith.cmpi ne, %convert_element_type3A_113, %cond3A_114 : i32
      scf.if %cond3A_115 {
        %dma_wait3A_559 = arith.constant 0 : i32
        %dma_wait3A_560 = arith.constant 0 : i32
        %dma_wait3A_561 = tpu.memref_slice %arg7[%dma_wait3A_559, %dma_wait3A_560] : memref<3x128xi32, #tpu.memory_space<vmem>> -> memref<1x128xi32, #tpu.memory_space<vmem>>
        %dma_wait3A_562 = tpu.memref_squeeze %dma_wait3A_561 : memref<1x128xi32, #tpu.memory_space<vmem>> -> memref<128xi32, #tpu.memory_space<vmem>>
        %dma_wait3A_563 = arith.constant 0 : i32
        %dma_wait3A_564 = arith.constant 0 : i32
        %dma_wait3A_565 = tpu.memref_slice %arg2[%dma_wait3A_563, %dma_wait3A_564] : memref<20000x128xf32, #tpu.memory_space<hbm>> -> memref<20000x128xf32, #tpu.memory_space<hbm>>
        tpu.wait_indirect_dma semaphore(%arg19 : memref<!tpu.dma_semaphore, #tpu.memory_space<semaphore_mem>>) src(%dma_wait3A_565 : memref<20000x128xf32, #tpu.memory_space<hbm>>) dst(%arg9 : memref<128x128xf32, #tpu.memory_space<vmem>>)
        %mul3A_566 = arith.constant 10240 : i32
        %mul3A_567 = arith.muli %arg1, %mul3A_566 : i32
        %mul3A_568 = arith.constant 128 : i32
        %mul3A_569 = arith.muli %sub3A_104, %mul3A_568 : i32
        %add3A_570 = arith.addi %mul3A_567, %mul3A_569 : i32
        %dma_wait3A_571 = arith.constant 1 : i32
        %dma_wait3A_572 = arith.constant 0 : i32
        %dma_wait3A_573 = tpu.memref_slice %arg8[%dma_wait3A_571, %dma_wait3A_572] : memref<4x128xi32, #tpu.memory_space<vmem>> -> memref<1x128xi32, #tpu.memory_space<vmem>>
        %dma_wait3A_574 = tpu.memref_squeeze %dma_wait3A_573 : memref<1x128xi32, #tpu.memory_space<vmem>> -> memref<128xi32, #tpu.memory_space<vmem>>
        %dma_wait3A_575 = tpu.memref_slice %arg5[%add3A_570] : memref<163840xi32, #tpu.memory_space<hbm>> -> memref<128xi32, #tpu.memory_space<hbm>>
        %dma_wait3A_576 = arith.constant 0 : i32
        %dma_wait3A_577 = tpu.memref_slice %arg8[%dma_wait3A_571, %dma_wait3A_576] : memref<4x128xi32, #tpu.memory_space<vmem>> -> memref<1x128xi32, #tpu.memory_space<vmem>>
        %dma_wait3A_578 = tpu.memref_squeeze %dma_wait3A_577 : memref<1x128xi32, #tpu.memory_space<vmem>> -> memref<128xi32, #tpu.memory_space<vmem>>
        %dma_wait3A_579 = tpu.memref_slice %arg5[%add3A_570] : memref<163840xi32, #tpu.memory_space<hbm>> -> memref<128xi32, #tpu.memory_space<hbm>>
        tpu.wait_dma2 semaphore(%arg23 : memref<!tpu.dma_semaphore, #tpu.memory_space<semaphore_mem>>) src(%dma_wait3A_579 : memref<128xi32, #tpu.memory_space<hbm>>) dst(%dma_wait3A_578 : memref<128xi32, #tpu.memory_space<vmem>>)
        %scan3A_580 = arith.constant 0 : i32
        %scan3A_581 = arith.constant 0 : i32
        %scan3A_582 = arith.constant 0 : i32
        %scan3A_583 = arith.addi %scan3A_581, %scan3A_582 : i32
        %scan3A_584 = arith.constant 0 : i32
        %dma_start3A = arith.constant 1 : i32
        %dma_start3A_585 = arith.constant 0 : i32
        %dma_start3A_586 = tpu.memref_slice %arg8[%dma_start3A, %dma_start3A_585] : memref<4x128xi32, #tpu.memory_space<vmem>> -> memref<1x128xi32, #tpu.memory_space<vmem>>
        %dma_start3A_587 = tpu.memref_squeeze %dma_start3A_586 : memref<1x128xi32, #tpu.memory_space<vmem>> -> memref<128xi32, #tpu.memory_space<vmem>>
        %dma_start3A_588 = arith.constant 0 : i32
        %dma_start3A_589 = arith.constant 0 : i32
        %dma_start3A_590 = tpu.memref_slice %arg12[%dma_start3A_588, %dma_start3A_589] : memref<10112x128xf32, #tpu.memory_space<vmem_shared>> -> memref<10112x128xf32, #tpu.memory_space<vmem_shared>>
        tpu.enqueue_indirect_dma source(%arg9 : memref<128x128xf32, #tpu.memory_space<vmem>>) target(%dma_start3A_590 : memref<10112x128xf32, #tpu.memory_space<vmem_shared>>) offsets(%dma_start3A_587 : memref<128xi32, #tpu.memory_space<vmem>>) semaphore(%arg27 : memref<!tpu.dma_semaphore, #tpu.memory_space<semaphore_mem>>) {add = true}
      } else {
      }
      %lt3A_116 = arith.constant 80 : i32
      %lt3A_117 = arith.cmpi slt, %add3A_99, %lt3A_116 : i32
      %convert_element_type3A_118 = arith.extui %lt3A_117 : i1 to i32
      %cond3A_119 = arith.constant 0 : i32
      %cond3A_120 = arith.cmpi ne, %convert_element_type3A_118, %cond3A_119 : i32
      scf.if %cond3A_120 {
        %ge3A_559 = arith.constant 4 : i32
        %ge3A_560 = arith.cmpi sge, %add3A_99, %ge3A_559 : i32
        %convert_element_type3A_561 = arith.extui %ge3A_560 : i1 to i32
        %cond3A_562 = arith.constant 0 : i32
        %cond3A_563 = arith.cmpi ne, %convert_element_type3A_561, %cond3A_562 : i32
        scf.if %cond3A_563 {
          %dma_wait3A_594 = arith.constant 0 : i32
          %dma_wait3A_595 = arith.constant 0 : i32
          %dma_wait3A_596 = tpu.memref_slice %arg8[%dma_wait3A_594, %dma_wait3A_595] : memref<4x128xi32, #tpu.memory_space<vmem>> -> memref<1x128xi32, #tpu.memory_space<vmem>>
          %dma_wait3A_597 = tpu.memref_squeeze %dma_wait3A_596 : memref<1x128xi32, #tpu.memory_space<vmem>> -> memref<128xi32, #tpu.memory_space<vmem>>
          %dma_wait3A_598 = arith.constant 0 : i32
          %dma_wait3A_599 = arith.constant 0 : i32
          %dma_wait3A_600 = tpu.memref_slice %arg12[%dma_wait3A_598, %dma_wait3A_599] : memref<10112x128xf32, #tpu.memory_space<vmem_shared>> -> memref<10112x128xf32, #tpu.memory_space<vmem_shared>>
          tpu.wait_indirect_dma semaphore(%arg26 : memref<!tpu.dma_semaphore, #tpu.memory_space<semaphore_mem>>) src(%arg11 : memref<128x128xf32, #tpu.memory_space<vmem>>) dst(%dma_wait3A_600 : memref<10112x128xf32, #tpu.memory_space<vmem_shared>>)
        } else {
        }
        %mul3A_564 = arith.constant 163840 : i32
        %mul3A_565 = arith.muli %arg0, %mul3A_564 : i32
        %mul3A_566 = arith.constant 10240 : i32
        %mul3A_567 = arith.muli %arg1, %mul3A_566 : i32
        %add3A_568 = arith.addi %mul3A_565, %mul3A_567 : i32
        %mul3A_569 = arith.constant 128 : i32
        %mul3A_570 = arith.muli %add3A_99, %mul3A_569 : i32
        %add3A_571 = arith.addi %add3A_568, %mul3A_570 : i32
        %dma_start3A = arith.constant 0 : i32
        %dma_start3A_572 = arith.constant 0 : i32
        %dma_start3A_573 = tpu.memref_slice %arg7[%dma_start3A, %dma_start3A_572] : memref<3x128xi32, #tpu.memory_space<vmem>> -> memref<1x128xi32, #tpu.memory_space<vmem>>
        %dma_start3A_574 = tpu.memref_squeeze %dma_start3A_573 : memref<1x128xi32, #tpu.memory_space<vmem>> -> memref<128xi32, #tpu.memory_space<vmem>>
        %dma_start3A_575 = tpu.memref_slice %arg4[%add3A_571] : memref<327680xi32, #tpu.memory_space<hbm>> -> memref<128xi32, #tpu.memory_space<hbm>>
        %dma_start3A_576 = arith.constant 0 : i32
        %dma_start3A_577 = tpu.memref_slice %arg7[%dma_start3A, %dma_start3A_576] : memref<3x128xi32, #tpu.memory_space<vmem>> -> memref<1x128xi32, #tpu.memory_space<vmem>>
        %dma_start3A_578 = tpu.memref_squeeze %dma_start3A_577 : memref<1x128xi32, #tpu.memory_space<vmem>> -> memref<128xi32, #tpu.memory_space<vmem>>
        %dma_start3A_579 = tpu.memref_slice %arg4[%add3A_571] : memref<327680xi32, #tpu.memory_space<hbm>> -> memref<128xi32, #tpu.memory_space<hbm>>
        tpu.enqueue_dma source(%dma_start3A_579 : memref<128xi32, #tpu.memory_space<hbm>>) target(%dma_start3A_578 : memref<128xi32, #tpu.memory_space<vmem>>) target_semaphore(%arg13 : memref<!tpu.dma_semaphore, #tpu.memory_space<semaphore_mem>>)
        %mul3A_580 = arith.constant 10240 : i32
        %mul3A_581 = arith.muli %arg1, %mul3A_580 : i32
        %mul3A_582 = arith.constant 128 : i32
        %mul3A_583 = arith.muli %add3A_99, %mul3A_582 : i32
        %add3A_584 = arith.addi %mul3A_581, %mul3A_583 : i32
        %dma_start3A_585 = arith.constant 0 : i32
        %dma_start3A_586 = arith.constant 0 : i32
        %dma_start3A_587 = tpu.memref_slice %arg8[%dma_start3A_585, %dma_start3A_586] : memref<4x128xi32, #tpu.memory_space<vmem>> -> memref<1x128xi32, #tpu.memory_space<vmem>>
        %dma_start3A_588 = tpu.memref_squeeze %dma_start3A_587 : memref<1x128xi32, #tpu.memory_space<vmem>> -> memref<128xi32, #tpu.memory_space<vmem>>
        %dma_start3A_589 = tpu.memref_slice %arg5[%add3A_584] : memref<163840xi32, #tpu.memory_space<hbm>> -> memref<128xi32, #tpu.memory_space<hbm>>
        %dma_start3A_590 = arith.constant 0 : i32
        %dma_start3A_591 = tpu.memref_slice %arg8[%dma_start3A_585, %dma_start3A_590] : memref<4x128xi32, #tpu.memory_space<vmem>> -> memref<1x128xi32, #tpu.memory_space<vmem>>
        %dma_start3A_592 = tpu.memref_squeeze %dma_start3A_591 : memref<1x128xi32, #tpu.memory_space<vmem>> -> memref<128xi32, #tpu.memory_space<vmem>>
        %dma_start3A_593 = tpu.memref_slice %arg5[%add3A_584] : memref<163840xi32, #tpu.memory_space<hbm>> -> memref<128xi32, #tpu.memory_space<hbm>>
        tpu.enqueue_dma source(%dma_start3A_593 : memref<128xi32, #tpu.memory_space<hbm>>) target(%dma_start3A_592 : memref<128xi32, #tpu.memory_space<vmem>>) target_semaphore(%arg22 : memref<!tpu.dma_semaphore, #tpu.memory_space<semaphore_mem>>)
      } else {
      }
      %ge3A_121 = arith.constant 0 : i32
      %ge3A_122 = arith.cmpi sge, %sub3A_100, %ge3A_121 : i32
      %lt3A_123 = arith.constant 80 : i32
      %lt3A_124 = arith.cmpi slt, %sub3A_100, %lt3A_123 : i32
      %and3A_125 = arith.andi %ge3A_122, %lt3A_124 : i1
      %convert_element_type3A_126 = arith.extui %and3A_125 : i1 to i32
      %cond3A_127 = arith.constant 0 : i32
      %cond3A_128 = arith.cmpi ne, %convert_element_type3A_126, %cond3A_127 : i32
      scf.if %cond3A_128 {
        %mul3A_559 = arith.constant 163840 : i32
        %mul3A_560 = arith.muli %arg0, %mul3A_559 : i32
        %mul3A_561 = arith.constant 10240 : i32
        %mul3A_562 = arith.muli %arg1, %mul3A_561 : i32
        %add3A_563 = arith.addi %mul3A_560, %mul3A_562 : i32
        %mul3A_564 = arith.constant 128 : i32
        %mul3A_565 = arith.muli %sub3A_100, %mul3A_564 : i32
        %add3A_566 = arith.addi %add3A_563, %mul3A_565 : i32
        %multiple_of3A = tpu.assume_multiple %add3A_566, 8 : i32
        %dma_start3A = arith.constant 0 : i32
        %dma_start3A_567 = tpu.memref_slice %arg3[%multiple_of3A, %dma_start3A] : memref<327680x128xf32, #tpu.memory_space<hbm>> -> memref<128x128xf32, #tpu.memory_space<hbm>>
        %dma_start3A_568 = arith.constant 0 : i32
        %dma_start3A_569 = tpu.memref_slice %arg3[%multiple_of3A, %dma_start3A_568] : memref<327680x128xf32, #tpu.memory_space<hbm>> -> memref<128x128xf32, #tpu.memory_space<hbm>>
        tpu.enqueue_dma source(%dma_start3A_569 : memref<128x128xf32, #tpu.memory_space<hbm>>) target(%arg11 : memref<128x128xf32, #tpu.memory_space<vmem>>) target_semaphore(%arg18 : memref<!tpu.dma_semaphore, #tpu.memory_space<semaphore_mem>>)
      } else {
      }
      %mul3A_129 = arith.constant 12 : i32
      %mul3A_130 = arith.muli %scan3A_94, %mul3A_129 : i32
      %add3A_131 = arith.constant 1 : i32
      %add3A_132 = arith.addi %mul3A_130, %add3A_131 : i32
      %sub3A_133 = arith.constant 1 : i32
      %sub3A_134 = arith.subi %add3A_132, %sub3A_133 : i32
      %sub3A_135 = arith.constant 2 : i32
      %sub3A_136 = arith.subi %add3A_132, %sub3A_135 : i32
      %sub3A_137 = arith.constant 3 : i32
      %sub3A_138 = arith.subi %add3A_132, %sub3A_137 : i32
      %ge3A_139 = arith.constant 0 : i32
      %ge3A_140 = arith.cmpi sge, %sub3A_136, %ge3A_139 : i32
      %lt3A_141 = arith.constant 80 : i32
      %lt3A_142 = arith.cmpi slt, %sub3A_136, %lt3A_141 : i32
      %and3A_143 = arith.andi %ge3A_140, %lt3A_142 : i1
      %convert_element_type3A_144 = arith.extui %and3A_143 : i1 to i32
      %cond3A_145 = arith.constant 0 : i32
      %cond3A_146 = arith.cmpi ne, %convert_element_type3A_144, %cond3A_145 : i32
      scf.if %cond3A_146 {
        %mul3A_559 = arith.constant 163840 : i32
        %mul3A_560 = arith.muli %arg0, %mul3A_559 : i32
        %mul3A_561 = arith.constant 10240 : i32
        %mul3A_562 = arith.muli %arg1, %mul3A_561 : i32
        %add3A_563 = arith.addi %mul3A_560, %mul3A_562 : i32
        %mul3A_564 = arith.constant 128 : i32
        %mul3A_565 = arith.muli %sub3A_136, %mul3A_564 : i32
        %add3A_566 = arith.addi %add3A_563, %mul3A_565 : i32
        %multiple_of3A = tpu.assume_multiple %add3A_566, 8 : i32
        %dma_wait3A_567 = arith.constant 0 : i32
        %dma_wait3A_568 = tpu.memref_slice %arg3[%multiple_of3A, %dma_wait3A_567] : memref<327680x128xf32, #tpu.memory_space<hbm>> -> memref<128x128xf32, #tpu.memory_space<hbm>>
        %dma_wait3A_569 = arith.constant 0 : i32
        %dma_wait3A_570 = tpu.memref_slice %arg3[%multiple_of3A, %dma_wait3A_569] : memref<327680x128xf32, #tpu.memory_space<hbm>> -> memref<128x128xf32, #tpu.memory_space<hbm>>
        tpu.wait_dma2 semaphore(%arg18 : memref<!tpu.dma_semaphore, #tpu.memory_space<semaphore_mem>>) src(%dma_wait3A_570 : memref<128x128xf32, #tpu.memory_space<hbm>>) dst(%arg11 : memref<128x128xf32, #tpu.memory_space<vmem>>)
        %mul3A_571 = arith.constant 163840 : i32
        %mul3A_572 = arith.muli %arg0, %mul3A_571 : i32
        %mul3A_573 = arith.constant 10240 : i32
        %mul3A_574 = arith.muli %arg1, %mul3A_573 : i32
        %add3A_575 = arith.addi %mul3A_572, %mul3A_574 : i32
        %mul3A_576 = arith.constant 128 : i32
        %mul3A_577 = arith.muli %sub3A_136, %mul3A_576 : i32
        %add3A_578 = arith.addi %add3A_575, %mul3A_577 : i32
        %dma_wait3A_579 = arith.constant 2 : i32
        %dma_wait3A_580 = arith.constant 0 : i32
        %dma_wait3A_581 = tpu.memref_slice %arg7[%dma_wait3A_579, %dma_wait3A_580] : memref<3x128xi32, #tpu.memory_space<vmem>> -> memref<1x128xi32, #tpu.memory_space<vmem>>
        %dma_wait3A_582 = tpu.memref_squeeze %dma_wait3A_581 : memref<1x128xi32, #tpu.memory_space<vmem>> -> memref<128xi32, #tpu.memory_space<vmem>>
        %dma_wait3A_583 = tpu.memref_slice %arg4[%add3A_578] : memref<327680xi32, #tpu.memory_space<hbm>> -> memref<128xi32, #tpu.memory_space<hbm>>
        %dma_wait3A_584 = arith.constant 0 : i32
        %dma_wait3A_585 = tpu.memref_slice %arg7[%dma_wait3A_579, %dma_wait3A_584] : memref<3x128xi32, #tpu.memory_space<vmem>> -> memref<1x128xi32, #tpu.memory_space<vmem>>
        %dma_wait3A_586 = tpu.memref_squeeze %dma_wait3A_585 : memref<1x128xi32, #tpu.memory_space<vmem>> -> memref<128xi32, #tpu.memory_space<vmem>>
        %dma_wait3A_587 = tpu.memref_slice %arg4[%add3A_578] : memref<327680xi32, #tpu.memory_space<hbm>> -> memref<128xi32, #tpu.memory_space<hbm>>
        tpu.wait_dma2 semaphore(%arg15 : memref<!tpu.dma_semaphore, #tpu.memory_space<semaphore_mem>>) src(%dma_wait3A_587 : memref<128xi32, #tpu.memory_space<hbm>>) dst(%dma_wait3A_586 : memref<128xi32, #tpu.memory_space<vmem>>)
        %dma_start3A = arith.constant 2 : i32
        %dma_start3A_588 = arith.constant 0 : i32
        %dma_start3A_589 = tpu.memref_slice %arg7[%dma_start3A, %dma_start3A_588] : memref<3x128xi32, #tpu.memory_space<vmem>> -> memref<1x128xi32, #tpu.memory_space<vmem>>
        %dma_start3A_590 = tpu.memref_squeeze %dma_start3A_589 : memref<1x128xi32, #tpu.memory_space<vmem>> -> memref<128xi32, #tpu.memory_space<vmem>>
        %dma_start3A_591 = arith.constant 0 : i32
        %dma_start3A_592 = arith.constant 0 : i32
        %dma_start3A_593 = tpu.memref_slice %arg2[%dma_start3A_591, %dma_start3A_592] : memref<20000x128xf32, #tpu.memory_space<hbm>> -> memref<20000x128xf32, #tpu.memory_space<hbm>>
        tpu.enqueue_indirect_dma source(%dma_start3A_593 : memref<20000x128xf32, #tpu.memory_space<hbm>>) target(%arg11 : memref<128x128xf32, #tpu.memory_space<vmem>>) offsets(%dma_start3A_590 : memref<128xi32, #tpu.memory_space<vmem>>) semaphore(%arg21 : memref<!tpu.dma_semaphore, #tpu.memory_space<semaphore_mem>>) {add = true}
      } else {
      }
      %ge3A_147 = arith.constant 0 : i32
      %ge3A_148 = arith.cmpi sge, %sub3A_138, %ge3A_147 : i32
      %lt3A_149 = arith.constant 80 : i32
      %lt3A_150 = arith.cmpi slt, %sub3A_138, %lt3A_149 : i32
      %and3A_151 = arith.andi %ge3A_148, %lt3A_150 : i1
      %convert_element_type3A_152 = arith.extui %and3A_151 : i1 to i32
      %cond3A_153 = arith.constant 0 : i32
      %cond3A_154 = arith.cmpi ne, %convert_element_type3A_152, %cond3A_153 : i32
      scf.if %cond3A_154 {
        %dma_wait3A_559 = arith.constant 1 : i32
        %dma_wait3A_560 = arith.constant 0 : i32
        %dma_wait3A_561 = tpu.memref_slice %arg7[%dma_wait3A_559, %dma_wait3A_560] : memref<3x128xi32, #tpu.memory_space<vmem>> -> memref<1x128xi32, #tpu.memory_space<vmem>>
        %dma_wait3A_562 = tpu.memref_squeeze %dma_wait3A_561 : memref<1x128xi32, #tpu.memory_space<vmem>> -> memref<128xi32, #tpu.memory_space<vmem>>
        %dma_wait3A_563 = arith.constant 0 : i32
        %dma_wait3A_564 = arith.constant 0 : i32
        %dma_wait3A_565 = tpu.memref_slice %arg2[%dma_wait3A_563, %dma_wait3A_564] : memref<20000x128xf32, #tpu.memory_space<hbm>> -> memref<20000x128xf32, #tpu.memory_space<hbm>>
        tpu.wait_indirect_dma semaphore(%arg20 : memref<!tpu.dma_semaphore, #tpu.memory_space<semaphore_mem>>) src(%dma_wait3A_565 : memref<20000x128xf32, #tpu.memory_space<hbm>>) dst(%arg10 : memref<128x128xf32, #tpu.memory_space<vmem>>)
        %mul3A_566 = arith.constant 10240 : i32
        %mul3A_567 = arith.muli %arg1, %mul3A_566 : i32
        %mul3A_568 = arith.constant 128 : i32
        %mul3A_569 = arith.muli %sub3A_138, %mul3A_568 : i32
        %add3A_570 = arith.addi %mul3A_567, %mul3A_569 : i32
        %dma_wait3A_571 = arith.constant 2 : i32
        %dma_wait3A_572 = arith.constant 0 : i32
        %dma_wait3A_573 = tpu.memref_slice %arg8[%dma_wait3A_571, %dma_wait3A_572] : memref<4x128xi32, #tpu.memory_space<vmem>> -> memref<1x128xi32, #tpu.memory_space<vmem>>
        %dma_wait3A_574 = tpu.memref_squeeze %dma_wait3A_573 : memref<1x128xi32, #tpu.memory_space<vmem>> -> memref<128xi32, #tpu.memory_space<vmem>>
        %dma_wait3A_575 = tpu.memref_slice %arg5[%add3A_570] : memref<163840xi32, #tpu.memory_space<hbm>> -> memref<128xi32, #tpu.memory_space<hbm>>
        %dma_wait3A_576 = arith.constant 0 : i32
        %dma_wait3A_577 = tpu.memref_slice %arg8[%dma_wait3A_571, %dma_wait3A_576] : memref<4x128xi32, #tpu.memory_space<vmem>> -> memref<1x128xi32, #tpu.memory_space<vmem>>
        %dma_wait3A_578 = tpu.memref_squeeze %dma_wait3A_577 : memref<1x128xi32, #tpu.memory_space<vmem>> -> memref<128xi32, #tpu.memory_space<vmem>>
        %dma_wait3A_579 = tpu.memref_slice %arg5[%add3A_570] : memref<163840xi32, #tpu.memory_space<hbm>> -> memref<128xi32, #tpu.memory_space<hbm>>
        tpu.wait_dma2 semaphore(%arg24 : memref<!tpu.dma_semaphore, #tpu.memory_space<semaphore_mem>>) src(%dma_wait3A_579 : memref<128xi32, #tpu.memory_space<hbm>>) dst(%dma_wait3A_578 : memref<128xi32, #tpu.memory_space<vmem>>)
        %scan3A_580 = arith.constant 0 : i32
        %scan3A_581 = arith.constant 0 : i32
        %scan3A_582 = arith.constant 0 : i32
        %scan3A_583 = arith.addi %scan3A_581, %scan3A_582 : i32
        %scan3A_584 = arith.constant 0 : i32
        %dma_start3A = arith.constant 2 : i32
        %dma_start3A_585 = arith.constant 0 : i32
        %dma_start3A_586 = tpu.memref_slice %arg8[%dma_start3A, %dma_start3A_585] : memref<4x128xi32, #tpu.memory_space<vmem>> -> memref<1x128xi32, #tpu.memory_space<vmem>>
        %dma_start3A_587 = tpu.memref_squeeze %dma_start3A_586 : memref<1x128xi32, #tpu.memory_space<vmem>> -> memref<128xi32, #tpu.memory_space<vmem>>
        %dma_start3A_588 = arith.constant 0 : i32
        %dma_start3A_589 = arith.constant 0 : i32
        %dma_start3A_590 = tpu.memref_slice %arg12[%dma_start3A_588, %dma_start3A_589] : memref<10112x128xf32, #tpu.memory_space<vmem_shared>> -> memref<10112x128xf32, #tpu.memory_space<vmem_shared>>
        tpu.enqueue_indirect_dma source(%arg10 : memref<128x128xf32, #tpu.memory_space<vmem>>) target(%dma_start3A_590 : memref<10112x128xf32, #tpu.memory_space<vmem_shared>>) offsets(%dma_start3A_587 : memref<128xi32, #tpu.memory_space<vmem>>) semaphore(%arg28 : memref<!tpu.dma_semaphore, #tpu.memory_space<semaphore_mem>>) {add = true}
      } else {
      }
      %lt3A_155 = arith.constant 80 : i32
      %lt3A_156 = arith.cmpi slt, %add3A_132, %lt3A_155 : i32
      %convert_element_type3A_157 = arith.extui %lt3A_156 : i1 to i32
      %cond3A_158 = arith.constant 0 : i32
      %cond3A_159 = arith.cmpi ne, %convert_element_type3A_157, %cond3A_158 : i32
      scf.if %cond3A_159 {
        %ge3A_559 = arith.constant 4 : i32
        %ge3A_560 = arith.cmpi sge, %add3A_132, %ge3A_559 : i32
        %convert_element_type3A_561 = arith.extui %ge3A_560 : i1 to i32
        %cond3A_562 = arith.constant 0 : i32
        %cond3A_563 = arith.cmpi ne, %convert_element_type3A_561, %cond3A_562 : i32
        scf.if %cond3A_563 {
          %dma_wait3A_594 = arith.constant 1 : i32
          %dma_wait3A_595 = arith.constant 0 : i32
          %dma_wait3A_596 = tpu.memref_slice %arg8[%dma_wait3A_594, %dma_wait3A_595] : memref<4x128xi32, #tpu.memory_space<vmem>> -> memref<1x128xi32, #tpu.memory_space<vmem>>
          %dma_wait3A_597 = tpu.memref_squeeze %dma_wait3A_596 : memref<1x128xi32, #tpu.memory_space<vmem>> -> memref<128xi32, #tpu.memory_space<vmem>>
          %dma_wait3A_598 = arith.constant 0 : i32
          %dma_wait3A_599 = arith.constant 0 : i32
          %dma_wait3A_600 = tpu.memref_slice %arg12[%dma_wait3A_598, %dma_wait3A_599] : memref<10112x128xf32, #tpu.memory_space<vmem_shared>> -> memref<10112x128xf32, #tpu.memory_space<vmem_shared>>
          tpu.wait_indirect_dma semaphore(%arg27 : memref<!tpu.dma_semaphore, #tpu.memory_space<semaphore_mem>>) src(%arg9 : memref<128x128xf32, #tpu.memory_space<vmem>>) dst(%dma_wait3A_600 : memref<10112x128xf32, #tpu.memory_space<vmem_shared>>)
        } else {
        }
        %mul3A_564 = arith.constant 163840 : i32
        %mul3A_565 = arith.muli %arg0, %mul3A_564 : i32
        %mul3A_566 = arith.constant 10240 : i32
        %mul3A_567 = arith.muli %arg1, %mul3A_566 : i32
        %add3A_568 = arith.addi %mul3A_565, %mul3A_567 : i32
        %mul3A_569 = arith.constant 128 : i32
        %mul3A_570 = arith.muli %add3A_132, %mul3A_569 : i32
        %add3A_571 = arith.addi %add3A_568, %mul3A_570 : i32
        %dma_start3A = arith.constant 1 : i32
        %dma_start3A_572 = arith.constant 0 : i32
        %dma_start3A_573 = tpu.memref_slice %arg7[%dma_start3A, %dma_start3A_572] : memref<3x128xi32, #tpu.memory_space<vmem>> -> memref<1x128xi32, #tpu.memory_space<vmem>>
        %dma_start3A_574 = tpu.memref_squeeze %dma_start3A_573 : memref<1x128xi32, #tpu.memory_space<vmem>> -> memref<128xi32, #tpu.memory_space<vmem>>
        %dma_start3A_575 = tpu.memref_slice %arg4[%add3A_571] : memref<327680xi32, #tpu.memory_space<hbm>> -> memref<128xi32, #tpu.memory_space<hbm>>
        %dma_start3A_576 = arith.constant 0 : i32
        %dma_start3A_577 = tpu.memref_slice %arg7[%dma_start3A, %dma_start3A_576] : memref<3x128xi32, #tpu.memory_space<vmem>> -> memref<1x128xi32, #tpu.memory_space<vmem>>
        %dma_start3A_578 = tpu.memref_squeeze %dma_start3A_577 : memref<1x128xi32, #tpu.memory_space<vmem>> -> memref<128xi32, #tpu.memory_space<vmem>>
        %dma_start3A_579 = tpu.memref_slice %arg4[%add3A_571] : memref<327680xi32, #tpu.memory_space<hbm>> -> memref<128xi32, #tpu.memory_space<hbm>>
        tpu.enqueue_dma source(%dma_start3A_579 : memref<128xi32, #tpu.memory_space<hbm>>) target(%dma_start3A_578 : memref<128xi32, #tpu.memory_space<vmem>>) target_semaphore(%arg14 : memref<!tpu.dma_semaphore, #tpu.memory_space<semaphore_mem>>)
        %mul3A_580 = arith.constant 10240 : i32
        %mul3A_581 = arith.muli %arg1, %mul3A_580 : i32
        %mul3A_582 = arith.constant 128 : i32
        %mul3A_583 = arith.muli %add3A_132, %mul3A_582 : i32
        %add3A_584 = arith.addi %mul3A_581, %mul3A_583 : i32
        %dma_start3A_585 = arith.constant 1 : i32
        %dma_start3A_586 = arith.constant 0 : i32
        %dma_start3A_587 = tpu.memref_slice %arg8[%dma_start3A_585, %dma_start3A_586] : memref<4x128xi32, #tpu.memory_space<vmem>> -> memref<1x128xi32, #tpu.memory_space<vmem>>
        %dma_start3A_588 = tpu.memref_squeeze %dma_start3A_587 : memref<1x128xi32, #tpu.memory_space<vmem>> -> memref<128xi32, #tpu.memory_space<vmem>>
        %dma_start3A_589 = tpu.memref_slice %arg5[%add3A_584] : memref<163840xi32, #tpu.memory_space<hbm>> -> memref<128xi32, #tpu.memory_space<hbm>>
        %dma_start3A_590 = arith.constant 0 : i32
        %dma_start3A_591 = tpu.memref_slice %arg8[%dma_start3A_585, %dma_start3A_590] : memref<4x128xi32, #tpu.memory_space<vmem>> -> memref<1x128xi32, #tpu.memory_space<vmem>>
        %dma_start3A_592 = tpu.memref_squeeze %dma_start3A_591 : memref<1x128xi32, #tpu.memory_space<vmem>> -> memref<128xi32, #tpu.memory_space<vmem>>
        %dma_start3A_593 = tpu.memref_slice %arg5[%add3A_584] : memref<163840xi32, #tpu.memory_space<hbm>> -> memref<128xi32, #tpu.memory_space<hbm>>
        tpu.enqueue_dma source(%dma_start3A_593 : memref<128xi32, #tpu.memory_space<hbm>>) target(%dma_start3A_592 : memref<128xi32, #tpu.memory_space<vmem>>) target_semaphore(%arg23 : memref<!tpu.dma_semaphore, #tpu.memory_space<semaphore_mem>>)
      } else {
      }
      %ge3A_160 = arith.constant 0 : i32
      %ge3A_161 = arith.cmpi sge, %sub3A_134, %ge3A_160 : i32
      %lt3A_162 = arith.constant 80 : i32
      %lt3A_163 = arith.cmpi slt, %sub3A_134, %lt3A_162 : i32
      %and3A_164 = arith.andi %ge3A_161, %lt3A_163 : i1
      %convert_element_type3A_165 = arith.extui %and3A_164 : i1 to i32
      %cond3A_166 = arith.constant 0 : i32
      %cond3A_167 = arith.cmpi ne, %convert_element_type3A_165, %cond3A_166 : i32
      scf.if %cond3A_167 {
        %mul3A_559 = arith.constant 163840 : i32
        %mul3A_560 = arith.muli %arg0, %mul3A_559 : i32
        %mul3A_561 = arith.constant 10240 : i32
        %mul3A_562 = arith.muli %arg1, %mul3A_561 : i32
        %add3A_563 = arith.addi %mul3A_560, %mul3A_562 : i32
        %mul3A_564 = arith.constant 128 : i32
        %mul3A_565 = arith.muli %sub3A_134, %mul3A_564 : i32
        %add3A_566 = arith.addi %add3A_563, %mul3A_565 : i32
        %multiple_of3A = tpu.assume_multiple %add3A_566, 8 : i32
        %dma_start3A = arith.constant 0 : i32
        %dma_start3A_567 = tpu.memref_slice %arg3[%multiple_of3A, %dma_start3A] : memref<327680x128xf32, #tpu.memory_space<hbm>> -> memref<128x128xf32, #tpu.memory_space<hbm>>
        %dma_start3A_568 = arith.constant 0 : i32
        %dma_start3A_569 = tpu.memref_slice %arg3[%multiple_of3A, %dma_start3A_568] : memref<327680x128xf32, #tpu.memory_space<hbm>> -> memref<128x128xf32, #tpu.memory_space<hbm>>
        tpu.enqueue_dma source(%dma_start3A_569 : memref<128x128xf32, #tpu.memory_space<hbm>>) target(%arg9 : memref<128x128xf32, #tpu.memory_space<vmem>>) target_semaphore(%arg16 : memref<!tpu.dma_semaphore, #tpu.memory_space<semaphore_mem>>)
      } else {
      }
      %mul3A_168 = arith.constant 12 : i32
      %mul3A_169 = arith.muli %scan3A_94, %mul3A_168 : i32
      %add3A_170 = arith.constant 2 : i32
      %add3A_171 = arith.addi %mul3A_169, %add3A_170 : i32
      %sub3A_172 = arith.constant 1 : i32
      %sub3A_173 = arith.subi %add3A_171, %sub3A_172 : i32
      %sub3A_174 = arith.constant 2 : i32
      %sub3A_175 = arith.subi %add3A_171, %sub3A_174 : i32
      %sub3A_176 = arith.constant 3 : i32
      %sub3A_177 = arith.subi %add3A_171, %sub3A_176 : i32
      %ge3A_178 = arith.constant 0 : i32
      %ge3A_179 = arith.cmpi sge, %sub3A_175, %ge3A_178 : i32
      %lt3A_180 = arith.constant 80 : i32
      %lt3A_181 = arith.cmpi slt, %sub3A_175, %lt3A_180 : i32
      %and3A_182 = arith.andi %ge3A_179, %lt3A_181 : i1
      %convert_element_type3A_183 = arith.extui %and3A_182 : i1 to i32
      %cond3A_184 = arith.constant 0 : i32
      %cond3A_185 = arith.cmpi ne, %convert_element_type3A_183, %cond3A_184 : i32
      scf.if %cond3A_185 {
        %mul3A_559 = arith.constant 163840 : i32
        %mul3A_560 = arith.muli %arg0, %mul3A_559 : i32
        %mul3A_561 = arith.constant 10240 : i32
        %mul3A_562 = arith.muli %arg1, %mul3A_561 : i32
        %add3A_563 = arith.addi %mul3A_560, %mul3A_562 : i32
        %mul3A_564 = arith.constant 128 : i32
        %mul3A_565 = arith.muli %sub3A_175, %mul3A_564 : i32
        %add3A_566 = arith.addi %add3A_563, %mul3A_565 : i32
        %multiple_of3A = tpu.assume_multiple %add3A_566, 8 : i32
        %dma_wait3A_567 = arith.constant 0 : i32
        %dma_wait3A_568 = tpu.memref_slice %arg3[%multiple_of3A, %dma_wait3A_567] : memref<327680x128xf32, #tpu.memory_space<hbm>> -> memref<128x128xf32, #tpu.memory_space<hbm>>
        %dma_wait3A_569 = arith.constant 0 : i32
        %dma_wait3A_570 = tpu.memref_slice %arg3[%multiple_of3A, %dma_wait3A_569] : memref<327680x128xf32, #tpu.memory_space<hbm>> -> memref<128x128xf32, #tpu.memory_space<hbm>>
        tpu.wait_dma2 semaphore(%arg16 : memref<!tpu.dma_semaphore, #tpu.memory_space<semaphore_mem>>) src(%dma_wait3A_570 : memref<128x128xf32, #tpu.memory_space<hbm>>) dst(%arg9 : memref<128x128xf32, #tpu.memory_space<vmem>>)
        %mul3A_571 = arith.constant 163840 : i32
        %mul3A_572 = arith.muli %arg0, %mul3A_571 : i32
        %mul3A_573 = arith.constant 10240 : i32
        %mul3A_574 = arith.muli %arg1, %mul3A_573 : i32
        %add3A_575 = arith.addi %mul3A_572, %mul3A_574 : i32
        %mul3A_576 = arith.constant 128 : i32
        %mul3A_577 = arith.muli %sub3A_175, %mul3A_576 : i32
        %add3A_578 = arith.addi %add3A_575, %mul3A_577 : i32
        %dma_wait3A_579 = arith.constant 0 : i32
        %dma_wait3A_580 = arith.constant 0 : i32
        %dma_wait3A_581 = tpu.memref_slice %arg7[%dma_wait3A_579, %dma_wait3A_580] : memref<3x128xi32, #tpu.memory_space<vmem>> -> memref<1x128xi32, #tpu.memory_space<vmem>>
        %dma_wait3A_582 = tpu.memref_squeeze %dma_wait3A_581 : memref<1x128xi32, #tpu.memory_space<vmem>> -> memref<128xi32, #tpu.memory_space<vmem>>
        %dma_wait3A_583 = tpu.memref_slice %arg4[%add3A_578] : memref<327680xi32, #tpu.memory_space<hbm>> -> memref<128xi32, #tpu.memory_space<hbm>>
        %dma_wait3A_584 = arith.constant 0 : i32
        %dma_wait3A_585 = tpu.memref_slice %arg7[%dma_wait3A_579, %dma_wait3A_584] : memref<3x128xi32, #tpu.memory_space<vmem>> -> memref<1x128xi32, #tpu.memory_space<vmem>>
        %dma_wait3A_586 = tpu.memref_squeeze %dma_wait3A_585 : memref<1x128xi32, #tpu.memory_space<vmem>> -> memref<128xi32, #tpu.memory_space<vmem>>
        %dma_wait3A_587 = tpu.memref_slice %arg4[%add3A_578] : memref<327680xi32, #tpu.memory_space<hbm>> -> memref<128xi32, #tpu.memory_space<hbm>>
        tpu.wait_dma2 semaphore(%arg13 : memref<!tpu.dma_semaphore, #tpu.memory_space<semaphore_mem>>) src(%dma_wait3A_587 : memref<128xi32, #tpu.memory_space<hbm>>) dst(%dma_wait3A_586 : memref<128xi32, #tpu.memory_space<vmem>>)
        %dma_start3A = arith.constant 0 : i32
        %dma_start3A_588 = arith.constant 0 : i32
        %dma_start3A_589 = tpu.memref_slice %arg7[%dma_start3A, %dma_start3A_588] : memref<3x128xi32, #tpu.memory_space<vmem>> -> memref<1x128xi32, #tpu.memory_space<vmem>>
        %dma_start3A_590 = tpu.memref_squeeze %dma_start3A_589 : memref<1x128xi32, #tpu.memory_space<vmem>> -> memref<128xi32, #tpu.memory_space<vmem>>
        %dma_start3A_591 = arith.constant 0 : i32
        %dma_start3A_592 = arith.constant 0 : i32
        %dma_start3A_593 = tpu.memref_slice %arg2[%dma_start3A_591, %dma_start3A_592] : memref<20000x128xf32, #tpu.memory_space<hbm>> -> memref<20000x128xf32, #tpu.memory_space<hbm>>
        tpu.enqueue_indirect_dma source(%dma_start3A_593 : memref<20000x128xf32, #tpu.memory_space<hbm>>) target(%arg9 : memref<128x128xf32, #tpu.memory_space<vmem>>) offsets(%dma_start3A_590 : memref<128xi32, #tpu.memory_space<vmem>>) semaphore(%arg19 : memref<!tpu.dma_semaphore, #tpu.memory_space<semaphore_mem>>) {add = true}
      } else {
      }
      %ge3A_186 = arith.constant 0 : i32
      %ge3A_187 = arith.cmpi sge, %sub3A_177, %ge3A_186 : i32
      %lt3A_188 = arith.constant 80 : i32
      %lt3A_189 = arith.cmpi slt, %sub3A_177, %lt3A_188 : i32
      %and3A_190 = arith.andi %ge3A_187, %lt3A_189 : i1
      %convert_element_type3A_191 = arith.extui %and3A_190 : i1 to i32
      %cond3A_192 = arith.constant 0 : i32
      %cond3A_193 = arith.cmpi ne, %convert_element_type3A_191, %cond3A_192 : i32
      scf.if %cond3A_193 {
        %dma_wait3A_559 = arith.constant 2 : i32
        %dma_wait3A_560 = arith.constant 0 : i32
        %dma_wait3A_561 = tpu.memref_slice %arg7[%dma_wait3A_559, %dma_wait3A_560] : memref<3x128xi32, #tpu.memory_space<vmem>> -> memref<1x128xi32, #tpu.memory_space<vmem>>
        %dma_wait3A_562 = tpu.memref_squeeze %dma_wait3A_561 : memref<1x128xi32, #tpu.memory_space<vmem>> -> memref<128xi32, #tpu.memory_space<vmem>>
        %dma_wait3A_563 = arith.constant 0 : i32
        %dma_wait3A_564 = arith.constant 0 : i32
        %dma_wait3A_565 = tpu.memref_slice %arg2[%dma_wait3A_563, %dma_wait3A_564] : memref<20000x128xf32, #tpu.memory_space<hbm>> -> memref<20000x128xf32, #tpu.memory_space<hbm>>
        tpu.wait_indirect_dma semaphore(%arg21 : memref<!tpu.dma_semaphore, #tpu.memory_space<semaphore_mem>>) src(%dma_wait3A_565 : memref<20000x128xf32, #tpu.memory_space<hbm>>) dst(%arg11 : memref<128x128xf32, #tpu.memory_space<vmem>>)
        %mul3A_566 = arith.constant 10240 : i32
        %mul3A_567 = arith.muli %arg1, %mul3A_566 : i32
        %mul3A_568 = arith.constant 128 : i32
        %mul3A_569 = arith.muli %sub3A_177, %mul3A_568 : i32
        %add3A_570 = arith.addi %mul3A_567, %mul3A_569 : i32
        %dma_wait3A_571 = arith.constant 3 : i32
        %dma_wait3A_572 = arith.constant 0 : i32
        %dma_wait3A_573 = tpu.memref_slice %arg8[%dma_wait3A_571, %dma_wait3A_572] : memref<4x128xi32, #tpu.memory_space<vmem>> -> memref<1x128xi32, #tpu.memory_space<vmem>>
        %dma_wait3A_574 = tpu.memref_squeeze %dma_wait3A_573 : memref<1x128xi32, #tpu.memory_space<vmem>> -> memref<128xi32, #tpu.memory_space<vmem>>
        %dma_wait3A_575 = tpu.memref_slice %arg5[%add3A_570] : memref<163840xi32, #tpu.memory_space<hbm>> -> memref<128xi32, #tpu.memory_space<hbm>>
        %dma_wait3A_576 = arith.constant 0 : i32
        %dma_wait3A_577 = tpu.memref_slice %arg8[%dma_wait3A_571, %dma_wait3A_576] : memref<4x128xi32, #tpu.memory_space<vmem>> -> memref<1x128xi32, #tpu.memory_space<vmem>>
        %dma_wait3A_578 = tpu.memref_squeeze %dma_wait3A_577 : memref<1x128xi32, #tpu.memory_space<vmem>> -> memref<128xi32, #tpu.memory_space<vmem>>
        %dma_wait3A_579 = tpu.memref_slice %arg5[%add3A_570] : memref<163840xi32, #tpu.memory_space<hbm>> -> memref<128xi32, #tpu.memory_space<hbm>>
        tpu.wait_dma2 semaphore(%arg25 : memref<!tpu.dma_semaphore, #tpu.memory_space<semaphore_mem>>) src(%dma_wait3A_579 : memref<128xi32, #tpu.memory_space<hbm>>) dst(%dma_wait3A_578 : memref<128xi32, #tpu.memory_space<vmem>>)
        %scan3A_580 = arith.constant 0 : i32
        %scan3A_581 = arith.constant 0 : i32
        %scan3A_582 = arith.constant 0 : i32
        %scan3A_583 = arith.addi %scan3A_581, %scan3A_582 : i32
        %scan3A_584 = arith.constant 0 : i32
        %dma_start3A = arith.constant 3 : i32
        %dma_start3A_585 = arith.constant 0 : i32
        %dma_start3A_586 = tpu.memref_slice %arg8[%dma_start3A, %dma_start3A_585] : memref<4x128xi32, #tpu.memory_space<vmem>> -> memref<1x128xi32, #tpu.memory_space<vmem>>
        %dma_start3A_587 = tpu.memref_squeeze %dma_start3A_586 : memref<1x128xi32, #tpu.memory_space<vmem>> -> memref<128xi32, #tpu.memory_space<vmem>>
        %dma_start3A_588 = arith.constant 0 : i32
        %dma_start3A_589 = arith.constant 0 : i32
        %dma_start3A_590 = tpu.memref_slice %arg12[%dma_start3A_588, %dma_start3A_589] : memref<10112x128xf32, #tpu.memory_space<vmem_shared>> -> memref<10112x128xf32, #tpu.memory_space<vmem_shared>>
        tpu.enqueue_indirect_dma source(%arg11 : memref<128x128xf32, #tpu.memory_space<vmem>>) target(%dma_start3A_590 : memref<10112x128xf32, #tpu.memory_space<vmem_shared>>) offsets(%dma_start3A_587 : memref<128xi32, #tpu.memory_space<vmem>>) semaphore(%arg29 : memref<!tpu.dma_semaphore, #tpu.memory_space<semaphore_mem>>) {add = true}
      } else {
      }
      %lt3A_194 = arith.constant 80 : i32
      %lt3A_195 = arith.cmpi slt, %add3A_171, %lt3A_194 : i32
      %convert_element_type3A_196 = arith.extui %lt3A_195 : i1 to i32
      %cond3A_197 = arith.constant 0 : i32
      %cond3A_198 = arith.cmpi ne, %convert_element_type3A_196, %cond3A_197 : i32
      scf.if %cond3A_198 {
        %ge3A_559 = arith.constant 4 : i32
        %ge3A_560 = arith.cmpi sge, %add3A_171, %ge3A_559 : i32
        %convert_element_type3A_561 = arith.extui %ge3A_560 : i1 to i32
        %cond3A_562 = arith.constant 0 : i32
        %cond3A_563 = arith.cmpi ne, %convert_element_type3A_561, %cond3A_562 : i32
        scf.if %cond3A_563 {
          %dma_wait3A_594 = arith.constant 2 : i32
          %dma_wait3A_595 = arith.constant 0 : i32
          %dma_wait3A_596 = tpu.memref_slice %arg8[%dma_wait3A_594, %dma_wait3A_595] : memref<4x128xi32, #tpu.memory_space<vmem>> -> memref<1x128xi32, #tpu.memory_space<vmem>>
          %dma_wait3A_597 = tpu.memref_squeeze %dma_wait3A_596 : memref<1x128xi32, #tpu.memory_space<vmem>> -> memref<128xi32, #tpu.memory_space<vmem>>
          %dma_wait3A_598 = arith.constant 0 : i32
          %dma_wait3A_599 = arith.constant 0 : i32
          %dma_wait3A_600 = tpu.memref_slice %arg12[%dma_wait3A_598, %dma_wait3A_599] : memref<10112x128xf32, #tpu.memory_space<vmem_shared>> -> memref<10112x128xf32, #tpu.memory_space<vmem_shared>>
          tpu.wait_indirect_dma semaphore(%arg28 : memref<!tpu.dma_semaphore, #tpu.memory_space<semaphore_mem>>) src(%arg10 : memref<128x128xf32, #tpu.memory_space<vmem>>) dst(%dma_wait3A_600 : memref<10112x128xf32, #tpu.memory_space<vmem_shared>>)
        } else {
        }
        %mul3A_564 = arith.constant 163840 : i32
        %mul3A_565 = arith.muli %arg0, %mul3A_564 : i32
        %mul3A_566 = arith.constant 10240 : i32
        %mul3A_567 = arith.muli %arg1, %mul3A_566 : i32
        %add3A_568 = arith.addi %mul3A_565, %mul3A_567 : i32
        %mul3A_569 = arith.constant 128 : i32
        %mul3A_570 = arith.muli %add3A_171, %mul3A_569 : i32
        %add3A_571 = arith.addi %add3A_568, %mul3A_570 : i32
        %dma_start3A = arith.constant 2 : i32
        %dma_start3A_572 = arith.constant 0 : i32
        %dma_start3A_573 = tpu.memref_slice %arg7[%dma_start3A, %dma_start3A_572] : memref<3x128xi32, #tpu.memory_space<vmem>> -> memref<1x128xi32, #tpu.memory_space<vmem>>
        %dma_start3A_574 = tpu.memref_squeeze %dma_start3A_573 : memref<1x128xi32, #tpu.memory_space<vmem>> -> memref<128xi32, #tpu.memory_space<vmem>>
        %dma_start3A_575 = tpu.memref_slice %arg4[%add3A_571] : memref<327680xi32, #tpu.memory_space<hbm>> -> memref<128xi32, #tpu.memory_space<hbm>>
        %dma_start3A_576 = arith.constant 0 : i32
        %dma_start3A_577 = tpu.memref_slice %arg7[%dma_start3A, %dma_start3A_576] : memref<3x128xi32, #tpu.memory_space<vmem>> -> memref<1x128xi32, #tpu.memory_space<vmem>>
        %dma_start3A_578 = tpu.memref_squeeze %dma_start3A_577 : memref<1x128xi32, #tpu.memory_space<vmem>> -> memref<128xi32, #tpu.memory_space<vmem>>
        %dma_start3A_579 = tpu.memref_slice %arg4[%add3A_571] : memref<327680xi32, #tpu.memory_space<hbm>> -> memref<128xi32, #tpu.memory_space<hbm>>
        tpu.enqueue_dma source(%dma_start3A_579 : memref<128xi32, #tpu.memory_space<hbm>>) target(%dma_start3A_578 : memref<128xi32, #tpu.memory_space<vmem>>) target_semaphore(%arg15 : memref<!tpu.dma_semaphore, #tpu.memory_space<semaphore_mem>>)
        %mul3A_580 = arith.constant 10240 : i32
        %mul3A_581 = arith.muli %arg1, %mul3A_580 : i32
        %mul3A_582 = arith.constant 128 : i32
        %mul3A_583 = arith.muli %add3A_171, %mul3A_582 : i32
        %add3A_584 = arith.addi %mul3A_581, %mul3A_583 : i32
        %dma_start3A_585 = arith.constant 2 : i32
        %dma_start3A_586 = arith.constant 0 : i32
        %dma_start3A_587 = tpu.memref_slice %arg8[%dma_start3A_585, %dma_start3A_586] : memref<4x128xi32, #tpu.memory_space<vmem>> -> memref<1x128xi32, #tpu.memory_space<vmem>>
        %dma_start3A_588 = tpu.memref_squeeze %dma_start3A_587 : memref<1x128xi32, #tpu.memory_space<vmem>> -> memref<128xi32, #tpu.memory_space<vmem>>
        %dma_start3A_589 = tpu.memref_slice %arg5[%add3A_584] : memref<163840xi32, #tpu.memory_space<hbm>> -> memref<128xi32, #tpu.memory_space<hbm>>
        %dma_start3A_590 = arith.constant 0 : i32
        %dma_start3A_591 = tpu.memref_slice %arg8[%dma_start3A_585, %dma_start3A_590] : memref<4x128xi32, #tpu.memory_space<vmem>> -> memref<1x128xi32, #tpu.memory_space<vmem>>
        %dma_start3A_592 = tpu.memref_squeeze %dma_start3A_591 : memref<1x128xi32, #tpu.memory_space<vmem>> -> memref<128xi32, #tpu.memory_space<vmem>>
        %dma_start3A_593 = tpu.memref_slice %arg5[%add3A_584] : memref<163840xi32, #tpu.memory_space<hbm>> -> memref<128xi32, #tpu.memory_space<hbm>>
        tpu.enqueue_dma source(%dma_start3A_593 : memref<128xi32, #tpu.memory_space<hbm>>) target(%dma_start3A_592 : memref<128xi32, #tpu.memory_space<vmem>>) target_semaphore(%arg24 : memref<!tpu.dma_semaphore, #tpu.memory_space<semaphore_mem>>)
      } else {
      }
      %ge3A_199 = arith.constant 0 : i32
      %ge3A_200 = arith.cmpi sge, %sub3A_173, %ge3A_199 : i32
      %lt3A_201 = arith.constant 80 : i32
      %lt3A_202 = arith.cmpi slt, %sub3A_173, %lt3A_201 : i32
      %and3A_203 = arith.andi %ge3A_200, %lt3A_202 : i1
      %convert_element_type3A_204 = arith.extui %and3A_203 : i1 to i32
      %cond3A_205 = arith.constant 0 : i32
      %cond3A_206 = arith.cmpi ne, %convert_element_type3A_204, %cond3A_205 : i32
      scf.if %cond3A_206 {
        %mul3A_559 = arith.constant 163840 : i32
        %mul3A_560 = arith.muli %arg0, %mul3A_559 : i32
        %mul3A_561 = arith.constant 10240 : i32
        %mul3A_562 = arith.muli %arg1, %mul3A_561 : i32
        %add3A_563 = arith.addi %mul3A_560, %mul3A_562 : i32
        %mul3A_564 = arith.constant 128 : i32
        %mul3A_565 = arith.muli %sub3A_173, %mul3A_564 : i32
        %add3A_566 = arith.addi %add3A_563, %mul3A_565 : i32
        %multiple_of3A = tpu.assume_multiple %add3A_566, 8 : i32
        %dma_start3A = arith.constant 0 : i32
        %dma_start3A_567 = tpu.memref_slice %arg3[%multiple_of3A, %dma_start3A] : memref<327680x128xf32, #tpu.memory_space<hbm>> -> memref<128x128xf32, #tpu.memory_space<hbm>>
        %dma_start3A_568 = arith.constant 0 : i32
        %dma_start3A_569 = tpu.memref_slice %arg3[%multiple_of3A, %dma_start3A_568] : memref<327680x128xf32, #tpu.memory_space<hbm>> -> memref<128x128xf32, #tpu.memory_space<hbm>>
        tpu.enqueue_dma source(%dma_start3A_569 : memref<128x128xf32, #tpu.memory_space<hbm>>) target(%arg10 : memref<128x128xf32, #tpu.memory_space<vmem>>) target_semaphore(%arg17 : memref<!tpu.dma_semaphore, #tpu.memory_space<semaphore_mem>>)
      } else {
      }
      %mul3A_207 = arith.constant 12 : i32
      %mul3A_208 = arith.muli %scan3A_94, %mul3A_207 : i32
      %add3A_209 = arith.constant 3 : i32
      %add3A_210 = arith.addi %mul3A_208, %add3A_209 : i32
      %sub3A_211 = arith.constant 1 : i32
      %sub3A_212 = arith.subi %add3A_210, %sub3A_211 : i32
      %sub3A_213 = arith.constant 2 : i32
      %sub3A_214 = arith.subi %add3A_210, %sub3A_213 : i32
      %sub3A_215 = arith.constant 3 : i32
      %sub3A_216 = arith.subi %add3A_210, %sub3A_215 : i32
      %ge3A_217 = arith.constant 0 : i32
      %ge3A_218 = arith.cmpi sge, %sub3A_214, %ge3A_217 : i32
      %lt3A_219 = arith.constant 80 : i32
      %lt3A_220 = arith.cmpi slt, %sub3A_214, %lt3A_219 : i32
      %and3A_221 = arith.andi %ge3A_218, %lt3A_220 : i1
      %convert_element_type3A_222 = arith.extui %and3A_221 : i1 to i32
      %cond3A_223 = arith.constant 0 : i32
      %cond3A_224 = arith.cmpi ne, %convert_element_type3A_222, %cond3A_223 : i32
      scf.if %cond3A_224 {
        %mul3A_559 = arith.constant 163840 : i32
        %mul3A_560 = arith.muli %arg0, %mul3A_559 : i32
        %mul3A_561 = arith.constant 10240 : i32
        %mul3A_562 = arith.muli %arg1, %mul3A_561 : i32
        %add3A_563 = arith.addi %mul3A_560, %mul3A_562 : i32
        %mul3A_564 = arith.constant 128 : i32
        %mul3A_565 = arith.muli %sub3A_214, %mul3A_564 : i32
        %add3A_566 = arith.addi %add3A_563, %mul3A_565 : i32
        %multiple_of3A = tpu.assume_multiple %add3A_566, 8 : i32
        %dma_wait3A_567 = arith.constant 0 : i32
        %dma_wait3A_568 = tpu.memref_slice %arg3[%multiple_of3A, %dma_wait3A_567] : memref<327680x128xf32, #tpu.memory_space<hbm>> -> memref<128x128xf32, #tpu.memory_space<hbm>>
        %dma_wait3A_569 = arith.constant 0 : i32
        %dma_wait3A_570 = tpu.memref_slice %arg3[%multiple_of3A, %dma_wait3A_569] : memref<327680x128xf32, #tpu.memory_space<hbm>> -> memref<128x128xf32, #tpu.memory_space<hbm>>
        tpu.wait_dma2 semaphore(%arg17 : memref<!tpu.dma_semaphore, #tpu.memory_space<semaphore_mem>>) src(%dma_wait3A_570 : memref<128x128xf32, #tpu.memory_space<hbm>>) dst(%arg10 : memref<128x128xf32, #tpu.memory_space<vmem>>)
        %mul3A_571 = arith.constant 163840 : i32
        %mul3A_572 = arith.muli %arg0, %mul3A_571 : i32
        %mul3A_573 = arith.constant 10240 : i32
        %mul3A_574 = arith.muli %arg1, %mul3A_573 : i32
        %add3A_575 = arith.addi %mul3A_572, %mul3A_574 : i32
        %mul3A_576 = arith.constant 128 : i32
        %mul3A_577 = arith.muli %sub3A_214, %mul3A_576 : i32
        %add3A_578 = arith.addi %add3A_575, %mul3A_577 : i32
        %dma_wait3A_579 = arith.constant 1 : i32
        %dma_wait3A_580 = arith.constant 0 : i32
        %dma_wait3A_581 = tpu.memref_slice %arg7[%dma_wait3A_579, %dma_wait3A_580] : memref<3x128xi32, #tpu.memory_space<vmem>> -> memref<1x128xi32, #tpu.memory_space<vmem>>
        %dma_wait3A_582 = tpu.memref_squeeze %dma_wait3A_581 : memref<1x128xi32, #tpu.memory_space<vmem>> -> memref<128xi32, #tpu.memory_space<vmem>>
        %dma_wait3A_583 = tpu.memref_slice %arg4[%add3A_578] : memref<327680xi32, #tpu.memory_space<hbm>> -> memref<128xi32, #tpu.memory_space<hbm>>
        %dma_wait3A_584 = arith.constant 0 : i32
        %dma_wait3A_585 = tpu.memref_slice %arg7[%dma_wait3A_579, %dma_wait3A_584] : memref<3x128xi32, #tpu.memory_space<vmem>> -> memref<1x128xi32, #tpu.memory_space<vmem>>
        %dma_wait3A_586 = tpu.memref_squeeze %dma_wait3A_585 : memref<1x128xi32, #tpu.memory_space<vmem>> -> memref<128xi32, #tpu.memory_space<vmem>>
        %dma_wait3A_587 = tpu.memref_slice %arg4[%add3A_578] : memref<327680xi32, #tpu.memory_space<hbm>> -> memref<128xi32, #tpu.memory_space<hbm>>
        tpu.wait_dma2 semaphore(%arg14 : memref<!tpu.dma_semaphore, #tpu.memory_space<semaphore_mem>>) src(%dma_wait3A_587 : memref<128xi32, #tpu.memory_space<hbm>>) dst(%dma_wait3A_586 : memref<128xi32, #tpu.memory_space<vmem>>)
        %dma_start3A = arith.constant 1 : i32
        %dma_start3A_588 = arith.constant 0 : i32
        %dma_start3A_589 = tpu.memref_slice %arg7[%dma_start3A, %dma_start3A_588] : memref<3x128xi32, #tpu.memory_space<vmem>> -> memref<1x128xi32, #tpu.memory_space<vmem>>
        %dma_start3A_590 = tpu.memref_squeeze %dma_start3A_589 : memref<1x128xi32, #tpu.memory_space<vmem>> -> memref<128xi32, #tpu.memory_space<vmem>>
        %dma_start3A_591 = arith.constant 0 : i32
        %dma_start3A_592 = arith.constant 0 : i32
        %dma_start3A_593 = tpu.memref_slice %arg2[%dma_start3A_591, %dma_start3A_592] : memref<20000x128xf32, #tpu.memory_space<hbm>> -> memref<20000x128xf32, #tpu.memory_space<hbm>>
        tpu.enqueue_indirect_dma source(%dma_start3A_593 : memref<20000x128xf32, #tpu.memory_space<hbm>>) target(%arg10 : memref<128x128xf32, #tpu.memory_space<vmem>>) offsets(%dma_start3A_590 : memref<128xi32, #tpu.memory_space<vmem>>) semaphore(%arg20 : memref<!tpu.dma_semaphore, #tpu.memory_space<semaphore_mem>>) {add = true}
      } else {
      }
      %ge3A_225 = arith.constant 0 : i32
      %ge3A_226 = arith.cmpi sge, %sub3A_216, %ge3A_225 : i32
      %lt3A_227 = arith.constant 80 : i32
      %lt3A_228 = arith.cmpi slt, %sub3A_216, %lt3A_227 : i32
      %and3A_229 = arith.andi %ge3A_226, %lt3A_228 : i1
      %convert_element_type3A_230 = arith.extui %and3A_229 : i1 to i32
      %cond3A_231 = arith.constant 0 : i32
      %cond3A_232 = arith.cmpi ne, %convert_element_type3A_230, %cond3A_231 : i32
      scf.if %cond3A_232 {
        %dma_wait3A_559 = arith.constant 0 : i32
        %dma_wait3A_560 = arith.constant 0 : i32
        %dma_wait3A_561 = tpu.memref_slice %arg7[%dma_wait3A_559, %dma_wait3A_560] : memref<3x128xi32, #tpu.memory_space<vmem>> -> memref<1x128xi32, #tpu.memory_space<vmem>>
        %dma_wait3A_562 = tpu.memref_squeeze %dma_wait3A_561 : memref<1x128xi32, #tpu.memory_space<vmem>> -> memref<128xi32, #tpu.memory_space<vmem>>
        %dma_wait3A_563 = arith.constant 0 : i32
        %dma_wait3A_564 = arith.constant 0 : i32
        %dma_wait3A_565 = tpu.memref_slice %arg2[%dma_wait3A_563, %dma_wait3A_564] : memref<20000x128xf32, #tpu.memory_space<hbm>> -> memref<20000x128xf32, #tpu.memory_space<hbm>>
        tpu.wait_indirect_dma semaphore(%arg19 : memref<!tpu.dma_semaphore, #tpu.memory_space<semaphore_mem>>) src(%dma_wait3A_565 : memref<20000x128xf32, #tpu.memory_space<hbm>>) dst(%arg9 : memref<128x128xf32, #tpu.memory_space<vmem>>)
        %mul3A_566 = arith.constant 10240 : i32
        %mul3A_567 = arith.muli %arg1, %mul3A_566 : i32
        %mul3A_568 = arith.constant 128 : i32
        %mul3A_569 = arith.muli %sub3A_216, %mul3A_568 : i32
        %add3A_570 = arith.addi %mul3A_567, %mul3A_569 : i32
        %dma_wait3A_571 = arith.constant 0 : i32
        %dma_wait3A_572 = arith.constant 0 : i32
        %dma_wait3A_573 = tpu.memref_slice %arg8[%dma_wait3A_571, %dma_wait3A_572] : memref<4x128xi32, #tpu.memory_space<vmem>> -> memref<1x128xi32, #tpu.memory_space<vmem>>
        %dma_wait3A_574 = tpu.memref_squeeze %dma_wait3A_573 : memref<1x128xi32, #tpu.memory_space<vmem>> -> memref<128xi32, #tpu.memory_space<vmem>>
        %dma_wait3A_575 = tpu.memref_slice %arg5[%add3A_570] : memref<163840xi32, #tpu.memory_space<hbm>> -> memref<128xi32, #tpu.memory_space<hbm>>
        %dma_wait3A_576 = arith.constant 0 : i32
        %dma_wait3A_577 = tpu.memref_slice %arg8[%dma_wait3A_571, %dma_wait3A_576] : memref<4x128xi32, #tpu.memory_space<vmem>> -> memref<1x128xi32, #tpu.memory_space<vmem>>
        %dma_wait3A_578 = tpu.memref_squeeze %dma_wait3A_577 : memref<1x128xi32, #tpu.memory_space<vmem>> -> memref<128xi32, #tpu.memory_space<vmem>>
        %dma_wait3A_579 = tpu.memref_slice %arg5[%add3A_570] : memref<163840xi32, #tpu.memory_space<hbm>> -> memref<128xi32, #tpu.memory_space<hbm>>
        tpu.wait_dma2 semaphore(%arg22 : memref<!tpu.dma_semaphore, #tpu.memory_space<semaphore_mem>>) src(%dma_wait3A_579 : memref<128xi32, #tpu.memory_space<hbm>>) dst(%dma_wait3A_578 : memref<128xi32, #tpu.memory_space<vmem>>)
        %scan3A_580 = arith.constant 0 : i32
        %scan3A_581 = arith.constant 0 : i32
        %scan3A_582 = arith.constant 0 : i32
        %scan3A_583 = arith.addi %scan3A_581, %scan3A_582 : i32
        %scan3A_584 = arith.constant 0 : i32
        %dma_start3A = arith.constant 0 : i32
        %dma_start3A_585 = arith.constant 0 : i32
        %dma_start3A_586 = tpu.memref_slice %arg8[%dma_start3A, %dma_start3A_585] : memref<4x128xi32, #tpu.memory_space<vmem>> -> memref<1x128xi32, #tpu.memory_space<vmem>>
        %dma_start3A_587 = tpu.memref_squeeze %dma_start3A_586 : memref<1x128xi32, #tpu.memory_space<vmem>> -> memref<128xi32, #tpu.memory_space<vmem>>
        %dma_start3A_588 = arith.constant 0 : i32
        %dma_start3A_589 = arith.constant 0 : i32
        %dma_start3A_590 = tpu.memref_slice %arg12[%dma_start3A_588, %dma_start3A_589] : memref<10112x128xf32, #tpu.memory_space<vmem_shared>> -> memref<10112x128xf32, #tpu.memory_space<vmem_shared>>
        tpu.enqueue_indirect_dma source(%arg9 : memref<128x128xf32, #tpu.memory_space<vmem>>) target(%dma_start3A_590 : memref<10112x128xf32, #tpu.memory_space<vmem_shared>>) offsets(%dma_start3A_587 : memref<128xi32, #tpu.memory_space<vmem>>) semaphore(%arg26 : memref<!tpu.dma_semaphore, #tpu.memory_space<semaphore_mem>>) {add = true}
      } else {
      }
      %lt3A_233 = arith.constant 80 : i32
      %lt3A_234 = arith.cmpi slt, %add3A_210, %lt3A_233 : i32
      %convert_element_type3A_235 = arith.extui %lt3A_234 : i1 to i32
      %cond3A_236 = arith.constant 0 : i32
      %cond3A_237 = arith.cmpi ne, %convert_element_type3A_235, %cond3A_236 : i32
      scf.if %cond3A_237 {
        %ge3A_559 = arith.constant 4 : i32
        %ge3A_560 = arith.cmpi sge, %add3A_210, %ge3A_559 : i32
        %convert_element_type3A_561 = arith.extui %ge3A_560 : i1 to i32
        %cond3A_562 = arith.constant 0 : i32
        %cond3A_563 = arith.cmpi ne, %convert_element_type3A_561, %cond3A_562 : i32
        scf.if %cond3A_563 {
          %dma_wait3A_594 = arith.constant 3 : i32
          %dma_wait3A_595 = arith.constant 0 : i32
          %dma_wait3A_596 = tpu.memref_slice %arg8[%dma_wait3A_594, %dma_wait3A_595] : memref<4x128xi32, #tpu.memory_space<vmem>> -> memref<1x128xi32, #tpu.memory_space<vmem>>
          %dma_wait3A_597 = tpu.memref_squeeze %dma_wait3A_596 : memref<1x128xi32, #tpu.memory_space<vmem>> -> memref<128xi32, #tpu.memory_space<vmem>>
          %dma_wait3A_598 = arith.constant 0 : i32
          %dma_wait3A_599 = arith.constant 0 : i32
          %dma_wait3A_600 = tpu.memref_slice %arg12[%dma_wait3A_598, %dma_wait3A_599] : memref<10112x128xf32, #tpu.memory_space<vmem_shared>> -> memref<10112x128xf32, #tpu.memory_space<vmem_shared>>
          tpu.wait_indirect_dma semaphore(%arg29 : memref<!tpu.dma_semaphore, #tpu.memory_space<semaphore_mem>>) src(%arg11 : memref<128x128xf32, #tpu.memory_space<vmem>>) dst(%dma_wait3A_600 : memref<10112x128xf32, #tpu.memory_space<vmem_shared>>)
        } else {
        }
        %mul3A_564 = arith.constant 163840 : i32
        %mul3A_565 = arith.muli %arg0, %mul3A_564 : i32
        %mul3A_566 = arith.constant 10240 : i32
        %mul3A_567 = arith.muli %arg1, %mul3A_566 : i32
        %add3A_568 = arith.addi %mul3A_565, %mul3A_567 : i32
        %mul3A_569 = arith.constant 128 : i32
        %mul3A_570 = arith.muli %add3A_210, %mul3A_569 : i32
        %add3A_571 = arith.addi %add3A_568, %mul3A_570 : i32
        %dma_start3A = arith.constant 0 : i32
        %dma_start3A_572 = arith.constant 0 : i32
        %dma_start3A_573 = tpu.memref_slice %arg7[%dma_start3A, %dma_start3A_572] : memref<3x128xi32, #tpu.memory_space<vmem>> -> memref<1x128xi32, #tpu.memory_space<vmem>>
        %dma_start3A_574 = tpu.memref_squeeze %dma_start3A_573 : memref<1x128xi32, #tpu.memory_space<vmem>> -> memref<128xi32, #tpu.memory_space<vmem>>
        %dma_start3A_575 = tpu.memref_slice %arg4[%add3A_571] : memref<327680xi32, #tpu.memory_space<hbm>> -> memref<128xi32, #tpu.memory_space<hbm>>
        %dma_start3A_576 = arith.constant 0 : i32
        %dma_start3A_577 = tpu.memref_slice %arg7[%dma_start3A, %dma_start3A_576] : memref<3x128xi32, #tpu.memory_space<vmem>> -> memref<1x128xi32, #tpu.memory_space<vmem>>
        %dma_start3A_578 = tpu.memref_squeeze %dma_start3A_577 : memref<1x128xi32, #tpu.memory_space<vmem>> -> memref<128xi32, #tpu.memory_space<vmem>>
        %dma_start3A_579 = tpu.memref_slice %arg4[%add3A_571] : memref<327680xi32, #tpu.memory_space<hbm>> -> memref<128xi32, #tpu.memory_space<hbm>>
        tpu.enqueue_dma source(%dma_start3A_579 : memref<128xi32, #tpu.memory_space<hbm>>) target(%dma_start3A_578 : memref<128xi32, #tpu.memory_space<vmem>>) target_semaphore(%arg13 : memref<!tpu.dma_semaphore, #tpu.memory_space<semaphore_mem>>)
        %mul3A_580 = arith.constant 10240 : i32
        %mul3A_581 = arith.muli %arg1, %mul3A_580 : i32
        %mul3A_582 = arith.constant 128 : i32
        %mul3A_583 = arith.muli %add3A_210, %mul3A_582 : i32
        %add3A_584 = arith.addi %mul3A_581, %mul3A_583 : i32
        %dma_start3A_585 = arith.constant 3 : i32
        %dma_start3A_586 = arith.constant 0 : i32
        %dma_start3A_587 = tpu.memref_slice %arg8[%dma_start3A_585, %dma_start3A_586] : memref<4x128xi32, #tpu.memory_space<vmem>> -> memref<1x128xi32, #tpu.memory_space<vmem>>
        %dma_start3A_588 = tpu.memref_squeeze %dma_start3A_587 : memref<1x128xi32, #tpu.memory_space<vmem>> -> memref<128xi32, #tpu.memory_space<vmem>>
        %dma_start3A_589 = tpu.memref_slice %arg5[%add3A_584] : memref<163840xi32, #tpu.memory_space<hbm>> -> memref<128xi32, #tpu.memory_space<hbm>>
        %dma_start3A_590 = arith.constant 0 : i32
        %dma_start3A_591 = tpu.memref_slice %arg8[%dma_start3A_585, %dma_start3A_590] : memref<4x128xi32, #tpu.memory_space<vmem>> -> memref<1x128xi32, #tpu.memory_space<vmem>>
        %dma_start3A_592 = tpu.memref_squeeze %dma_start3A_591 : memref<1x128xi32, #tpu.memory_space<vmem>> -> memref<128xi32, #tpu.memory_space<vmem>>
        %dma_start3A_593 = tpu.memref_slice %arg5[%add3A_584] : memref<163840xi32, #tpu.memory_space<hbm>> -> memref<128xi32, #tpu.memory_space<hbm>>
        tpu.enqueue_dma source(%dma_start3A_593 : memref<128xi32, #tpu.memory_space<hbm>>) target(%dma_start3A_592 : memref<128xi32, #tpu.memory_space<vmem>>) target_semaphore(%arg25 : memref<!tpu.dma_semaphore, #tpu.memory_space<semaphore_mem>>)
      } else {
      }
      %ge3A_238 = arith.constant 0 : i32
      %ge3A_239 = arith.cmpi sge, %sub3A_212, %ge3A_238 : i32
      %lt3A_240 = arith.constant 80 : i32
      %lt3A_241 = arith.cmpi slt, %sub3A_212, %lt3A_240 : i32
      %and3A_242 = arith.andi %ge3A_239, %lt3A_241 : i1
      %convert_element_type3A_243 = arith.extui %and3A_242 : i1 to i32
      %cond3A_244 = arith.constant 0 : i32
      %cond3A_245 = arith.cmpi ne, %convert_element_type3A_243, %cond3A_244 : i32
      scf.if %cond3A_245 {
        %mul3A_559 = arith.constant 163840 : i32
        %mul3A_560 = arith.muli %arg0, %mul3A_559 : i32
        %mul3A_561 = arith.constant 10240 : i32
        %mul3A_562 = arith.muli %arg1, %mul3A_561 : i32
        %add3A_563 = arith.addi %mul3A_560, %mul3A_562 : i32
        %mul3A_564 = arith.constant 128 : i32
        %mul3A_565 = arith.muli %sub3A_212, %mul3A_564 : i32
        %add3A_566 = arith.addi %add3A_563, %mul3A_565 : i32
        %multiple_of3A = tpu.assume_multiple %add3A_566, 8 : i32
        %dma_start3A = arith.constant 0 : i32
        %dma_start3A_567 = tpu.memref_slice %arg3[%multiple_of3A, %dma_start3A] : memref<327680x128xf32, #tpu.memory_space<hbm>> -> memref<128x128xf32, #tpu.memory_space<hbm>>
        %dma_start3A_568 = arith.constant 0 : i32
        %dma_start3A_569 = tpu.memref_slice %arg3[%multiple_of3A, %dma_start3A_568] : memref<327680x128xf32, #tpu.memory_space<hbm>> -> memref<128x128xf32, #tpu.memory_space<hbm>>
        tpu.enqueue_dma source(%dma_start3A_569 : memref<128x128xf32, #tpu.memory_space<hbm>>) target(%arg11 : memref<128x128xf32, #tpu.memory_space<vmem>>) target_semaphore(%arg18 : memref<!tpu.dma_semaphore, #tpu.memory_space<semaphore_mem>>)
      } else {
      }
      %mul3A_246 = arith.constant 12 : i32
      %mul3A_247 = arith.muli %scan3A_94, %mul3A_246 : i32
      %add3A_248 = arith.constant 4 : i32
      %add3A_249 = arith.addi %mul3A_247, %add3A_248 : i32
      %sub3A_250 = arith.constant 1 : i32
      %sub3A_251 = arith.subi %add3A_249, %sub3A_250 : i32
      %sub3A_252 = arith.constant 2 : i32
      %sub3A_253 = arith.subi %add3A_249, %sub3A_252 : i32
      %sub3A_254 = arith.constant 3 : i32
      %sub3A_255 = arith.subi %add3A_249, %sub3A_254 : i32
      %ge3A_256 = arith.constant 0 : i32
      %ge3A_257 = arith.cmpi sge, %sub3A_253, %ge3A_256 : i32
      %lt3A_258 = arith.constant 80 : i32
      %lt3A_259 = arith.cmpi slt, %sub3A_253, %lt3A_258 : i32
      %and3A_260 = arith.andi %ge3A_257, %lt3A_259 : i1
      %convert_element_type3A_261 = arith.extui %and3A_260 : i1 to i32
      %cond3A_262 = arith.constant 0 : i32
      %cond3A_263 = arith.cmpi ne, %convert_element_type3A_261, %cond3A_262 : i32
      scf.if %cond3A_263 {
        %mul3A_559 = arith.constant 163840 : i32
        %mul3A_560 = arith.muli %arg0, %mul3A_559 : i32
        %mul3A_561 = arith.constant 10240 : i32
        %mul3A_562 = arith.muli %arg1, %mul3A_561 : i32
        %add3A_563 = arith.addi %mul3A_560, %mul3A_562 : i32
        %mul3A_564 = arith.constant 128 : i32
        %mul3A_565 = arith.muli %sub3A_253, %mul3A_564 : i32
        %add3A_566 = arith.addi %add3A_563, %mul3A_565 : i32
        %multiple_of3A = tpu.assume_multiple %add3A_566, 8 : i32
        %dma_wait3A_567 = arith.constant 0 : i32
        %dma_wait3A_568 = tpu.memref_slice %arg3[%multiple_of3A, %dma_wait3A_567] : memref<327680x128xf32, #tpu.memory_space<hbm>> -> memref<128x128xf32, #tpu.memory_space<hbm>>
        %dma_wait3A_569 = arith.constant 0 : i32
        %dma_wait3A_570 = tpu.memref_slice %arg3[%multiple_of3A, %dma_wait3A_569] : memref<327680x128xf32, #tpu.memory_space<hbm>> -> memref<128x128xf32, #tpu.memory_space<hbm>>
        tpu.wait_dma2 semaphore(%arg18 : memref<!tpu.dma_semaphore, #tpu.memory_space<semaphore_mem>>) src(%dma_wait3A_570 : memref<128x128xf32, #tpu.memory_space<hbm>>) dst(%arg11 : memref<128x128xf32, #tpu.memory_space<vmem>>)
        %mul3A_571 = arith.constant 163840 : i32
        %mul3A_572 = arith.muli %arg0, %mul3A_571 : i32
        %mul3A_573 = arith.constant 10240 : i32
        %mul3A_574 = arith.muli %arg1, %mul3A_573 : i32
        %add3A_575 = arith.addi %mul3A_572, %mul3A_574 : i32
        %mul3A_576 = arith.constant 128 : i32
        %mul3A_577 = arith.muli %sub3A_253, %mul3A_576 : i32
        %add3A_578 = arith.addi %add3A_575, %mul3A_577 : i32
        %dma_wait3A_579 = arith.constant 2 : i32
        %dma_wait3A_580 = arith.constant 0 : i32
        %dma_wait3A_581 = tpu.memref_slice %arg7[%dma_wait3A_579, %dma_wait3A_580] : memref<3x128xi32, #tpu.memory_space<vmem>> -> memref<1x128xi32, #tpu.memory_space<vmem>>
        %dma_wait3A_582 = tpu.memref_squeeze %dma_wait3A_581 : memref<1x128xi32, #tpu.memory_space<vmem>> -> memref<128xi32, #tpu.memory_space<vmem>>
        %dma_wait3A_583 = tpu.memref_slice %arg4[%add3A_578] : memref<327680xi32, #tpu.memory_space<hbm>> -> memref<128xi32, #tpu.memory_space<hbm>>
        %dma_wait3A_584 = arith.constant 0 : i32
        %dma_wait3A_585 = tpu.memref_slice %arg7[%dma_wait3A_579, %dma_wait3A_584] : memref<3x128xi32, #tpu.memory_space<vmem>> -> memref<1x128xi32, #tpu.memory_space<vmem>>
        %dma_wait3A_586 = tpu.memref_squeeze %dma_wait3A_585 : memref<1x128xi32, #tpu.memory_space<vmem>> -> memref<128xi32, #tpu.memory_space<vmem>>
        %dma_wait3A_587 = tpu.memref_slice %arg4[%add3A_578] : memref<327680xi32, #tpu.memory_space<hbm>> -> memref<128xi32, #tpu.memory_space<hbm>>
        tpu.wait_dma2 semaphore(%arg15 : memref<!tpu.dma_semaphore, #tpu.memory_space<semaphore_mem>>) src(%dma_wait3A_587 : memref<128xi32, #tpu.memory_space<hbm>>) dst(%dma_wait3A_586 : memref<128xi32, #tpu.memory_space<vmem>>)
        %dma_start3A = arith.constant 2 : i32
        %dma_start3A_588 = arith.constant 0 : i32
        %dma_start3A_589 = tpu.memref_slice %arg7[%dma_start3A, %dma_start3A_588] : memref<3x128xi32, #tpu.memory_space<vmem>> -> memref<1x128xi32, #tpu.memory_space<vmem>>
        %dma_start3A_590 = tpu.memref_squeeze %dma_start3A_589 : memref<1x128xi32, #tpu.memory_space<vmem>> -> memref<128xi32, #tpu.memory_space<vmem>>
        %dma_start3A_591 = arith.constant 0 : i32
        %dma_start3A_592 = arith.constant 0 : i32
        %dma_start3A_593 = tpu.memref_slice %arg2[%dma_start3A_591, %dma_start3A_592] : memref<20000x128xf32, #tpu.memory_space<hbm>> -> memref<20000x128xf32, #tpu.memory_space<hbm>>
        tpu.enqueue_indirect_dma source(%dma_start3A_593 : memref<20000x128xf32, #tpu.memory_space<hbm>>) target(%arg11 : memref<128x128xf32, #tpu.memory_space<vmem>>) offsets(%dma_start3A_590 : memref<128xi32, #tpu.memory_space<vmem>>) semaphore(%arg21 : memref<!tpu.dma_semaphore, #tpu.memory_space<semaphore_mem>>) {add = true}
      } else {
      }
      %ge3A_264 = arith.constant 0 : i32
      %ge3A_265 = arith.cmpi sge, %sub3A_255, %ge3A_264 : i32
      %lt3A_266 = arith.constant 80 : i32
      %lt3A_267 = arith.cmpi slt, %sub3A_255, %lt3A_266 : i32
      %and3A_268 = arith.andi %ge3A_265, %lt3A_267 : i1
      %convert_element_type3A_269 = arith.extui %and3A_268 : i1 to i32
      %cond3A_270 = arith.constant 0 : i32
      %cond3A_271 = arith.cmpi ne, %convert_element_type3A_269, %cond3A_270 : i32
      scf.if %cond3A_271 {
        %dma_wait3A_559 = arith.constant 1 : i32
        %dma_wait3A_560 = arith.constant 0 : i32
        %dma_wait3A_561 = tpu.memref_slice %arg7[%dma_wait3A_559, %dma_wait3A_560] : memref<3x128xi32, #tpu.memory_space<vmem>> -> memref<1x128xi32, #tpu.memory_space<vmem>>
        %dma_wait3A_562 = tpu.memref_squeeze %dma_wait3A_561 : memref<1x128xi32, #tpu.memory_space<vmem>> -> memref<128xi32, #tpu.memory_space<vmem>>
        %dma_wait3A_563 = arith.constant 0 : i32
        %dma_wait3A_564 = arith.constant 0 : i32
        %dma_wait3A_565 = tpu.memref_slice %arg2[%dma_wait3A_563, %dma_wait3A_564] : memref<20000x128xf32, #tpu.memory_space<hbm>> -> memref<20000x128xf32, #tpu.memory_space<hbm>>
        tpu.wait_indirect_dma semaphore(%arg20 : memref<!tpu.dma_semaphore, #tpu.memory_space<semaphore_mem>>) src(%dma_wait3A_565 : memref<20000x128xf32, #tpu.memory_space<hbm>>) dst(%arg10 : memref<128x128xf32, #tpu.memory_space<vmem>>)
        %mul3A_566 = arith.constant 10240 : i32
        %mul3A_567 = arith.muli %arg1, %mul3A_566 : i32
        %mul3A_568 = arith.constant 128 : i32
        %mul3A_569 = arith.muli %sub3A_255, %mul3A_568 : i32
        %add3A_570 = arith.addi %mul3A_567, %mul3A_569 : i32
        %dma_wait3A_571 = arith.constant 1 : i32
        %dma_wait3A_572 = arith.constant 0 : i32
        %dma_wait3A_573 = tpu.memref_slice %arg8[%dma_wait3A_571, %dma_wait3A_572] : memref<4x128xi32, #tpu.memory_space<vmem>> -> memref<1x128xi32, #tpu.memory_space<vmem>>
        %dma_wait3A_574 = tpu.memref_squeeze %dma_wait3A_573 : memref<1x128xi32, #tpu.memory_space<vmem>> -> memref<128xi32, #tpu.memory_space<vmem>>
        %dma_wait3A_575 = tpu.memref_slice %arg5[%add3A_570] : memref<163840xi32, #tpu.memory_space<hbm>> -> memref<128xi32, #tpu.memory_space<hbm>>
        %dma_wait3A_576 = arith.constant 0 : i32
        %dma_wait3A_577 = tpu.memref_slice %arg8[%dma_wait3A_571, %dma_wait3A_576] : memref<4x128xi32, #tpu.memory_space<vmem>> -> memref<1x128xi32, #tpu.memory_space<vmem>>
        %dma_wait3A_578 = tpu.memref_squeeze %dma_wait3A_577 : memref<1x128xi32, #tpu.memory_space<vmem>> -> memref<128xi32, #tpu.memory_space<vmem>>
        %dma_wait3A_579 = tpu.memref_slice %arg5[%add3A_570] : memref<163840xi32, #tpu.memory_space<hbm>> -> memref<128xi32, #tpu.memory_space<hbm>>
        tpu.wait_dma2 semaphore(%arg23 : memref<!tpu.dma_semaphore, #tpu.memory_space<semaphore_mem>>) src(%dma_wait3A_579 : memref<128xi32, #tpu.memory_space<hbm>>) dst(%dma_wait3A_578 : memref<128xi32, #tpu.memory_space<vmem>>)
        %scan3A_580 = arith.constant 0 : i32
        %scan3A_581 = arith.constant 0 : i32
        %scan3A_582 = arith.constant 0 : i32
        %scan3A_583 = arith.addi %scan3A_581, %scan3A_582 : i32
        %scan3A_584 = arith.constant 0 : i32
        %dma_start3A = arith.constant 1 : i32
        %dma_start3A_585 = arith.constant 0 : i32
        %dma_start3A_586 = tpu.memref_slice %arg8[%dma_start3A, %dma_start3A_585] : memref<4x128xi32, #tpu.memory_space<vmem>> -> memref<1x128xi32, #tpu.memory_space<vmem>>
        %dma_start3A_587 = tpu.memref_squeeze %dma_start3A_586 : memref<1x128xi32, #tpu.memory_space<vmem>> -> memref<128xi32, #tpu.memory_space<vmem>>
        %dma_start3A_588 = arith.constant 0 : i32
        %dma_start3A_589 = arith.constant 0 : i32
        %dma_start3A_590 = tpu.memref_slice %arg12[%dma_start3A_588, %dma_start3A_589] : memref<10112x128xf32, #tpu.memory_space<vmem_shared>> -> memref<10112x128xf32, #tpu.memory_space<vmem_shared>>
        tpu.enqueue_indirect_dma source(%arg10 : memref<128x128xf32, #tpu.memory_space<vmem>>) target(%dma_start3A_590 : memref<10112x128xf32, #tpu.memory_space<vmem_shared>>) offsets(%dma_start3A_587 : memref<128xi32, #tpu.memory_space<vmem>>) semaphore(%arg27 : memref<!tpu.dma_semaphore, #tpu.memory_space<semaphore_mem>>) {add = true}
      } else {
      }
      %lt3A_272 = arith.constant 80 : i32
      %lt3A_273 = arith.cmpi slt, %add3A_249, %lt3A_272 : i32
      %convert_element_type3A_274 = arith.extui %lt3A_273 : i1 to i32
      %cond3A_275 = arith.constant 0 : i32
      %cond3A_276 = arith.cmpi ne, %convert_element_type3A_274, %cond3A_275 : i32
      scf.if %cond3A_276 {
        %ge3A_559 = arith.constant 4 : i32
        %ge3A_560 = arith.cmpi sge, %add3A_249, %ge3A_559 : i32
        %convert_element_type3A_561 = arith.extui %ge3A_560 : i1 to i32
        %cond3A_562 = arith.constant 0 : i32
        %cond3A_563 = arith.cmpi ne, %convert_element_type3A_561, %cond3A_562 : i32
        scf.if %cond3A_563 {
          %dma_wait3A_594 = arith.constant 0 : i32
          %dma_wait3A_595 = arith.constant 0 : i32
          %dma_wait3A_596 = tpu.memref_slice %arg8[%dma_wait3A_594, %dma_wait3A_595] : memref<4x128xi32, #tpu.memory_space<vmem>> -> memref<1x128xi32, #tpu.memory_space<vmem>>
          %dma_wait3A_597 = tpu.memref_squeeze %dma_wait3A_596 : memref<1x128xi32, #tpu.memory_space<vmem>> -> memref<128xi32, #tpu.memory_space<vmem>>
          %dma_wait3A_598 = arith.constant 0 : i32
          %dma_wait3A_599 = arith.constant 0 : i32
          %dma_wait3A_600 = tpu.memref_slice %arg12[%dma_wait3A_598, %dma_wait3A_599] : memref<10112x128xf32, #tpu.memory_space<vmem_shared>> -> memref<10112x128xf32, #tpu.memory_space<vmem_shared>>
          tpu.wait_indirect_dma semaphore(%arg26 : memref<!tpu.dma_semaphore, #tpu.memory_space<semaphore_mem>>) src(%arg9 : memref<128x128xf32, #tpu.memory_space<vmem>>) dst(%dma_wait3A_600 : memref<10112x128xf32, #tpu.memory_space<vmem_shared>>)
        } else {
        }
        %mul3A_564 = arith.constant 163840 : i32
        %mul3A_565 = arith.muli %arg0, %mul3A_564 : i32
        %mul3A_566 = arith.constant 10240 : i32
        %mul3A_567 = arith.muli %arg1, %mul3A_566 : i32
        %add3A_568 = arith.addi %mul3A_565, %mul3A_567 : i32
        %mul3A_569 = arith.constant 128 : i32
        %mul3A_570 = arith.muli %add3A_249, %mul3A_569 : i32
        %add3A_571 = arith.addi %add3A_568, %mul3A_570 : i32
        %dma_start3A = arith.constant 1 : i32
        %dma_start3A_572 = arith.constant 0 : i32
        %dma_start3A_573 = tpu.memref_slice %arg7[%dma_start3A, %dma_start3A_572] : memref<3x128xi32, #tpu.memory_space<vmem>> -> memref<1x128xi32, #tpu.memory_space<vmem>>
        %dma_start3A_574 = tpu.memref_squeeze %dma_start3A_573 : memref<1x128xi32, #tpu.memory_space<vmem>> -> memref<128xi32, #tpu.memory_space<vmem>>
        %dma_start3A_575 = tpu.memref_slice %arg4[%add3A_571] : memref<327680xi32, #tpu.memory_space<hbm>> -> memref<128xi32, #tpu.memory_space<hbm>>
        %dma_start3A_576 = arith.constant 0 : i32
        %dma_start3A_577 = tpu.memref_slice %arg7[%dma_start3A, %dma_start3A_576] : memref<3x128xi32, #tpu.memory_space<vmem>> -> memref<1x128xi32, #tpu.memory_space<vmem>>
        %dma_start3A_578 = tpu.memref_squeeze %dma_start3A_577 : memref<1x128xi32, #tpu.memory_space<vmem>> -> memref<128xi32, #tpu.memory_space<vmem>>
        %dma_start3A_579 = tpu.memref_slice %arg4[%add3A_571] : memref<327680xi32, #tpu.memory_space<hbm>> -> memref<128xi32, #tpu.memory_space<hbm>>
        tpu.enqueue_dma source(%dma_start3A_579 : memref<128xi32, #tpu.memory_space<hbm>>) target(%dma_start3A_578 : memref<128xi32, #tpu.memory_space<vmem>>) target_semaphore(%arg14 : memref<!tpu.dma_semaphore, #tpu.memory_space<semaphore_mem>>)
        %mul3A_580 = arith.constant 10240 : i32
        %mul3A_581 = arith.muli %arg1, %mul3A_580 : i32
        %mul3A_582 = arith.constant 128 : i32
        %mul3A_583 = arith.muli %add3A_249, %mul3A_582 : i32
        %add3A_584 = arith.addi %mul3A_581, %mul3A_583 : i32
        %dma_start3A_585 = arith.constant 0 : i32
        %dma_start3A_586 = arith.constant 0 : i32
        %dma_start3A_587 = tpu.memref_slice %arg8[%dma_start3A_585, %dma_start3A_586] : memref<4x128xi32, #tpu.memory_space<vmem>> -> memref<1x128xi32, #tpu.memory_space<vmem>>
        %dma_start3A_588 = tpu.memref_squeeze %dma_start3A_587 : memref<1x128xi32, #tpu.memory_space<vmem>> -> memref<128xi32, #tpu.memory_space<vmem>>
        %dma_start3A_589 = tpu.memref_slice %arg5[%add3A_584] : memref<163840xi32, #tpu.memory_space<hbm>> -> memref<128xi32, #tpu.memory_space<hbm>>
        %dma_start3A_590 = arith.constant 0 : i32
        %dma_start3A_591 = tpu.memref_slice %arg8[%dma_start3A_585, %dma_start3A_590] : memref<4x128xi32, #tpu.memory_space<vmem>> -> memref<1x128xi32, #tpu.memory_space<vmem>>
        %dma_start3A_592 = tpu.memref_squeeze %dma_start3A_591 : memref<1x128xi32, #tpu.memory_space<vmem>> -> memref<128xi32, #tpu.memory_space<vmem>>
        %dma_start3A_593 = tpu.memref_slice %arg5[%add3A_584] : memref<163840xi32, #tpu.memory_space<hbm>> -> memref<128xi32, #tpu.memory_space<hbm>>
        tpu.enqueue_dma source(%dma_start3A_593 : memref<128xi32, #tpu.memory_space<hbm>>) target(%dma_start3A_592 : memref<128xi32, #tpu.memory_space<vmem>>) target_semaphore(%arg22 : memref<!tpu.dma_semaphore, #tpu.memory_space<semaphore_mem>>)
      } else {
      }
      %ge3A_277 = arith.constant 0 : i32
      %ge3A_278 = arith.cmpi sge, %sub3A_251, %ge3A_277 : i32
      %lt3A_279 = arith.constant 80 : i32
      %lt3A_280 = arith.cmpi slt, %sub3A_251, %lt3A_279 : i32
      %and3A_281 = arith.andi %ge3A_278, %lt3A_280 : i1
      %convert_element_type3A_282 = arith.extui %and3A_281 : i1 to i32
      %cond3A_283 = arith.constant 0 : i32
      %cond3A_284 = arith.cmpi ne, %convert_element_type3A_282, %cond3A_283 : i32
      scf.if %cond3A_284 {
        %mul3A_559 = arith.constant 163840 : i32
        %mul3A_560 = arith.muli %arg0, %mul3A_559 : i32
        %mul3A_561 = arith.constant 10240 : i32
        %mul3A_562 = arith.muli %arg1, %mul3A_561 : i32
        %add3A_563 = arith.addi %mul3A_560, %mul3A_562 : i32
        %mul3A_564 = arith.constant 128 : i32
        %mul3A_565 = arith.muli %sub3A_251, %mul3A_564 : i32
        %add3A_566 = arith.addi %add3A_563, %mul3A_565 : i32
        %multiple_of3A = tpu.assume_multiple %add3A_566, 8 : i32
        %dma_start3A = arith.constant 0 : i32
        %dma_start3A_567 = tpu.memref_slice %arg3[%multiple_of3A, %dma_start3A] : memref<327680x128xf32, #tpu.memory_space<hbm>> -> memref<128x128xf32, #tpu.memory_space<hbm>>
        %dma_start3A_568 = arith.constant 0 : i32
        %dma_start3A_569 = tpu.memref_slice %arg3[%multiple_of3A, %dma_start3A_568] : memref<327680x128xf32, #tpu.memory_space<hbm>> -> memref<128x128xf32, #tpu.memory_space<hbm>>
        tpu.enqueue_dma source(%dma_start3A_569 : memref<128x128xf32, #tpu.memory_space<hbm>>) target(%arg9 : memref<128x128xf32, #tpu.memory_space<vmem>>) target_semaphore(%arg16 : memref<!tpu.dma_semaphore, #tpu.memory_space<semaphore_mem>>)
      } else {
      }
      %mul3A_285 = arith.constant 12 : i32
      %mul3A_286 = arith.muli %scan3A_94, %mul3A_285 : i32
      %add3A_287 = arith.constant 5 : i32
      %add3A_288 = arith.addi %mul3A_286, %add3A_287 : i32
      %sub3A_289 = arith.constant 1 : i32
      %sub3A_290 = arith.subi %add3A_288, %sub3A_289 : i32
      %sub3A_291 = arith.constant 2 : i32
      %sub3A_292 = arith.subi %add3A_288, %sub3A_291 : i32
      %sub3A_293 = arith.constant 3 : i32
      %sub3A_294 = arith.subi %add3A_288, %sub3A_293 : i32
      %ge3A_295 = arith.constant 0 : i32
      %ge3A_296 = arith.cmpi sge, %sub3A_292, %ge3A_295 : i32
      %lt3A_297 = arith.constant 80 : i32
      %lt3A_298 = arith.cmpi slt, %sub3A_292, %lt3A_297 : i32
      %and3A_299 = arith.andi %ge3A_296, %lt3A_298 : i1
      %convert_element_type3A_300 = arith.extui %and3A_299 : i1 to i32
      %cond3A_301 = arith.constant 0 : i32
      %cond3A_302 = arith.cmpi ne, %convert_element_type3A_300, %cond3A_301 : i32
      scf.if %cond3A_302 {
        %mul3A_559 = arith.constant 163840 : i32
        %mul3A_560 = arith.muli %arg0, %mul3A_559 : i32
        %mul3A_561 = arith.constant 10240 : i32
        %mul3A_562 = arith.muli %arg1, %mul3A_561 : i32
        %add3A_563 = arith.addi %mul3A_560, %mul3A_562 : i32
        %mul3A_564 = arith.constant 128 : i32
        %mul3A_565 = arith.muli %sub3A_292, %mul3A_564 : i32
        %add3A_566 = arith.addi %add3A_563, %mul3A_565 : i32
        %multiple_of3A = tpu.assume_multiple %add3A_566, 8 : i32
        %dma_wait3A_567 = arith.constant 0 : i32
        %dma_wait3A_568 = tpu.memref_slice %arg3[%multiple_of3A, %dma_wait3A_567] : memref<327680x128xf32, #tpu.memory_space<hbm>> -> memref<128x128xf32, #tpu.memory_space<hbm>>
        %dma_wait3A_569 = arith.constant 0 : i32
        %dma_wait3A_570 = tpu.memref_slice %arg3[%multiple_of3A, %dma_wait3A_569] : memref<327680x128xf32, #tpu.memory_space<hbm>> -> memref<128x128xf32, #tpu.memory_space<hbm>>
        tpu.wait_dma2 semaphore(%arg16 : memref<!tpu.dma_semaphore, #tpu.memory_space<semaphore_mem>>) src(%dma_wait3A_570 : memref<128x128xf32, #tpu.memory_space<hbm>>) dst(%arg9 : memref<128x128xf32, #tpu.memory_space<vmem>>)
        %mul3A_571 = arith.constant 163840 : i32
        %mul3A_572 = arith.muli %arg0, %mul3A_571 : i32
        %mul3A_573 = arith.constant 10240 : i32
        %mul3A_574 = arith.muli %arg1, %mul3A_573 : i32
        %add3A_575 = arith.addi %mul3A_572, %mul3A_574 : i32
        %mul3A_576 = arith.constant 128 : i32
        %mul3A_577 = arith.muli %sub3A_292, %mul3A_576 : i32
        %add3A_578 = arith.addi %add3A_575, %mul3A_577 : i32
        %dma_wait3A_579 = arith.constant 0 : i32
        %dma_wait3A_580 = arith.constant 0 : i32
        %dma_wait3A_581 = tpu.memref_slice %arg7[%dma_wait3A_579, %dma_wait3A_580] : memref<3x128xi32, #tpu.memory_space<vmem>> -> memref<1x128xi32, #tpu.memory_space<vmem>>
        %dma_wait3A_582 = tpu.memref_squeeze %dma_wait3A_581 : memref<1x128xi32, #tpu.memory_space<vmem>> -> memref<128xi32, #tpu.memory_space<vmem>>
        %dma_wait3A_583 = tpu.memref_slice %arg4[%add3A_578] : memref<327680xi32, #tpu.memory_space<hbm>> -> memref<128xi32, #tpu.memory_space<hbm>>
        %dma_wait3A_584 = arith.constant 0 : i32
        %dma_wait3A_585 = tpu.memref_slice %arg7[%dma_wait3A_579, %dma_wait3A_584] : memref<3x128xi32, #tpu.memory_space<vmem>> -> memref<1x128xi32, #tpu.memory_space<vmem>>
        %dma_wait3A_586 = tpu.memref_squeeze %dma_wait3A_585 : memref<1x128xi32, #tpu.memory_space<vmem>> -> memref<128xi32, #tpu.memory_space<vmem>>
        %dma_wait3A_587 = tpu.memref_slice %arg4[%add3A_578] : memref<327680xi32, #tpu.memory_space<hbm>> -> memref<128xi32, #tpu.memory_space<hbm>>
        tpu.wait_dma2 semaphore(%arg13 : memref<!tpu.dma_semaphore, #tpu.memory_space<semaphore_mem>>) src(%dma_wait3A_587 : memref<128xi32, #tpu.memory_space<hbm>>) dst(%dma_wait3A_586 : memref<128xi32, #tpu.memory_space<vmem>>)
        %dma_start3A = arith.constant 0 : i32
        %dma_start3A_588 = arith.constant 0 : i32
        %dma_start3A_589 = tpu.memref_slice %arg7[%dma_start3A, %dma_start3A_588] : memref<3x128xi32, #tpu.memory_space<vmem>> -> memref<1x128xi32, #tpu.memory_space<vmem>>
        %dma_start3A_590 = tpu.memref_squeeze %dma_start3A_589 : memref<1x128xi32, #tpu.memory_space<vmem>> -> memref<128xi32, #tpu.memory_space<vmem>>
        %dma_start3A_591 = arith.constant 0 : i32
        %dma_start3A_592 = arith.constant 0 : i32
        %dma_start3A_593 = tpu.memref_slice %arg2[%dma_start3A_591, %dma_start3A_592] : memref<20000x128xf32, #tpu.memory_space<hbm>> -> memref<20000x128xf32, #tpu.memory_space<hbm>>
        tpu.enqueue_indirect_dma source(%dma_start3A_593 : memref<20000x128xf32, #tpu.memory_space<hbm>>) target(%arg9 : memref<128x128xf32, #tpu.memory_space<vmem>>) offsets(%dma_start3A_590 : memref<128xi32, #tpu.memory_space<vmem>>) semaphore(%arg19 : memref<!tpu.dma_semaphore, #tpu.memory_space<semaphore_mem>>) {add = true}
      } else {
      }
      %ge3A_303 = arith.constant 0 : i32
      %ge3A_304 = arith.cmpi sge, %sub3A_294, %ge3A_303 : i32
      %lt3A_305 = arith.constant 80 : i32
      %lt3A_306 = arith.cmpi slt, %sub3A_294, %lt3A_305 : i32
      %and3A_307 = arith.andi %ge3A_304, %lt3A_306 : i1
      %convert_element_type3A_308 = arith.extui %and3A_307 : i1 to i32
      %cond3A_309 = arith.constant 0 : i32
      %cond3A_310 = arith.cmpi ne, %convert_element_type3A_308, %cond3A_309 : i32
      scf.if %cond3A_310 {
        %dma_wait3A_559 = arith.constant 2 : i32
        %dma_wait3A_560 = arith.constant 0 : i32
        %dma_wait3A_561 = tpu.memref_slice %arg7[%dma_wait3A_559, %dma_wait3A_560] : memref<3x128xi32, #tpu.memory_space<vmem>> -> memref<1x128xi32, #tpu.memory_space<vmem>>
        %dma_wait3A_562 = tpu.memref_squeeze %dma_wait3A_561 : memref<1x128xi32, #tpu.memory_space<vmem>> -> memref<128xi32, #tpu.memory_space<vmem>>
        %dma_wait3A_563 = arith.constant 0 : i32
        %dma_wait3A_564 = arith.constant 0 : i32
        %dma_wait3A_565 = tpu.memref_slice %arg2[%dma_wait3A_563, %dma_wait3A_564] : memref<20000x128xf32, #tpu.memory_space<hbm>> -> memref<20000x128xf32, #tpu.memory_space<hbm>>
        tpu.wait_indirect_dma semaphore(%arg21 : memref<!tpu.dma_semaphore, #tpu.memory_space<semaphore_mem>>) src(%dma_wait3A_565 : memref<20000x128xf32, #tpu.memory_space<hbm>>) dst(%arg11 : memref<128x128xf32, #tpu.memory_space<vmem>>)
        %mul3A_566 = arith.constant 10240 : i32
        %mul3A_567 = arith.muli %arg1, %mul3A_566 : i32
        %mul3A_568 = arith.constant 128 : i32
        %mul3A_569 = arith.muli %sub3A_294, %mul3A_568 : i32
        %add3A_570 = arith.addi %mul3A_567, %mul3A_569 : i32
        %dma_wait3A_571 = arith.constant 2 : i32
        %dma_wait3A_572 = arith.constant 0 : i32
        %dma_wait3A_573 = tpu.memref_slice %arg8[%dma_wait3A_571, %dma_wait3A_572] : memref<4x128xi32, #tpu.memory_space<vmem>> -> memref<1x128xi32, #tpu.memory_space<vmem>>
        %dma_wait3A_574 = tpu.memref_squeeze %dma_wait3A_573 : memref<1x128xi32, #tpu.memory_space<vmem>> -> memref<128xi32, #tpu.memory_space<vmem>>
        %dma_wait3A_575 = tpu.memref_slice %arg5[%add3A_570] : memref<163840xi32, #tpu.memory_space<hbm>> -> memref<128xi32, #tpu.memory_space<hbm>>
        %dma_wait3A_576 = arith.constant 0 : i32
        %dma_wait3A_577 = tpu.memref_slice %arg8[%dma_wait3A_571, %dma_wait3A_576] : memref<4x128xi32, #tpu.memory_space<vmem>> -> memref<1x128xi32, #tpu.memory_space<vmem>>
        %dma_wait3A_578 = tpu.memref_squeeze %dma_wait3A_577 : memref<1x128xi32, #tpu.memory_space<vmem>> -> memref<128xi32, #tpu.memory_space<vmem>>
        %dma_wait3A_579 = tpu.memref_slice %arg5[%add3A_570] : memref<163840xi32, #tpu.memory_space<hbm>> -> memref<128xi32, #tpu.memory_space<hbm>>
        tpu.wait_dma2 semaphore(%arg24 : memref<!tpu.dma_semaphore, #tpu.memory_space<semaphore_mem>>) src(%dma_wait3A_579 : memref<128xi32, #tpu.memory_space<hbm>>) dst(%dma_wait3A_578 : memref<128xi32, #tpu.memory_space<vmem>>)
        %scan3A_580 = arith.constant 0 : i32
        %scan3A_581 = arith.constant 0 : i32
        %scan3A_582 = arith.constant 0 : i32
        %scan3A_583 = arith.addi %scan3A_581, %scan3A_582 : i32
        %scan3A_584 = arith.constant 0 : i32
        %dma_start3A = arith.constant 2 : i32
        %dma_start3A_585 = arith.constant 0 : i32
        %dma_start3A_586 = tpu.memref_slice %arg8[%dma_start3A, %dma_start3A_585] : memref<4x128xi32, #tpu.memory_space<vmem>> -> memref<1x128xi32, #tpu.memory_space<vmem>>
        %dma_start3A_587 = tpu.memref_squeeze %dma_start3A_586 : memref<1x128xi32, #tpu.memory_space<vmem>> -> memref<128xi32, #tpu.memory_space<vmem>>
        %dma_start3A_588 = arith.constant 0 : i32
        %dma_start3A_589 = arith.constant 0 : i32
        %dma_start3A_590 = tpu.memref_slice %arg12[%dma_start3A_588, %dma_start3A_589] : memref<10112x128xf32, #tpu.memory_space<vmem_shared>> -> memref<10112x128xf32, #tpu.memory_space<vmem_shared>>
        tpu.enqueue_indirect_dma source(%arg11 : memref<128x128xf32, #tpu.memory_space<vmem>>) target(%dma_start3A_590 : memref<10112x128xf32, #tpu.memory_space<vmem_shared>>) offsets(%dma_start3A_587 : memref<128xi32, #tpu.memory_space<vmem>>) semaphore(%arg28 : memref<!tpu.dma_semaphore, #tpu.memory_space<semaphore_mem>>) {add = true}
      } else {
      }
      %lt3A_311 = arith.constant 80 : i32
      %lt3A_312 = arith.cmpi slt, %add3A_288, %lt3A_311 : i32
      %convert_element_type3A_313 = arith.extui %lt3A_312 : i1 to i32
      %cond3A_314 = arith.constant 0 : i32
      %cond3A_315 = arith.cmpi ne, %convert_element_type3A_313, %cond3A_314 : i32
      scf.if %cond3A_315 {
        %ge3A_559 = arith.constant 4 : i32
        %ge3A_560 = arith.cmpi sge, %add3A_288, %ge3A_559 : i32
        %convert_element_type3A_561 = arith.extui %ge3A_560 : i1 to i32
        %cond3A_562 = arith.constant 0 : i32
        %cond3A_563 = arith.cmpi ne, %convert_element_type3A_561, %cond3A_562 : i32
        scf.if %cond3A_563 {
          %dma_wait3A_594 = arith.constant 1 : i32
          %dma_wait3A_595 = arith.constant 0 : i32
          %dma_wait3A_596 = tpu.memref_slice %arg8[%dma_wait3A_594, %dma_wait3A_595] : memref<4x128xi32, #tpu.memory_space<vmem>> -> memref<1x128xi32, #tpu.memory_space<vmem>>
          %dma_wait3A_597 = tpu.memref_squeeze %dma_wait3A_596 : memref<1x128xi32, #tpu.memory_space<vmem>> -> memref<128xi32, #tpu.memory_space<vmem>>
          %dma_wait3A_598 = arith.constant 0 : i32
          %dma_wait3A_599 = arith.constant 0 : i32
          %dma_wait3A_600 = tpu.memref_slice %arg12[%dma_wait3A_598, %dma_wait3A_599] : memref<10112x128xf32, #tpu.memory_space<vmem_shared>> -> memref<10112x128xf32, #tpu.memory_space<vmem_shared>>
          tpu.wait_indirect_dma semaphore(%arg27 : memref<!tpu.dma_semaphore, #tpu.memory_space<semaphore_mem>>) src(%arg10 : memref<128x128xf32, #tpu.memory_space<vmem>>) dst(%dma_wait3A_600 : memref<10112x128xf32, #tpu.memory_space<vmem_shared>>)
        } else {
        }
        %mul3A_564 = arith.constant 163840 : i32
        %mul3A_565 = arith.muli %arg0, %mul3A_564 : i32
        %mul3A_566 = arith.constant 10240 : i32
        %mul3A_567 = arith.muli %arg1, %mul3A_566 : i32
        %add3A_568 = arith.addi %mul3A_565, %mul3A_567 : i32
        %mul3A_569 = arith.constant 128 : i32
        %mul3A_570 = arith.muli %add3A_288, %mul3A_569 : i32
        %add3A_571 = arith.addi %add3A_568, %mul3A_570 : i32
        %dma_start3A = arith.constant 2 : i32
        %dma_start3A_572 = arith.constant 0 : i32
        %dma_start3A_573 = tpu.memref_slice %arg7[%dma_start3A, %dma_start3A_572] : memref<3x128xi32, #tpu.memory_space<vmem>> -> memref<1x128xi32, #tpu.memory_space<vmem>>
        %dma_start3A_574 = tpu.memref_squeeze %dma_start3A_573 : memref<1x128xi32, #tpu.memory_space<vmem>> -> memref<128xi32, #tpu.memory_space<vmem>>
        %dma_start3A_575 = tpu.memref_slice %arg4[%add3A_571] : memref<327680xi32, #tpu.memory_space<hbm>> -> memref<128xi32, #tpu.memory_space<hbm>>
        %dma_start3A_576 = arith.constant 0 : i32
        %dma_start3A_577 = tpu.memref_slice %arg7[%dma_start3A, %dma_start3A_576] : memref<3x128xi32, #tpu.memory_space<vmem>> -> memref<1x128xi32, #tpu.memory_space<vmem>>
        %dma_start3A_578 = tpu.memref_squeeze %dma_start3A_577 : memref<1x128xi32, #tpu.memory_space<vmem>> -> memref<128xi32, #tpu.memory_space<vmem>>
        %dma_start3A_579 = tpu.memref_slice %arg4[%add3A_571] : memref<327680xi32, #tpu.memory_space<hbm>> -> memref<128xi32, #tpu.memory_space<hbm>>
        tpu.enqueue_dma source(%dma_start3A_579 : memref<128xi32, #tpu.memory_space<hbm>>) target(%dma_start3A_578 : memref<128xi32, #tpu.memory_space<vmem>>) target_semaphore(%arg15 : memref<!tpu.dma_semaphore, #tpu.memory_space<semaphore_mem>>)
        %mul3A_580 = arith.constant 10240 : i32
        %mul3A_581 = arith.muli %arg1, %mul3A_580 : i32
        %mul3A_582 = arith.constant 128 : i32
        %mul3A_583 = arith.muli %add3A_288, %mul3A_582 : i32
        %add3A_584 = arith.addi %mul3A_581, %mul3A_583 : i32
        %dma_start3A_585 = arith.constant 1 : i32
        %dma_start3A_586 = arith.constant 0 : i32
        %dma_start3A_587 = tpu.memref_slice %arg8[%dma_start3A_585, %dma_start3A_586] : memref<4x128xi32, #tpu.memory_space<vmem>> -> memref<1x128xi32, #tpu.memory_space<vmem>>
        %dma_start3A_588 = tpu.memref_squeeze %dma_start3A_587 : memref<1x128xi32, #tpu.memory_space<vmem>> -> memref<128xi32, #tpu.memory_space<vmem>>
        %dma_start3A_589 = tpu.memref_slice %arg5[%add3A_584] : memref<163840xi32, #tpu.memory_space<hbm>> -> memref<128xi32, #tpu.memory_space<hbm>>
        %dma_start3A_590 = arith.constant 0 : i32
        %dma_start3A_591 = tpu.memref_slice %arg8[%dma_start3A_585, %dma_start3A_590] : memref<4x128xi32, #tpu.memory_space<vmem>> -> memref<1x128xi32, #tpu.memory_space<vmem>>
        %dma_start3A_592 = tpu.memref_squeeze %dma_start3A_591 : memref<1x128xi32, #tpu.memory_space<vmem>> -> memref<128xi32, #tpu.memory_space<vmem>>
        %dma_start3A_593 = tpu.memref_slice %arg5[%add3A_584] : memref<163840xi32, #tpu.memory_space<hbm>> -> memref<128xi32, #tpu.memory_space<hbm>>
        tpu.enqueue_dma source(%dma_start3A_593 : memref<128xi32, #tpu.memory_space<hbm>>) target(%dma_start3A_592 : memref<128xi32, #tpu.memory_space<vmem>>) target_semaphore(%arg23 : memref<!tpu.dma_semaphore, #tpu.memory_space<semaphore_mem>>)
      } else {
      }
      %ge3A_316 = arith.constant 0 : i32
      %ge3A_317 = arith.cmpi sge, %sub3A_290, %ge3A_316 : i32
      %lt3A_318 = arith.constant 80 : i32
      %lt3A_319 = arith.cmpi slt, %sub3A_290, %lt3A_318 : i32
      %and3A_320 = arith.andi %ge3A_317, %lt3A_319 : i1
      %convert_element_type3A_321 = arith.extui %and3A_320 : i1 to i32
      %cond3A_322 = arith.constant 0 : i32
      %cond3A_323 = arith.cmpi ne, %convert_element_type3A_321, %cond3A_322 : i32
      scf.if %cond3A_323 {
        %mul3A_559 = arith.constant 163840 : i32
        %mul3A_560 = arith.muli %arg0, %mul3A_559 : i32
        %mul3A_561 = arith.constant 10240 : i32
        %mul3A_562 = arith.muli %arg1, %mul3A_561 : i32
        %add3A_563 = arith.addi %mul3A_560, %mul3A_562 : i32
        %mul3A_564 = arith.constant 128 : i32
        %mul3A_565 = arith.muli %sub3A_290, %mul3A_564 : i32
        %add3A_566 = arith.addi %add3A_563, %mul3A_565 : i32
        %multiple_of3A = tpu.assume_multiple %add3A_566, 8 : i32
        %dma_start3A = arith.constant 0 : i32
        %dma_start3A_567 = tpu.memref_slice %arg3[%multiple_of3A, %dma_start3A] : memref<327680x128xf32, #tpu.memory_space<hbm>> -> memref<128x128xf32, #tpu.memory_space<hbm>>
        %dma_start3A_568 = arith.constant 0 : i32
        %dma_start3A_569 = tpu.memref_slice %arg3[%multiple_of3A, %dma_start3A_568] : memref<327680x128xf32, #tpu.memory_space<hbm>> -> memref<128x128xf32, #tpu.memory_space<hbm>>
        tpu.enqueue_dma source(%dma_start3A_569 : memref<128x128xf32, #tpu.memory_space<hbm>>) target(%arg10 : memref<128x128xf32, #tpu.memory_space<vmem>>) target_semaphore(%arg17 : memref<!tpu.dma_semaphore, #tpu.memory_space<semaphore_mem>>)
      } else {
      }
      %mul3A_324 = arith.constant 12 : i32
      %mul3A_325 = arith.muli %scan3A_94, %mul3A_324 : i32
      %add3A_326 = arith.constant 6 : i32
      %add3A_327 = arith.addi %mul3A_325, %add3A_326 : i32
      %sub3A_328 = arith.constant 1 : i32
      %sub3A_329 = arith.subi %add3A_327, %sub3A_328 : i32
      %sub3A_330 = arith.constant 2 : i32
      %sub3A_331 = arith.subi %add3A_327, %sub3A_330 : i32
      %sub3A_332 = arith.constant 3 : i32
      %sub3A_333 = arith.subi %add3A_327, %sub3A_332 : i32
      %ge3A_334 = arith.constant 0 : i32
      %ge3A_335 = arith.cmpi sge, %sub3A_331, %ge3A_334 : i32
      %lt3A_336 = arith.constant 80 : i32
      %lt3A_337 = arith.cmpi slt, %sub3A_331, %lt3A_336 : i32
      %and3A_338 = arith.andi %ge3A_335, %lt3A_337 : i1
      %convert_element_type3A_339 = arith.extui %and3A_338 : i1 to i32
      %cond3A_340 = arith.constant 0 : i32
      %cond3A_341 = arith.cmpi ne, %convert_element_type3A_339, %cond3A_340 : i32
      scf.if %cond3A_341 {
        %mul3A_559 = arith.constant 163840 : i32
        %mul3A_560 = arith.muli %arg0, %mul3A_559 : i32
        %mul3A_561 = arith.constant 10240 : i32
        %mul3A_562 = arith.muli %arg1, %mul3A_561 : i32
        %add3A_563 = arith.addi %mul3A_560, %mul3A_562 : i32
        %mul3A_564 = arith.constant 128 : i32
        %mul3A_565 = arith.muli %sub3A_331, %mul3A_564 : i32
        %add3A_566 = arith.addi %add3A_563, %mul3A_565 : i32
        %multiple_of3A = tpu.assume_multiple %add3A_566, 8 : i32
        %dma_wait3A_567 = arith.constant 0 : i32
        %dma_wait3A_568 = tpu.memref_slice %arg3[%multiple_of3A, %dma_wait3A_567] : memref<327680x128xf32, #tpu.memory_space<hbm>> -> memref<128x128xf32, #tpu.memory_space<hbm>>
        %dma_wait3A_569 = arith.constant 0 : i32
        %dma_wait3A_570 = tpu.memref_slice %arg3[%multiple_of3A, %dma_wait3A_569] : memref<327680x128xf32, #tpu.memory_space<hbm>> -> memref<128x128xf32, #tpu.memory_space<hbm>>
        tpu.wait_dma2 semaphore(%arg17 : memref<!tpu.dma_semaphore, #tpu.memory_space<semaphore_mem>>) src(%dma_wait3A_570 : memref<128x128xf32, #tpu.memory_space<hbm>>) dst(%arg10 : memref<128x128xf32, #tpu.memory_space<vmem>>)
        %mul3A_571 = arith.constant 163840 : i32
        %mul3A_572 = arith.muli %arg0, %mul3A_571 : i32
        %mul3A_573 = arith.constant 10240 : i32
        %mul3A_574 = arith.muli %arg1, %mul3A_573 : i32
        %add3A_575 = arith.addi %mul3A_572, %mul3A_574 : i32
        %mul3A_576 = arith.constant 128 : i32
        %mul3A_577 = arith.muli %sub3A_331, %mul3A_576 : i32
        %add3A_578 = arith.addi %add3A_575, %mul3A_577 : i32
        %dma_wait3A_579 = arith.constant 1 : i32
        %dma_wait3A_580 = arith.constant 0 : i32
        %dma_wait3A_581 = tpu.memref_slice %arg7[%dma_wait3A_579, %dma_wait3A_580] : memref<3x128xi32, #tpu.memory_space<vmem>> -> memref<1x128xi32, #tpu.memory_space<vmem>>
        %dma_wait3A_582 = tpu.memref_squeeze %dma_wait3A_581 : memref<1x128xi32, #tpu.memory_space<vmem>> -> memref<128xi32, #tpu.memory_space<vmem>>
        %dma_wait3A_583 = tpu.memref_slice %arg4[%add3A_578] : memref<327680xi32, #tpu.memory_space<hbm>> -> memref<128xi32, #tpu.memory_space<hbm>>
        %dma_wait3A_584 = arith.constant 0 : i32
        %dma_wait3A_585 = tpu.memref_slice %arg7[%dma_wait3A_579, %dma_wait3A_584] : memref<3x128xi32, #tpu.memory_space<vmem>> -> memref<1x128xi32, #tpu.memory_space<vmem>>
        %dma_wait3A_586 = tpu.memref_squeeze %dma_wait3A_585 : memref<1x128xi32, #tpu.memory_space<vmem>> -> memref<128xi32, #tpu.memory_space<vmem>>
        %dma_wait3A_587 = tpu.memref_slice %arg4[%add3A_578] : memref<327680xi32, #tpu.memory_space<hbm>> -> memref<128xi32, #tpu.memory_space<hbm>>
        tpu.wait_dma2 semaphore(%arg14 : memref<!tpu.dma_semaphore, #tpu.memory_space<semaphore_mem>>) src(%dma_wait3A_587 : memref<128xi32, #tpu.memory_space<hbm>>) dst(%dma_wait3A_586 : memref<128xi32, #tpu.memory_space<vmem>>)
        %dma_start3A = arith.constant 1 : i32
        %dma_start3A_588 = arith.constant 0 : i32
        %dma_start3A_589 = tpu.memref_slice %arg7[%dma_start3A, %dma_start3A_588] : memref<3x128xi32, #tpu.memory_space<vmem>> -> memref<1x128xi32, #tpu.memory_space<vmem>>
        %dma_start3A_590 = tpu.memref_squeeze %dma_start3A_589 : memref<1x128xi32, #tpu.memory_space<vmem>> -> memref<128xi32, #tpu.memory_space<vmem>>
        %dma_start3A_591 = arith.constant 0 : i32
        %dma_start3A_592 = arith.constant 0 : i32
        %dma_start3A_593 = tpu.memref_slice %arg2[%dma_start3A_591, %dma_start3A_592] : memref<20000x128xf32, #tpu.memory_space<hbm>> -> memref<20000x128xf32, #tpu.memory_space<hbm>>
        tpu.enqueue_indirect_dma source(%dma_start3A_593 : memref<20000x128xf32, #tpu.memory_space<hbm>>) target(%arg10 : memref<128x128xf32, #tpu.memory_space<vmem>>) offsets(%dma_start3A_590 : memref<128xi32, #tpu.memory_space<vmem>>) semaphore(%arg20 : memref<!tpu.dma_semaphore, #tpu.memory_space<semaphore_mem>>) {add = true}
      } else {
      }
      %ge3A_342 = arith.constant 0 : i32
      %ge3A_343 = arith.cmpi sge, %sub3A_333, %ge3A_342 : i32
      %lt3A_344 = arith.constant 80 : i32
      %lt3A_345 = arith.cmpi slt, %sub3A_333, %lt3A_344 : i32
      %and3A_346 = arith.andi %ge3A_343, %lt3A_345 : i1
      %convert_element_type3A_347 = arith.extui %and3A_346 : i1 to i32
      %cond3A_348 = arith.constant 0 : i32
      %cond3A_349 = arith.cmpi ne, %convert_element_type3A_347, %cond3A_348 : i32
      scf.if %cond3A_349 {
        %dma_wait3A_559 = arith.constant 0 : i32
        %dma_wait3A_560 = arith.constant 0 : i32
        %dma_wait3A_561 = tpu.memref_slice %arg7[%dma_wait3A_559, %dma_wait3A_560] : memref<3x128xi32, #tpu.memory_space<vmem>> -> memref<1x128xi32, #tpu.memory_space<vmem>>
        %dma_wait3A_562 = tpu.memref_squeeze %dma_wait3A_561 : memref<1x128xi32, #tpu.memory_space<vmem>> -> memref<128xi32, #tpu.memory_space<vmem>>
        %dma_wait3A_563 = arith.constant 0 : i32
        %dma_wait3A_564 = arith.constant 0 : i32
        %dma_wait3A_565 = tpu.memref_slice %arg2[%dma_wait3A_563, %dma_wait3A_564] : memref<20000x128xf32, #tpu.memory_space<hbm>> -> memref<20000x128xf32, #tpu.memory_space<hbm>>
        tpu.wait_indirect_dma semaphore(%arg19 : memref<!tpu.dma_semaphore, #tpu.memory_space<semaphore_mem>>) src(%dma_wait3A_565 : memref<20000x128xf32, #tpu.memory_space<hbm>>) dst(%arg9 : memref<128x128xf32, #tpu.memory_space<vmem>>)
        %mul3A_566 = arith.constant 10240 : i32
        %mul3A_567 = arith.muli %arg1, %mul3A_566 : i32
        %mul3A_568 = arith.constant 128 : i32
        %mul3A_569 = arith.muli %sub3A_333, %mul3A_568 : i32
        %add3A_570 = arith.addi %mul3A_567, %mul3A_569 : i32
        %dma_wait3A_571 = arith.constant 3 : i32
        %dma_wait3A_572 = arith.constant 0 : i32
        %dma_wait3A_573 = tpu.memref_slice %arg8[%dma_wait3A_571, %dma_wait3A_572] : memref<4x128xi32, #tpu.memory_space<vmem>> -> memref<1x128xi32, #tpu.memory_space<vmem>>
        %dma_wait3A_574 = tpu.memref_squeeze %dma_wait3A_573 : memref<1x128xi32, #tpu.memory_space<vmem>> -> memref<128xi32, #tpu.memory_space<vmem>>
        %dma_wait3A_575 = tpu.memref_slice %arg5[%add3A_570] : memref<163840xi32, #tpu.memory_space<hbm>> -> memref<128xi32, #tpu.memory_space<hbm>>
        %dma_wait3A_576 = arith.constant 0 : i32
        %dma_wait3A_577 = tpu.memref_slice %arg8[%dma_wait3A_571, %dma_wait3A_576] : memref<4x128xi32, #tpu.memory_space<vmem>> -> memref<1x128xi32, #tpu.memory_space<vmem>>
        %dma_wait3A_578 = tpu.memref_squeeze %dma_wait3A_577 : memref<1x128xi32, #tpu.memory_space<vmem>> -> memref<128xi32, #tpu.memory_space<vmem>>
        %dma_wait3A_579 = tpu.memref_slice %arg5[%add3A_570] : memref<163840xi32, #tpu.memory_space<hbm>> -> memref<128xi32, #tpu.memory_space<hbm>>
        tpu.wait_dma2 semaphore(%arg25 : memref<!tpu.dma_semaphore, #tpu.memory_space<semaphore_mem>>) src(%dma_wait3A_579 : memref<128xi32, #tpu.memory_space<hbm>>) dst(%dma_wait3A_578 : memref<128xi32, #tpu.memory_space<vmem>>)
        %scan3A_580 = arith.constant 0 : i32
        %scan3A_581 = arith.constant 0 : i32
        %scan3A_582 = arith.constant 0 : i32
        %scan3A_583 = arith.addi %scan3A_581, %scan3A_582 : i32
        %scan3A_584 = arith.constant 0 : i32
        %dma_start3A = arith.constant 3 : i32
        %dma_start3A_585 = arith.constant 0 : i32
        %dma_start3A_586 = tpu.memref_slice %arg8[%dma_start3A, %dma_start3A_585] : memref<4x128xi32, #tpu.memory_space<vmem>> -> memref<1x128xi32, #tpu.memory_space<vmem>>
        %dma_start3A_587 = tpu.memref_squeeze %dma_start3A_586 : memref<1x128xi32, #tpu.memory_space<vmem>> -> memref<128xi32, #tpu.memory_space<vmem>>
        %dma_start3A_588 = arith.constant 0 : i32
        %dma_start3A_589 = arith.constant 0 : i32
        %dma_start3A_590 = tpu.memref_slice %arg12[%dma_start3A_588, %dma_start3A_589] : memref<10112x128xf32, #tpu.memory_space<vmem_shared>> -> memref<10112x128xf32, #tpu.memory_space<vmem_shared>>
        tpu.enqueue_indirect_dma source(%arg9 : memref<128x128xf32, #tpu.memory_space<vmem>>) target(%dma_start3A_590 : memref<10112x128xf32, #tpu.memory_space<vmem_shared>>) offsets(%dma_start3A_587 : memref<128xi32, #tpu.memory_space<vmem>>) semaphore(%arg29 : memref<!tpu.dma_semaphore, #tpu.memory_space<semaphore_mem>>) {add = true}
      } else {
      }
      %lt3A_350 = arith.constant 80 : i32
      %lt3A_351 = arith.cmpi slt, %add3A_327, %lt3A_350 : i32
      %convert_element_type3A_352 = arith.extui %lt3A_351 : i1 to i32
      %cond3A_353 = arith.constant 0 : i32
      %cond3A_354 = arith.cmpi ne, %convert_element_type3A_352, %cond3A_353 : i32
      scf.if %cond3A_354 {
        %ge3A_559 = arith.constant 4 : i32
        %ge3A_560 = arith.cmpi sge, %add3A_327, %ge3A_559 : i32
        %convert_element_type3A_561 = arith.extui %ge3A_560 : i1 to i32
        %cond3A_562 = arith.constant 0 : i32
        %cond3A_563 = arith.cmpi ne, %convert_element_type3A_561, %cond3A_562 : i32
        scf.if %cond3A_563 {
          %dma_wait3A_594 = arith.constant 2 : i32
          %dma_wait3A_595 = arith.constant 0 : i32
          %dma_wait3A_596 = tpu.memref_slice %arg8[%dma_wait3A_594, %dma_wait3A_595] : memref<4x128xi32, #tpu.memory_space<vmem>> -> memref<1x128xi32, #tpu.memory_space<vmem>>
          %dma_wait3A_597 = tpu.memref_squeeze %dma_wait3A_596 : memref<1x128xi32, #tpu.memory_space<vmem>> -> memref<128xi32, #tpu.memory_space<vmem>>
          %dma_wait3A_598 = arith.constant 0 : i32
          %dma_wait3A_599 = arith.constant 0 : i32
          %dma_wait3A_600 = tpu.memref_slice %arg12[%dma_wait3A_598, %dma_wait3A_599] : memref<10112x128xf32, #tpu.memory_space<vmem_shared>> -> memref<10112x128xf32, #tpu.memory_space<vmem_shared>>
          tpu.wait_indirect_dma semaphore(%arg28 : memref<!tpu.dma_semaphore, #tpu.memory_space<semaphore_mem>>) src(%arg11 : memref<128x128xf32, #tpu.memory_space<vmem>>) dst(%dma_wait3A_600 : memref<10112x128xf32, #tpu.memory_space<vmem_shared>>)
        } else {
        }
        %mul3A_564 = arith.constant 163840 : i32
        %mul3A_565 = arith.muli %arg0, %mul3A_564 : i32
        %mul3A_566 = arith.constant 10240 : i32
        %mul3A_567 = arith.muli %arg1, %mul3A_566 : i32
        %add3A_568 = arith.addi %mul3A_565, %mul3A_567 : i32
        %mul3A_569 = arith.constant 128 : i32
        %mul3A_570 = arith.muli %add3A_327, %mul3A_569 : i32
        %add3A_571 = arith.addi %add3A_568, %mul3A_570 : i32
        %dma_start3A = arith.constant 0 : i32
        %dma_start3A_572 = arith.constant 0 : i32
        %dma_start3A_573 = tpu.memref_slice %arg7[%dma_start3A, %dma_start3A_572] : memref<3x128xi32, #tpu.memory_space<vmem>> -> memref<1x128xi32, #tpu.memory_space<vmem>>
        %dma_start3A_574 = tpu.memref_squeeze %dma_start3A_573 : memref<1x128xi32, #tpu.memory_space<vmem>> -> memref<128xi32, #tpu.memory_space<vmem>>
        %dma_start3A_575 = tpu.memref_slice %arg4[%add3A_571] : memref<327680xi32, #tpu.memory_space<hbm>> -> memref<128xi32, #tpu.memory_space<hbm>>
        %dma_start3A_576 = arith.constant 0 : i32
        %dma_start3A_577 = tpu.memref_slice %arg7[%dma_start3A, %dma_start3A_576] : memref<3x128xi32, #tpu.memory_space<vmem>> -> memref<1x128xi32, #tpu.memory_space<vmem>>
        %dma_start3A_578 = tpu.memref_squeeze %dma_start3A_577 : memref<1x128xi32, #tpu.memory_space<vmem>> -> memref<128xi32, #tpu.memory_space<vmem>>
        %dma_start3A_579 = tpu.memref_slice %arg4[%add3A_571] : memref<327680xi32, #tpu.memory_space<hbm>> -> memref<128xi32, #tpu.memory_space<hbm>>
        tpu.enqueue_dma source(%dma_start3A_579 : memref<128xi32, #tpu.memory_space<hbm>>) target(%dma_start3A_578 : memref<128xi32, #tpu.memory_space<vmem>>) target_semaphore(%arg13 : memref<!tpu.dma_semaphore, #tpu.memory_space<semaphore_mem>>)
        %mul3A_580 = arith.constant 10240 : i32
        %mul3A_581 = arith.muli %arg1, %mul3A_580 : i32
        %mul3A_582 = arith.constant 128 : i32
        %mul3A_583 = arith.muli %add3A_327, %mul3A_582 : i32
        %add3A_584 = arith.addi %mul3A_581, %mul3A_583 : i32
        %dma_start3A_585 = arith.constant 2 : i32
        %dma_start3A_586 = arith.constant 0 : i32
        %dma_start3A_587 = tpu.memref_slice %arg8[%dma_start3A_585, %dma_start3A_586] : memref<4x128xi32, #tpu.memory_space<vmem>> -> memref<1x128xi32, #tpu.memory_space<vmem>>
        %dma_start3A_588 = tpu.memref_squeeze %dma_start3A_587 : memref<1x128xi32, #tpu.memory_space<vmem>> -> memref<128xi32, #tpu.memory_space<vmem>>
        %dma_start3A_589 = tpu.memref_slice %arg5[%add3A_584] : memref<163840xi32, #tpu.memory_space<hbm>> -> memref<128xi32, #tpu.memory_space<hbm>>
        %dma_start3A_590 = arith.constant 0 : i32
        %dma_start3A_591 = tpu.memref_slice %arg8[%dma_start3A_585, %dma_start3A_590] : memref<4x128xi32, #tpu.memory_space<vmem>> -> memref<1x128xi32, #tpu.memory_space<vmem>>
        %dma_start3A_592 = tpu.memref_squeeze %dma_start3A_591 : memref<1x128xi32, #tpu.memory_space<vmem>> -> memref<128xi32, #tpu.memory_space<vmem>>
        %dma_start3A_593 = tpu.memref_slice %arg5[%add3A_584] : memref<163840xi32, #tpu.memory_space<hbm>> -> memref<128xi32, #tpu.memory_space<hbm>>
        tpu.enqueue_dma source(%dma_start3A_593 : memref<128xi32, #tpu.memory_space<hbm>>) target(%dma_start3A_592 : memref<128xi32, #tpu.memory_space<vmem>>) target_semaphore(%arg24 : memref<!tpu.dma_semaphore, #tpu.memory_space<semaphore_mem>>)
      } else {
      }
      %ge3A_355 = arith.constant 0 : i32
      %ge3A_356 = arith.cmpi sge, %sub3A_329, %ge3A_355 : i32
      %lt3A_357 = arith.constant 80 : i32
      %lt3A_358 = arith.cmpi slt, %sub3A_329, %lt3A_357 : i32
      %and3A_359 = arith.andi %ge3A_356, %lt3A_358 : i1
      %convert_element_type3A_360 = arith.extui %and3A_359 : i1 to i32
      %cond3A_361 = arith.constant 0 : i32
      %cond3A_362 = arith.cmpi ne, %convert_element_type3A_360, %cond3A_361 : i32
      scf.if %cond3A_362 {
        %mul3A_559 = arith.constant 163840 : i32
        %mul3A_560 = arith.muli %arg0, %mul3A_559 : i32
        %mul3A_561 = arith.constant 10240 : i32
        %mul3A_562 = arith.muli %arg1, %mul3A_561 : i32
        %add3A_563 = arith.addi %mul3A_560, %mul3A_562 : i32
        %mul3A_564 = arith.constant 128 : i32
        %mul3A_565 = arith.muli %sub3A_329, %mul3A_564 : i32
        %add3A_566 = arith.addi %add3A_563, %mul3A_565 : i32
        %multiple_of3A = tpu.assume_multiple %add3A_566, 8 : i32
        %dma_start3A = arith.constant 0 : i32
        %dma_start3A_567 = tpu.memref_slice %arg3[%multiple_of3A, %dma_start3A] : memref<327680x128xf32, #tpu.memory_space<hbm>> -> memref<128x128xf32, #tpu.memory_space<hbm>>
        %dma_start3A_568 = arith.constant 0 : i32
        %dma_start3A_569 = tpu.memref_slice %arg3[%multiple_of3A, %dma_start3A_568] : memref<327680x128xf32, #tpu.memory_space<hbm>> -> memref<128x128xf32, #tpu.memory_space<hbm>>
        tpu.enqueue_dma source(%dma_start3A_569 : memref<128x128xf32, #tpu.memory_space<hbm>>) target(%arg11 : memref<128x128xf32, #tpu.memory_space<vmem>>) target_semaphore(%arg18 : memref<!tpu.dma_semaphore, #tpu.memory_space<semaphore_mem>>)
      } else {
      }
      %mul3A_363 = arith.constant 12 : i32
      %mul3A_364 = arith.muli %scan3A_94, %mul3A_363 : i32
      %add3A_365 = arith.constant 7 : i32
      %add3A_366 = arith.addi %mul3A_364, %add3A_365 : i32
      %sub3A_367 = arith.constant 1 : i32
      %sub3A_368 = arith.subi %add3A_366, %sub3A_367 : i32
      %sub3A_369 = arith.constant 2 : i32
      %sub3A_370 = arith.subi %add3A_366, %sub3A_369 : i32
      %sub3A_371 = arith.constant 3 : i32
      %sub3A_372 = arith.subi %add3A_366, %sub3A_371 : i32
      %ge3A_373 = arith.constant 0 : i32
      %ge3A_374 = arith.cmpi sge, %sub3A_370, %ge3A_373 : i32
      %lt3A_375 = arith.constant 80 : i32
      %lt3A_376 = arith.cmpi slt, %sub3A_370, %lt3A_375 : i32
      %and3A_377 = arith.andi %ge3A_374, %lt3A_376 : i1
      %convert_element_type3A_378 = arith.extui %and3A_377 : i1 to i32
      %cond3A_379 = arith.constant 0 : i32
      %cond3A_380 = arith.cmpi ne, %convert_element_type3A_378, %cond3A_379 : i32
      scf.if %cond3A_380 {
        %mul3A_559 = arith.constant 163840 : i32
        %mul3A_560 = arith.muli %arg0, %mul3A_559 : i32
        %mul3A_561 = arith.constant 10240 : i32
        %mul3A_562 = arith.muli %arg1, %mul3A_561 : i32
        %add3A_563 = arith.addi %mul3A_560, %mul3A_562 : i32
        %mul3A_564 = arith.constant 128 : i32
        %mul3A_565 = arith.muli %sub3A_370, %mul3A_564 : i32
        %add3A_566 = arith.addi %add3A_563, %mul3A_565 : i32
        %multiple_of3A = tpu.assume_multiple %add3A_566, 8 : i32
        %dma_wait3A_567 = arith.constant 0 : i32
        %dma_wait3A_568 = tpu.memref_slice %arg3[%multiple_of3A, %dma_wait3A_567] : memref<327680x128xf32, #tpu.memory_space<hbm>> -> memref<128x128xf32, #tpu.memory_space<hbm>>
        %dma_wait3A_569 = arith.constant 0 : i32
        %dma_wait3A_570 = tpu.memref_slice %arg3[%multiple_of3A, %dma_wait3A_569] : memref<327680x128xf32, #tpu.memory_space<hbm>> -> memref<128x128xf32, #tpu.memory_space<hbm>>
        tpu.wait_dma2 semaphore(%arg18 : memref<!tpu.dma_semaphore, #tpu.memory_space<semaphore_mem>>) src(%dma_wait3A_570 : memref<128x128xf32, #tpu.memory_space<hbm>>) dst(%arg11 : memref<128x128xf32, #tpu.memory_space<vmem>>)
        %mul3A_571 = arith.constant 163840 : i32
        %mul3A_572 = arith.muli %arg0, %mul3A_571 : i32
        %mul3A_573 = arith.constant 10240 : i32
        %mul3A_574 = arith.muli %arg1, %mul3A_573 : i32
        %add3A_575 = arith.addi %mul3A_572, %mul3A_574 : i32
        %mul3A_576 = arith.constant 128 : i32
        %mul3A_577 = arith.muli %sub3A_370, %mul3A_576 : i32
        %add3A_578 = arith.addi %add3A_575, %mul3A_577 : i32
        %dma_wait3A_579 = arith.constant 2 : i32
        %dma_wait3A_580 = arith.constant 0 : i32
        %dma_wait3A_581 = tpu.memref_slice %arg7[%dma_wait3A_579, %dma_wait3A_580] : memref<3x128xi32, #tpu.memory_space<vmem>> -> memref<1x128xi32, #tpu.memory_space<vmem>>
        %dma_wait3A_582 = tpu.memref_squeeze %dma_wait3A_581 : memref<1x128xi32, #tpu.memory_space<vmem>> -> memref<128xi32, #tpu.memory_space<vmem>>
        %dma_wait3A_583 = tpu.memref_slice %arg4[%add3A_578] : memref<327680xi32, #tpu.memory_space<hbm>> -> memref<128xi32, #tpu.memory_space<hbm>>
        %dma_wait3A_584 = arith.constant 0 : i32
        %dma_wait3A_585 = tpu.memref_slice %arg7[%dma_wait3A_579, %dma_wait3A_584] : memref<3x128xi32, #tpu.memory_space<vmem>> -> memref<1x128xi32, #tpu.memory_space<vmem>>
        %dma_wait3A_586 = tpu.memref_squeeze %dma_wait3A_585 : memref<1x128xi32, #tpu.memory_space<vmem>> -> memref<128xi32, #tpu.memory_space<vmem>>
        %dma_wait3A_587 = tpu.memref_slice %arg4[%add3A_578] : memref<327680xi32, #tpu.memory_space<hbm>> -> memref<128xi32, #tpu.memory_space<hbm>>
        tpu.wait_dma2 semaphore(%arg15 : memref<!tpu.dma_semaphore, #tpu.memory_space<semaphore_mem>>) src(%dma_wait3A_587 : memref<128xi32, #tpu.memory_space<hbm>>) dst(%dma_wait3A_586 : memref<128xi32, #tpu.memory_space<vmem>>)
        %dma_start3A = arith.constant 2 : i32
        %dma_start3A_588 = arith.constant 0 : i32
        %dma_start3A_589 = tpu.memref_slice %arg7[%dma_start3A, %dma_start3A_588] : memref<3x128xi32, #tpu.memory_space<vmem>> -> memref<1x128xi32, #tpu.memory_space<vmem>>
        %dma_start3A_590 = tpu.memref_squeeze %dma_start3A_589 : memref<1x128xi32, #tpu.memory_space<vmem>> -> memref<128xi32, #tpu.memory_space<vmem>>
        %dma_start3A_591 = arith.constant 0 : i32
        %dma_start3A_592 = arith.constant 0 : i32
        %dma_start3A_593 = tpu.memref_slice %arg2[%dma_start3A_591, %dma_start3A_592] : memref<20000x128xf32, #tpu.memory_space<hbm>> -> memref<20000x128xf32, #tpu.memory_space<hbm>>
        tpu.enqueue_indirect_dma source(%dma_start3A_593 : memref<20000x128xf32, #tpu.memory_space<hbm>>) target(%arg11 : memref<128x128xf32, #tpu.memory_space<vmem>>) offsets(%dma_start3A_590 : memref<128xi32, #tpu.memory_space<vmem>>) semaphore(%arg21 : memref<!tpu.dma_semaphore, #tpu.memory_space<semaphore_mem>>) {add = true}
      } else {
      }
      %ge3A_381 = arith.constant 0 : i32
      %ge3A_382 = arith.cmpi sge, %sub3A_372, %ge3A_381 : i32
      %lt3A_383 = arith.constant 80 : i32
      %lt3A_384 = arith.cmpi slt, %sub3A_372, %lt3A_383 : i32
      %and3A_385 = arith.andi %ge3A_382, %lt3A_384 : i1
      %convert_element_type3A_386 = arith.extui %and3A_385 : i1 to i32
      %cond3A_387 = arith.constant 0 : i32
      %cond3A_388 = arith.cmpi ne, %convert_element_type3A_386, %cond3A_387 : i32
      scf.if %cond3A_388 {
        %dma_wait3A_559 = arith.constant 1 : i32
        %dma_wait3A_560 = arith.constant 0 : i32
        %dma_wait3A_561 = tpu.memref_slice %arg7[%dma_wait3A_559, %dma_wait3A_560] : memref<3x128xi32, #tpu.memory_space<vmem>> -> memref<1x128xi32, #tpu.memory_space<vmem>>
        %dma_wait3A_562 = tpu.memref_squeeze %dma_wait3A_561 : memref<1x128xi32, #tpu.memory_space<vmem>> -> memref<128xi32, #tpu.memory_space<vmem>>
        %dma_wait3A_563 = arith.constant 0 : i32
        %dma_wait3A_564 = arith.constant 0 : i32
        %dma_wait3A_565 = tpu.memref_slice %arg2[%dma_wait3A_563, %dma_wait3A_564] : memref<20000x128xf32, #tpu.memory_space<hbm>> -> memref<20000x128xf32, #tpu.memory_space<hbm>>
        tpu.wait_indirect_dma semaphore(%arg20 : memref<!tpu.dma_semaphore, #tpu.memory_space<semaphore_mem>>) src(%dma_wait3A_565 : memref<20000x128xf32, #tpu.memory_space<hbm>>) dst(%arg10 : memref<128x128xf32, #tpu.memory_space<vmem>>)
        %mul3A_566 = arith.constant 10240 : i32
        %mul3A_567 = arith.muli %arg1, %mul3A_566 : i32
        %mul3A_568 = arith.constant 128 : i32
        %mul3A_569 = arith.muli %sub3A_372, %mul3A_568 : i32
        %add3A_570 = arith.addi %mul3A_567, %mul3A_569 : i32
        %dma_wait3A_571 = arith.constant 0 : i32
        %dma_wait3A_572 = arith.constant 0 : i32
        %dma_wait3A_573 = tpu.memref_slice %arg8[%dma_wait3A_571, %dma_wait3A_572] : memref<4x128xi32, #tpu.memory_space<vmem>> -> memref<1x128xi32, #tpu.memory_space<vmem>>
        %dma_wait3A_574 = tpu.memref_squeeze %dma_wait3A_573 : memref<1x128xi32, #tpu.memory_space<vmem>> -> memref<128xi32, #tpu.memory_space<vmem>>
        %dma_wait3A_575 = tpu.memref_slice %arg5[%add3A_570] : memref<163840xi32, #tpu.memory_space<hbm>> -> memref<128xi32, #tpu.memory_space<hbm>>
        %dma_wait3A_576 = arith.constant 0 : i32
        %dma_wait3A_577 = tpu.memref_slice %arg8[%dma_wait3A_571, %dma_wait3A_576] : memref<4x128xi32, #tpu.memory_space<vmem>> -> memref<1x128xi32, #tpu.memory_space<vmem>>
        %dma_wait3A_578 = tpu.memref_squeeze %dma_wait3A_577 : memref<1x128xi32, #tpu.memory_space<vmem>> -> memref<128xi32, #tpu.memory_space<vmem>>
        %dma_wait3A_579 = tpu.memref_slice %arg5[%add3A_570] : memref<163840xi32, #tpu.memory_space<hbm>> -> memref<128xi32, #tpu.memory_space<hbm>>
        tpu.wait_dma2 semaphore(%arg22 : memref<!tpu.dma_semaphore, #tpu.memory_space<semaphore_mem>>) src(%dma_wait3A_579 : memref<128xi32, #tpu.memory_space<hbm>>) dst(%dma_wait3A_578 : memref<128xi32, #tpu.memory_space<vmem>>)
        %scan3A_580 = arith.constant 0 : i32
        %scan3A_581 = arith.constant 0 : i32
        %scan3A_582 = arith.constant 0 : i32
        %scan3A_583 = arith.addi %scan3A_581, %scan3A_582 : i32
        %scan3A_584 = arith.constant 0 : i32
        %dma_start3A = arith.constant 0 : i32
        %dma_start3A_585 = arith.constant 0 : i32
        %dma_start3A_586 = tpu.memref_slice %arg8[%dma_start3A, %dma_start3A_585] : memref<4x128xi32, #tpu.memory_space<vmem>> -> memref<1x128xi32, #tpu.memory_space<vmem>>
        %dma_start3A_587 = tpu.memref_squeeze %dma_start3A_586 : memref<1x128xi32, #tpu.memory_space<vmem>> -> memref<128xi32, #tpu.memory_space<vmem>>
        %dma_start3A_588 = arith.constant 0 : i32
        %dma_start3A_589 = arith.constant 0 : i32
        %dma_start3A_590 = tpu.memref_slice %arg12[%dma_start3A_588, %dma_start3A_589] : memref<10112x128xf32, #tpu.memory_space<vmem_shared>> -> memref<10112x128xf32, #tpu.memory_space<vmem_shared>>
        tpu.enqueue_indirect_dma source(%arg10 : memref<128x128xf32, #tpu.memory_space<vmem>>) target(%dma_start3A_590 : memref<10112x128xf32, #tpu.memory_space<vmem_shared>>) offsets(%dma_start3A_587 : memref<128xi32, #tpu.memory_space<vmem>>) semaphore(%arg26 : memref<!tpu.dma_semaphore, #tpu.memory_space<semaphore_mem>>) {add = true}
      } else {
      }
      %lt3A_389 = arith.constant 80 : i32
      %lt3A_390 = arith.cmpi slt, %add3A_366, %lt3A_389 : i32
      %convert_element_type3A_391 = arith.extui %lt3A_390 : i1 to i32
      %cond3A_392 = arith.constant 0 : i32
      %cond3A_393 = arith.cmpi ne, %convert_element_type3A_391, %cond3A_392 : i32
      scf.if %cond3A_393 {
        %ge3A_559 = arith.constant 4 : i32
        %ge3A_560 = arith.cmpi sge, %add3A_366, %ge3A_559 : i32
        %convert_element_type3A_561 = arith.extui %ge3A_560 : i1 to i32
        %cond3A_562 = arith.constant 0 : i32
        %cond3A_563 = arith.cmpi ne, %convert_element_type3A_561, %cond3A_562 : i32
        scf.if %cond3A_563 {
          %dma_wait3A_594 = arith.constant 3 : i32
          %dma_wait3A_595 = arith.constant 0 : i32
          %dma_wait3A_596 = tpu.memref_slice %arg8[%dma_wait3A_594, %dma_wait3A_595] : memref<4x128xi32, #tpu.memory_space<vmem>> -> memref<1x128xi32, #tpu.memory_space<vmem>>
          %dma_wait3A_597 = tpu.memref_squeeze %dma_wait3A_596 : memref<1x128xi32, #tpu.memory_space<vmem>> -> memref<128xi32, #tpu.memory_space<vmem>>
          %dma_wait3A_598 = arith.constant 0 : i32
          %dma_wait3A_599 = arith.constant 0 : i32
          %dma_wait3A_600 = tpu.memref_slice %arg12[%dma_wait3A_598, %dma_wait3A_599] : memref<10112x128xf32, #tpu.memory_space<vmem_shared>> -> memref<10112x128xf32, #tpu.memory_space<vmem_shared>>
          tpu.wait_indirect_dma semaphore(%arg29 : memref<!tpu.dma_semaphore, #tpu.memory_space<semaphore_mem>>) src(%arg9 : memref<128x128xf32, #tpu.memory_space<vmem>>) dst(%dma_wait3A_600 : memref<10112x128xf32, #tpu.memory_space<vmem_shared>>)
        } else {
        }
        %mul3A_564 = arith.constant 163840 : i32
        %mul3A_565 = arith.muli %arg0, %mul3A_564 : i32
        %mul3A_566 = arith.constant 10240 : i32
        %mul3A_567 = arith.muli %arg1, %mul3A_566 : i32
        %add3A_568 = arith.addi %mul3A_565, %mul3A_567 : i32
        %mul3A_569 = arith.constant 128 : i32
        %mul3A_570 = arith.muli %add3A_366, %mul3A_569 : i32
        %add3A_571 = arith.addi %add3A_568, %mul3A_570 : i32
        %dma_start3A = arith.constant 1 : i32
        %dma_start3A_572 = arith.constant 0 : i32
        %dma_start3A_573 = tpu.memref_slice %arg7[%dma_start3A, %dma_start3A_572] : memref<3x128xi32, #tpu.memory_space<vmem>> -> memref<1x128xi32, #tpu.memory_space<vmem>>
        %dma_start3A_574 = tpu.memref_squeeze %dma_start3A_573 : memref<1x128xi32, #tpu.memory_space<vmem>> -> memref<128xi32, #tpu.memory_space<vmem>>
        %dma_start3A_575 = tpu.memref_slice %arg4[%add3A_571] : memref<327680xi32, #tpu.memory_space<hbm>> -> memref<128xi32, #tpu.memory_space<hbm>>
        %dma_start3A_576 = arith.constant 0 : i32
        %dma_start3A_577 = tpu.memref_slice %arg7[%dma_start3A, %dma_start3A_576] : memref<3x128xi32, #tpu.memory_space<vmem>> -> memref<1x128xi32, #tpu.memory_space<vmem>>
        %dma_start3A_578 = tpu.memref_squeeze %dma_start3A_577 : memref<1x128xi32, #tpu.memory_space<vmem>> -> memref<128xi32, #tpu.memory_space<vmem>>
        %dma_start3A_579 = tpu.memref_slice %arg4[%add3A_571] : memref<327680xi32, #tpu.memory_space<hbm>> -> memref<128xi32, #tpu.memory_space<hbm>>
        tpu.enqueue_dma source(%dma_start3A_579 : memref<128xi32, #tpu.memory_space<hbm>>) target(%dma_start3A_578 : memref<128xi32, #tpu.memory_space<vmem>>) target_semaphore(%arg14 : memref<!tpu.dma_semaphore, #tpu.memory_space<semaphore_mem>>)
        %mul3A_580 = arith.constant 10240 : i32
        %mul3A_581 = arith.muli %arg1, %mul3A_580 : i32
        %mul3A_582 = arith.constant 128 : i32
        %mul3A_583 = arith.muli %add3A_366, %mul3A_582 : i32
        %add3A_584 = arith.addi %mul3A_581, %mul3A_583 : i32
        %dma_start3A_585 = arith.constant 3 : i32
        %dma_start3A_586 = arith.constant 0 : i32
        %dma_start3A_587 = tpu.memref_slice %arg8[%dma_start3A_585, %dma_start3A_586] : memref<4x128xi32, #tpu.memory_space<vmem>> -> memref<1x128xi32, #tpu.memory_space<vmem>>
        %dma_start3A_588 = tpu.memref_squeeze %dma_start3A_587 : memref<1x128xi32, #tpu.memory_space<vmem>> -> memref<128xi32, #tpu.memory_space<vmem>>
        %dma_start3A_589 = tpu.memref_slice %arg5[%add3A_584] : memref<163840xi32, #tpu.memory_space<hbm>> -> memref<128xi32, #tpu.memory_space<hbm>>
        %dma_start3A_590 = arith.constant 0 : i32
        %dma_start3A_591 = tpu.memref_slice %arg8[%dma_start3A_585, %dma_start3A_590] : memref<4x128xi32, #tpu.memory_space<vmem>> -> memref<1x128xi32, #tpu.memory_space<vmem>>
        %dma_start3A_592 = tpu.memref_squeeze %dma_start3A_591 : memref<1x128xi32, #tpu.memory_space<vmem>> -> memref<128xi32, #tpu.memory_space<vmem>>
        %dma_start3A_593 = tpu.memref_slice %arg5[%add3A_584] : memref<163840xi32, #tpu.memory_space<hbm>> -> memref<128xi32, #tpu.memory_space<hbm>>
        tpu.enqueue_dma source(%dma_start3A_593 : memref<128xi32, #tpu.memory_space<hbm>>) target(%dma_start3A_592 : memref<128xi32, #tpu.memory_space<vmem>>) target_semaphore(%arg25 : memref<!tpu.dma_semaphore, #tpu.memory_space<semaphore_mem>>)
      } else {
      }
      %ge3A_394 = arith.constant 0 : i32
      %ge3A_395 = arith.cmpi sge, %sub3A_368, %ge3A_394 : i32
      %lt3A_396 = arith.constant 80 : i32
      %lt3A_397 = arith.cmpi slt, %sub3A_368, %lt3A_396 : i32
      %and3A_398 = arith.andi %ge3A_395, %lt3A_397 : i1
      %convert_element_type3A_399 = arith.extui %and3A_398 : i1 to i32
      %cond3A_400 = arith.constant 0 : i32
      %cond3A_401 = arith.cmpi ne, %convert_element_type3A_399, %cond3A_400 : i32
      scf.if %cond3A_401 {
        %mul3A_559 = arith.constant 163840 : i32
        %mul3A_560 = arith.muli %arg0, %mul3A_559 : i32
        %mul3A_561 = arith.constant 10240 : i32
        %mul3A_562 = arith.muli %arg1, %mul3A_561 : i32
        %add3A_563 = arith.addi %mul3A_560, %mul3A_562 : i32
        %mul3A_564 = arith.constant 128 : i32
        %mul3A_565 = arith.muli %sub3A_368, %mul3A_564 : i32
        %add3A_566 = arith.addi %add3A_563, %mul3A_565 : i32
        %multiple_of3A = tpu.assume_multiple %add3A_566, 8 : i32
        %dma_start3A = arith.constant 0 : i32
        %dma_start3A_567 = tpu.memref_slice %arg3[%multiple_of3A, %dma_start3A] : memref<327680x128xf32, #tpu.memory_space<hbm>> -> memref<128x128xf32, #tpu.memory_space<hbm>>
        %dma_start3A_568 = arith.constant 0 : i32
        %dma_start3A_569 = tpu.memref_slice %arg3[%multiple_of3A, %dma_start3A_568] : memref<327680x128xf32, #tpu.memory_space<hbm>> -> memref<128x128xf32, #tpu.memory_space<hbm>>
        tpu.enqueue_dma source(%dma_start3A_569 : memref<128x128xf32, #tpu.memory_space<hbm>>) target(%arg9 : memref<128x128xf32, #tpu.memory_space<vmem>>) target_semaphore(%arg16 : memref<!tpu.dma_semaphore, #tpu.memory_space<semaphore_mem>>)
      } else {
      }
      %mul3A_402 = arith.constant 12 : i32
      %mul3A_403 = arith.muli %scan3A_94, %mul3A_402 : i32
      %add3A_404 = arith.constant 8 : i32
      %add3A_405 = arith.addi %mul3A_403, %add3A_404 : i32
      %sub3A_406 = arith.constant 1 : i32
      %sub3A_407 = arith.subi %add3A_405, %sub3A_406 : i32
      %sub3A_408 = arith.constant 2 : i32
      %sub3A_409 = arith.subi %add3A_405, %sub3A_408 : i32
      %sub3A_410 = arith.constant 3 : i32
      %sub3A_411 = arith.subi %add3A_405, %sub3A_410 : i32
      %ge3A_412 = arith.constant 0 : i32
      %ge3A_413 = arith.cmpi sge, %sub3A_409, %ge3A_412 : i32
      %lt3A_414 = arith.constant 80 : i32
      %lt3A_415 = arith.cmpi slt, %sub3A_409, %lt3A_414 : i32
      %and3A_416 = arith.andi %ge3A_413, %lt3A_415 : i1
      %convert_element_type3A_417 = arith.extui %and3A_416 : i1 to i32
      %cond3A_418 = arith.constant 0 : i32
      %cond3A_419 = arith.cmpi ne, %convert_element_type3A_417, %cond3A_418 : i32
      scf.if %cond3A_419 {
        %mul3A_559 = arith.constant 163840 : i32
        %mul3A_560 = arith.muli %arg0, %mul3A_559 : i32
        %mul3A_561 = arith.constant 10240 : i32
        %mul3A_562 = arith.muli %arg1, %mul3A_561 : i32
        %add3A_563 = arith.addi %mul3A_560, %mul3A_562 : i32
        %mul3A_564 = arith.constant 128 : i32
        %mul3A_565 = arith.muli %sub3A_409, %mul3A_564 : i32
        %add3A_566 = arith.addi %add3A_563, %mul3A_565 : i32
        %multiple_of3A = tpu.assume_multiple %add3A_566, 8 : i32
        %dma_wait3A_567 = arith.constant 0 : i32
        %dma_wait3A_568 = tpu.memref_slice %arg3[%multiple_of3A, %dma_wait3A_567] : memref<327680x128xf32, #tpu.memory_space<hbm>> -> memref<128x128xf32, #tpu.memory_space<hbm>>
        %dma_wait3A_569 = arith.constant 0 : i32
        %dma_wait3A_570 = tpu.memref_slice %arg3[%multiple_of3A, %dma_wait3A_569] : memref<327680x128xf32, #tpu.memory_space<hbm>> -> memref<128x128xf32, #tpu.memory_space<hbm>>
        tpu.wait_dma2 semaphore(%arg16 : memref<!tpu.dma_semaphore, #tpu.memory_space<semaphore_mem>>) src(%dma_wait3A_570 : memref<128x128xf32, #tpu.memory_space<hbm>>) dst(%arg9 : memref<128x128xf32, #tpu.memory_space<vmem>>)
        %mul3A_571 = arith.constant 163840 : i32
        %mul3A_572 = arith.muli %arg0, %mul3A_571 : i32
        %mul3A_573 = arith.constant 10240 : i32
        %mul3A_574 = arith.muli %arg1, %mul3A_573 : i32
        %add3A_575 = arith.addi %mul3A_572, %mul3A_574 : i32
        %mul3A_576 = arith.constant 128 : i32
        %mul3A_577 = arith.muli %sub3A_409, %mul3A_576 : i32
        %add3A_578 = arith.addi %add3A_575, %mul3A_577 : i32
        %dma_wait3A_579 = arith.constant 0 : i32
        %dma_wait3A_580 = arith.constant 0 : i32
        %dma_wait3A_581 = tpu.memref_slice %arg7[%dma_wait3A_579, %dma_wait3A_580] : memref<3x128xi32, #tpu.memory_space<vmem>> -> memref<1x128xi32, #tpu.memory_space<vmem>>
        %dma_wait3A_582 = tpu.memref_squeeze %dma_wait3A_581 : memref<1x128xi32, #tpu.memory_space<vmem>> -> memref<128xi32, #tpu.memory_space<vmem>>
        %dma_wait3A_583 = tpu.memref_slice %arg4[%add3A_578] : memref<327680xi32, #tpu.memory_space<hbm>> -> memref<128xi32, #tpu.memory_space<hbm>>
        %dma_wait3A_584 = arith.constant 0 : i32
        %dma_wait3A_585 = tpu.memref_slice %arg7[%dma_wait3A_579, %dma_wait3A_584] : memref<3x128xi32, #tpu.memory_space<vmem>> -> memref<1x128xi32, #tpu.memory_space<vmem>>
        %dma_wait3A_586 = tpu.memref_squeeze %dma_wait3A_585 : memref<1x128xi32, #tpu.memory_space<vmem>> -> memref<128xi32, #tpu.memory_space<vmem>>
        %dma_wait3A_587 = tpu.memref_slice %arg4[%add3A_578] : memref<327680xi32, #tpu.memory_space<hbm>> -> memref<128xi32, #tpu.memory_space<hbm>>
        tpu.wait_dma2 semaphore(%arg13 : memref<!tpu.dma_semaphore, #tpu.memory_space<semaphore_mem>>) src(%dma_wait3A_587 : memref<128xi32, #tpu.memory_space<hbm>>) dst(%dma_wait3A_586 : memref<128xi32, #tpu.memory_space<vmem>>)
        %dma_start3A = arith.constant 0 : i32
        %dma_start3A_588 = arith.constant 0 : i32
        %dma_start3A_589 = tpu.memref_slice %arg7[%dma_start3A, %dma_start3A_588] : memref<3x128xi32, #tpu.memory_space<vmem>> -> memref<1x128xi32, #tpu.memory_space<vmem>>
        %dma_start3A_590 = tpu.memref_squeeze %dma_start3A_589 : memref<1x128xi32, #tpu.memory_space<vmem>> -> memref<128xi32, #tpu.memory_space<vmem>>
        %dma_start3A_591 = arith.constant 0 : i32
        %dma_start3A_592 = arith.constant 0 : i32
        %dma_start3A_593 = tpu.memref_slice %arg2[%dma_start3A_591, %dma_start3A_592] : memref<20000x128xf32, #tpu.memory_space<hbm>> -> memref<20000x128xf32, #tpu.memory_space<hbm>>
        tpu.enqueue_indirect_dma source(%dma_start3A_593 : memref<20000x128xf32, #tpu.memory_space<hbm>>) target(%arg9 : memref<128x128xf32, #tpu.memory_space<vmem>>) offsets(%dma_start3A_590 : memref<128xi32, #tpu.memory_space<vmem>>) semaphore(%arg19 : memref<!tpu.dma_semaphore, #tpu.memory_space<semaphore_mem>>) {add = true}
      } else {
      }
      %ge3A_420 = arith.constant 0 : i32
      %ge3A_421 = arith.cmpi sge, %sub3A_411, %ge3A_420 : i32
      %lt3A_422 = arith.constant 80 : i32
      %lt3A_423 = arith.cmpi slt, %sub3A_411, %lt3A_422 : i32
      %and3A_424 = arith.andi %ge3A_421, %lt3A_423 : i1
      %convert_element_type3A_425 = arith.extui %and3A_424 : i1 to i32
      %cond3A_426 = arith.constant 0 : i32
      %cond3A_427 = arith.cmpi ne, %convert_element_type3A_425, %cond3A_426 : i32
      scf.if %cond3A_427 {
        %dma_wait3A_559 = arith.constant 2 : i32
        %dma_wait3A_560 = arith.constant 0 : i32
        %dma_wait3A_561 = tpu.memref_slice %arg7[%dma_wait3A_559, %dma_wait3A_560] : memref<3x128xi32, #tpu.memory_space<vmem>> -> memref<1x128xi32, #tpu.memory_space<vmem>>
        %dma_wait3A_562 = tpu.memref_squeeze %dma_wait3A_561 : memref<1x128xi32, #tpu.memory_space<vmem>> -> memref<128xi32, #tpu.memory_space<vmem>>
        %dma_wait3A_563 = arith.constant 0 : i32
        %dma_wait3A_564 = arith.constant 0 : i32
        %dma_wait3A_565 = tpu.memref_slice %arg2[%dma_wait3A_563, %dma_wait3A_564] : memref<20000x128xf32, #tpu.memory_space<hbm>> -> memref<20000x128xf32, #tpu.memory_space<hbm>>
        tpu.wait_indirect_dma semaphore(%arg21 : memref<!tpu.dma_semaphore, #tpu.memory_space<semaphore_mem>>) src(%dma_wait3A_565 : memref<20000x128xf32, #tpu.memory_space<hbm>>) dst(%arg11 : memref<128x128xf32, #tpu.memory_space<vmem>>)
        %mul3A_566 = arith.constant 10240 : i32
        %mul3A_567 = arith.muli %arg1, %mul3A_566 : i32
        %mul3A_568 = arith.constant 128 : i32
        %mul3A_569 = arith.muli %sub3A_411, %mul3A_568 : i32
        %add3A_570 = arith.addi %mul3A_567, %mul3A_569 : i32
        %dma_wait3A_571 = arith.constant 1 : i32
        %dma_wait3A_572 = arith.constant 0 : i32
        %dma_wait3A_573 = tpu.memref_slice %arg8[%dma_wait3A_571, %dma_wait3A_572] : memref<4x128xi32, #tpu.memory_space<vmem>> -> memref<1x128xi32, #tpu.memory_space<vmem>>
        %dma_wait3A_574 = tpu.memref_squeeze %dma_wait3A_573 : memref<1x128xi32, #tpu.memory_space<vmem>> -> memref<128xi32, #tpu.memory_space<vmem>>
        %dma_wait3A_575 = tpu.memref_slice %arg5[%add3A_570] : memref<163840xi32, #tpu.memory_space<hbm>> -> memref<128xi32, #tpu.memory_space<hbm>>
        %dma_wait3A_576 = arith.constant 0 : i32
        %dma_wait3A_577 = tpu.memref_slice %arg8[%dma_wait3A_571, %dma_wait3A_576] : memref<4x128xi32, #tpu.memory_space<vmem>> -> memref<1x128xi32, #tpu.memory_space<vmem>>
        %dma_wait3A_578 = tpu.memref_squeeze %dma_wait3A_577 : memref<1x128xi32, #tpu.memory_space<vmem>> -> memref<128xi32, #tpu.memory_space<vmem>>
        %dma_wait3A_579 = tpu.memref_slice %arg5[%add3A_570] : memref<163840xi32, #tpu.memory_space<hbm>> -> memref<128xi32, #tpu.memory_space<hbm>>
        tpu.wait_dma2 semaphore(%arg23 : memref<!tpu.dma_semaphore, #tpu.memory_space<semaphore_mem>>) src(%dma_wait3A_579 : memref<128xi32, #tpu.memory_space<hbm>>) dst(%dma_wait3A_578 : memref<128xi32, #tpu.memory_space<vmem>>)
        %scan3A_580 = arith.constant 0 : i32
        %scan3A_581 = arith.constant 0 : i32
        %scan3A_582 = arith.constant 0 : i32
        %scan3A_583 = arith.addi %scan3A_581, %scan3A_582 : i32
        %scan3A_584 = arith.constant 0 : i32
        %dma_start3A = arith.constant 1 : i32
        %dma_start3A_585 = arith.constant 0 : i32
        %dma_start3A_586 = tpu.memref_slice %arg8[%dma_start3A, %dma_start3A_585] : memref<4x128xi32, #tpu.memory_space<vmem>> -> memref<1x128xi32, #tpu.memory_space<vmem>>
        %dma_start3A_587 = tpu.memref_squeeze %dma_start3A_586 : memref<1x128xi32, #tpu.memory_space<vmem>> -> memref<128xi32, #tpu.memory_space<vmem>>
        %dma_start3A_588 = arith.constant 0 : i32
        %dma_start3A_589 = arith.constant 0 : i32
        %dma_start3A_590 = tpu.memref_slice %arg12[%dma_start3A_588, %dma_start3A_589] : memref<10112x128xf32, #tpu.memory_space<vmem_shared>> -> memref<10112x128xf32, #tpu.memory_space<vmem_shared>>
        tpu.enqueue_indirect_dma source(%arg11 : memref<128x128xf32, #tpu.memory_space<vmem>>) target(%dma_start3A_590 : memref<10112x128xf32, #tpu.memory_space<vmem_shared>>) offsets(%dma_start3A_587 : memref<128xi32, #tpu.memory_space<vmem>>) semaphore(%arg27 : memref<!tpu.dma_semaphore, #tpu.memory_space<semaphore_mem>>) {add = true}
      } else {
      }
      %lt3A_428 = arith.constant 80 : i32
      %lt3A_429 = arith.cmpi slt, %add3A_405, %lt3A_428 : i32
      %convert_element_type3A_430 = arith.extui %lt3A_429 : i1 to i32
      %cond3A_431 = arith.constant 0 : i32
      %cond3A_432 = arith.cmpi ne, %convert_element_type3A_430, %cond3A_431 : i32
      scf.if %cond3A_432 {
        %ge3A_559 = arith.constant 4 : i32
        %ge3A_560 = arith.cmpi sge, %add3A_405, %ge3A_559 : i32
        %convert_element_type3A_561 = arith.extui %ge3A_560 : i1 to i32
        %cond3A_562 = arith.constant 0 : i32
        %cond3A_563 = arith.cmpi ne, %convert_element_type3A_561, %cond3A_562 : i32
        scf.if %cond3A_563 {
          %dma_wait3A_594 = arith.constant 0 : i32
          %dma_wait3A_595 = arith.constant 0 : i32
          %dma_wait3A_596 = tpu.memref_slice %arg8[%dma_wait3A_594, %dma_wait3A_595] : memref<4x128xi32, #tpu.memory_space<vmem>> -> memref<1x128xi32, #tpu.memory_space<vmem>>
          %dma_wait3A_597 = tpu.memref_squeeze %dma_wait3A_596 : memref<1x128xi32, #tpu.memory_space<vmem>> -> memref<128xi32, #tpu.memory_space<vmem>>
          %dma_wait3A_598 = arith.constant 0 : i32
          %dma_wait3A_599 = arith.constant 0 : i32
          %dma_wait3A_600 = tpu.memref_slice %arg12[%dma_wait3A_598, %dma_wait3A_599] : memref<10112x128xf32, #tpu.memory_space<vmem_shared>> -> memref<10112x128xf32, #tpu.memory_space<vmem_shared>>
          tpu.wait_indirect_dma semaphore(%arg26 : memref<!tpu.dma_semaphore, #tpu.memory_space<semaphore_mem>>) src(%arg10 : memref<128x128xf32, #tpu.memory_space<vmem>>) dst(%dma_wait3A_600 : memref<10112x128xf32, #tpu.memory_space<vmem_shared>>)
        } else {
        }
        %mul3A_564 = arith.constant 163840 : i32
        %mul3A_565 = arith.muli %arg0, %mul3A_564 : i32
        %mul3A_566 = arith.constant 10240 : i32
        %mul3A_567 = arith.muli %arg1, %mul3A_566 : i32
        %add3A_568 = arith.addi %mul3A_565, %mul3A_567 : i32
        %mul3A_569 = arith.constant 128 : i32
        %mul3A_570 = arith.muli %add3A_405, %mul3A_569 : i32
        %add3A_571 = arith.addi %add3A_568, %mul3A_570 : i32
        %dma_start3A = arith.constant 2 : i32
        %dma_start3A_572 = arith.constant 0 : i32
        %dma_start3A_573 = tpu.memref_slice %arg7[%dma_start3A, %dma_start3A_572] : memref<3x128xi32, #tpu.memory_space<vmem>> -> memref<1x128xi32, #tpu.memory_space<vmem>>
        %dma_start3A_574 = tpu.memref_squeeze %dma_start3A_573 : memref<1x128xi32, #tpu.memory_space<vmem>> -> memref<128xi32, #tpu.memory_space<vmem>>
        %dma_start3A_575 = tpu.memref_slice %arg4[%add3A_571] : memref<327680xi32, #tpu.memory_space<hbm>> -> memref<128xi32, #tpu.memory_space<hbm>>
        %dma_start3A_576 = arith.constant 0 : i32
        %dma_start3A_577 = tpu.memref_slice %arg7[%dma_start3A, %dma_start3A_576] : memref<3x128xi32, #tpu.memory_space<vmem>> -> memref<1x128xi32, #tpu.memory_space<vmem>>
        %dma_start3A_578 = tpu.memref_squeeze %dma_start3A_577 : memref<1x128xi32, #tpu.memory_space<vmem>> -> memref<128xi32, #tpu.memory_space<vmem>>
        %dma_start3A_579 = tpu.memref_slice %arg4[%add3A_571] : memref<327680xi32, #tpu.memory_space<hbm>> -> memref<128xi32, #tpu.memory_space<hbm>>
        tpu.enqueue_dma source(%dma_start3A_579 : memref<128xi32, #tpu.memory_space<hbm>>) target(%dma_start3A_578 : memref<128xi32, #tpu.memory_space<vmem>>) target_semaphore(%arg15 : memref<!tpu.dma_semaphore, #tpu.memory_space<semaphore_mem>>)
        %mul3A_580 = arith.constant 10240 : i32
        %mul3A_581 = arith.muli %arg1, %mul3A_580 : i32
        %mul3A_582 = arith.constant 128 : i32
        %mul3A_583 = arith.muli %add3A_405, %mul3A_582 : i32
        %add3A_584 = arith.addi %mul3A_581, %mul3A_583 : i32
        %dma_start3A_585 = arith.constant 0 : i32
        %dma_start3A_586 = arith.constant 0 : i32
        %dma_start3A_587 = tpu.memref_slice %arg8[%dma_start3A_585, %dma_start3A_586] : memref<4x128xi32, #tpu.memory_space<vmem>> -> memref<1x128xi32, #tpu.memory_space<vmem>>
        %dma_start3A_588 = tpu.memref_squeeze %dma_start3A_587 : memref<1x128xi32, #tpu.memory_space<vmem>> -> memref<128xi32, #tpu.memory_space<vmem>>
        %dma_start3A_589 = tpu.memref_slice %arg5[%add3A_584] : memref<163840xi32, #tpu.memory_space<hbm>> -> memref<128xi32, #tpu.memory_space<hbm>>
        %dma_start3A_590 = arith.constant 0 : i32
        %dma_start3A_591 = tpu.memref_slice %arg8[%dma_start3A_585, %dma_start3A_590] : memref<4x128xi32, #tpu.memory_space<vmem>> -> memref<1x128xi32, #tpu.memory_space<vmem>>
        %dma_start3A_592 = tpu.memref_squeeze %dma_start3A_591 : memref<1x128xi32, #tpu.memory_space<vmem>> -> memref<128xi32, #tpu.memory_space<vmem>>
        %dma_start3A_593 = tpu.memref_slice %arg5[%add3A_584] : memref<163840xi32, #tpu.memory_space<hbm>> -> memref<128xi32, #tpu.memory_space<hbm>>
        tpu.enqueue_dma source(%dma_start3A_593 : memref<128xi32, #tpu.memory_space<hbm>>) target(%dma_start3A_592 : memref<128xi32, #tpu.memory_space<vmem>>) target_semaphore(%arg22 : memref<!tpu.dma_semaphore, #tpu.memory_space<semaphore_mem>>)
      } else {
      }
      %ge3A_433 = arith.constant 0 : i32
      %ge3A_434 = arith.cmpi sge, %sub3A_407, %ge3A_433 : i32
      %lt3A_435 = arith.constant 80 : i32
      %lt3A_436 = arith.cmpi slt, %sub3A_407, %lt3A_435 : i32
      %and3A_437 = arith.andi %ge3A_434, %lt3A_436 : i1
      %convert_element_type3A_438 = arith.extui %and3A_437 : i1 to i32
      %cond3A_439 = arith.constant 0 : i32
      %cond3A_440 = arith.cmpi ne, %convert_element_type3A_438, %cond3A_439 : i32
      scf.if %cond3A_440 {
        %mul3A_559 = arith.constant 163840 : i32
        %mul3A_560 = arith.muli %arg0, %mul3A_559 : i32
        %mul3A_561 = arith.constant 10240 : i32
        %mul3A_562 = arith.muli %arg1, %mul3A_561 : i32
        %add3A_563 = arith.addi %mul3A_560, %mul3A_562 : i32
        %mul3A_564 = arith.constant 128 : i32
        %mul3A_565 = arith.muli %sub3A_407, %mul3A_564 : i32
        %add3A_566 = arith.addi %add3A_563, %mul3A_565 : i32
        %multiple_of3A = tpu.assume_multiple %add3A_566, 8 : i32
        %dma_start3A = arith.constant 0 : i32
        %dma_start3A_567 = tpu.memref_slice %arg3[%multiple_of3A, %dma_start3A] : memref<327680x128xf32, #tpu.memory_space<hbm>> -> memref<128x128xf32, #tpu.memory_space<hbm>>
        %dma_start3A_568 = arith.constant 0 : i32
        %dma_start3A_569 = tpu.memref_slice %arg3[%multiple_of3A, %dma_start3A_568] : memref<327680x128xf32, #tpu.memory_space<hbm>> -> memref<128x128xf32, #tpu.memory_space<hbm>>
        tpu.enqueue_dma source(%dma_start3A_569 : memref<128x128xf32, #tpu.memory_space<hbm>>) target(%arg10 : memref<128x128xf32, #tpu.memory_space<vmem>>) target_semaphore(%arg17 : memref<!tpu.dma_semaphore, #tpu.memory_space<semaphore_mem>>)
      } else {
      }
      %mul3A_441 = arith.constant 12 : i32
      %mul3A_442 = arith.muli %scan3A_94, %mul3A_441 : i32
      %add3A_443 = arith.constant 9 : i32
      %add3A_444 = arith.addi %mul3A_442, %add3A_443 : i32
      %sub3A_445 = arith.constant 1 : i32
      %sub3A_446 = arith.subi %add3A_444, %sub3A_445 : i32
      %sub3A_447 = arith.constant 2 : i32
      %sub3A_448 = arith.subi %add3A_444, %sub3A_447 : i32
      %sub3A_449 = arith.constant 3 : i32
      %sub3A_450 = arith.subi %add3A_444, %sub3A_449 : i32
      %ge3A_451 = arith.constant 0 : i32
      %ge3A_452 = arith.cmpi sge, %sub3A_448, %ge3A_451 : i32
      %lt3A_453 = arith.constant 80 : i32
      %lt3A_454 = arith.cmpi slt, %sub3A_448, %lt3A_453 : i32
      %and3A_455 = arith.andi %ge3A_452, %lt3A_454 : i1
      %convert_element_type3A_456 = arith.extui %and3A_455 : i1 to i32
      %cond3A_457 = arith.constant 0 : i32
      %cond3A_458 = arith.cmpi ne, %convert_element_type3A_456, %cond3A_457 : i32
      scf.if %cond3A_458 {
        %mul3A_559 = arith.constant 163840 : i32
        %mul3A_560 = arith.muli %arg0, %mul3A_559 : i32
        %mul3A_561 = arith.constant 10240 : i32
        %mul3A_562 = arith.muli %arg1, %mul3A_561 : i32
        %add3A_563 = arith.addi %mul3A_560, %mul3A_562 : i32
        %mul3A_564 = arith.constant 128 : i32
        %mul3A_565 = arith.muli %sub3A_448, %mul3A_564 : i32
        %add3A_566 = arith.addi %add3A_563, %mul3A_565 : i32
        %multiple_of3A = tpu.assume_multiple %add3A_566, 8 : i32
        %dma_wait3A_567 = arith.constant 0 : i32
        %dma_wait3A_568 = tpu.memref_slice %arg3[%multiple_of3A, %dma_wait3A_567] : memref<327680x128xf32, #tpu.memory_space<hbm>> -> memref<128x128xf32, #tpu.memory_space<hbm>>
        %dma_wait3A_569 = arith.constant 0 : i32
        %dma_wait3A_570 = tpu.memref_slice %arg3[%multiple_of3A, %dma_wait3A_569] : memref<327680x128xf32, #tpu.memory_space<hbm>> -> memref<128x128xf32, #tpu.memory_space<hbm>>
        tpu.wait_dma2 semaphore(%arg17 : memref<!tpu.dma_semaphore, #tpu.memory_space<semaphore_mem>>) src(%dma_wait3A_570 : memref<128x128xf32, #tpu.memory_space<hbm>>) dst(%arg10 : memref<128x128xf32, #tpu.memory_space<vmem>>)
        %mul3A_571 = arith.constant 163840 : i32
        %mul3A_572 = arith.muli %arg0, %mul3A_571 : i32
        %mul3A_573 = arith.constant 10240 : i32
        %mul3A_574 = arith.muli %arg1, %mul3A_573 : i32
        %add3A_575 = arith.addi %mul3A_572, %mul3A_574 : i32
        %mul3A_576 = arith.constant 128 : i32
        %mul3A_577 = arith.muli %sub3A_448, %mul3A_576 : i32
        %add3A_578 = arith.addi %add3A_575, %mul3A_577 : i32
        %dma_wait3A_579 = arith.constant 1 : i32
        %dma_wait3A_580 = arith.constant 0 : i32
        %dma_wait3A_581 = tpu.memref_slice %arg7[%dma_wait3A_579, %dma_wait3A_580] : memref<3x128xi32, #tpu.memory_space<vmem>> -> memref<1x128xi32, #tpu.memory_space<vmem>>
        %dma_wait3A_582 = tpu.memref_squeeze %dma_wait3A_581 : memref<1x128xi32, #tpu.memory_space<vmem>> -> memref<128xi32, #tpu.memory_space<vmem>>
        %dma_wait3A_583 = tpu.memref_slice %arg4[%add3A_578] : memref<327680xi32, #tpu.memory_space<hbm>> -> memref<128xi32, #tpu.memory_space<hbm>>
        %dma_wait3A_584 = arith.constant 0 : i32
        %dma_wait3A_585 = tpu.memref_slice %arg7[%dma_wait3A_579, %dma_wait3A_584] : memref<3x128xi32, #tpu.memory_space<vmem>> -> memref<1x128xi32, #tpu.memory_space<vmem>>
        %dma_wait3A_586 = tpu.memref_squeeze %dma_wait3A_585 : memref<1x128xi32, #tpu.memory_space<vmem>> -> memref<128xi32, #tpu.memory_space<vmem>>
        %dma_wait3A_587 = tpu.memref_slice %arg4[%add3A_578] : memref<327680xi32, #tpu.memory_space<hbm>> -> memref<128xi32, #tpu.memory_space<hbm>>
        tpu.wait_dma2 semaphore(%arg14 : memref<!tpu.dma_semaphore, #tpu.memory_space<semaphore_mem>>) src(%dma_wait3A_587 : memref<128xi32, #tpu.memory_space<hbm>>) dst(%dma_wait3A_586 : memref<128xi32, #tpu.memory_space<vmem>>)
        %dma_start3A = arith.constant 1 : i32
        %dma_start3A_588 = arith.constant 0 : i32
        %dma_start3A_589 = tpu.memref_slice %arg7[%dma_start3A, %dma_start3A_588] : memref<3x128xi32, #tpu.memory_space<vmem>> -> memref<1x128xi32, #tpu.memory_space<vmem>>
        %dma_start3A_590 = tpu.memref_squeeze %dma_start3A_589 : memref<1x128xi32, #tpu.memory_space<vmem>> -> memref<128xi32, #tpu.memory_space<vmem>>
        %dma_start3A_591 = arith.constant 0 : i32
        %dma_start3A_592 = arith.constant 0 : i32
        %dma_start3A_593 = tpu.memref_slice %arg2[%dma_start3A_591, %dma_start3A_592] : memref<20000x128xf32, #tpu.memory_space<hbm>> -> memref<20000x128xf32, #tpu.memory_space<hbm>>
        tpu.enqueue_indirect_dma source(%dma_start3A_593 : memref<20000x128xf32, #tpu.memory_space<hbm>>) target(%arg10 : memref<128x128xf32, #tpu.memory_space<vmem>>) offsets(%dma_start3A_590 : memref<128xi32, #tpu.memory_space<vmem>>) semaphore(%arg20 : memref<!tpu.dma_semaphore, #tpu.memory_space<semaphore_mem>>) {add = true}
      } else {
      }
      %ge3A_459 = arith.constant 0 : i32
      %ge3A_460 = arith.cmpi sge, %sub3A_450, %ge3A_459 : i32
      %lt3A_461 = arith.constant 80 : i32
      %lt3A_462 = arith.cmpi slt, %sub3A_450, %lt3A_461 : i32
      %and3A_463 = arith.andi %ge3A_460, %lt3A_462 : i1
      %convert_element_type3A_464 = arith.extui %and3A_463 : i1 to i32
      %cond3A_465 = arith.constant 0 : i32
      %cond3A_466 = arith.cmpi ne, %convert_element_type3A_464, %cond3A_465 : i32
      scf.if %cond3A_466 {
        %dma_wait3A_559 = arith.constant 0 : i32
        %dma_wait3A_560 = arith.constant 0 : i32
        %dma_wait3A_561 = tpu.memref_slice %arg7[%dma_wait3A_559, %dma_wait3A_560] : memref<3x128xi32, #tpu.memory_space<vmem>> -> memref<1x128xi32, #tpu.memory_space<vmem>>
        %dma_wait3A_562 = tpu.memref_squeeze %dma_wait3A_561 : memref<1x128xi32, #tpu.memory_space<vmem>> -> memref<128xi32, #tpu.memory_space<vmem>>
        %dma_wait3A_563 = arith.constant 0 : i32
        %dma_wait3A_564 = arith.constant 0 : i32
        %dma_wait3A_565 = tpu.memref_slice %arg2[%dma_wait3A_563, %dma_wait3A_564] : memref<20000x128xf32, #tpu.memory_space<hbm>> -> memref<20000x128xf32, #tpu.memory_space<hbm>>
        tpu.wait_indirect_dma semaphore(%arg19 : memref<!tpu.dma_semaphore, #tpu.memory_space<semaphore_mem>>) src(%dma_wait3A_565 : memref<20000x128xf32, #tpu.memory_space<hbm>>) dst(%arg9 : memref<128x128xf32, #tpu.memory_space<vmem>>)
        %mul3A_566 = arith.constant 10240 : i32
        %mul3A_567 = arith.muli %arg1, %mul3A_566 : i32
        %mul3A_568 = arith.constant 128 : i32
        %mul3A_569 = arith.muli %sub3A_450, %mul3A_568 : i32
        %add3A_570 = arith.addi %mul3A_567, %mul3A_569 : i32
        %dma_wait3A_571 = arith.constant 2 : i32
        %dma_wait3A_572 = arith.constant 0 : i32
        %dma_wait3A_573 = tpu.memref_slice %arg8[%dma_wait3A_571, %dma_wait3A_572] : memref<4x128xi32, #tpu.memory_space<vmem>> -> memref<1x128xi32, #tpu.memory_space<vmem>>
        %dma_wait3A_574 = tpu.memref_squeeze %dma_wait3A_573 : memref<1x128xi32, #tpu.memory_space<vmem>> -> memref<128xi32, #tpu.memory_space<vmem>>
        %dma_wait3A_575 = tpu.memref_slice %arg5[%add3A_570] : memref<163840xi32, #tpu.memory_space<hbm>> -> memref<128xi32, #tpu.memory_space<hbm>>
        %dma_wait3A_576 = arith.constant 0 : i32
        %dma_wait3A_577 = tpu.memref_slice %arg8[%dma_wait3A_571, %dma_wait3A_576] : memref<4x128xi32, #tpu.memory_space<vmem>> -> memref<1x128xi32, #tpu.memory_space<vmem>>
        %dma_wait3A_578 = tpu.memref_squeeze %dma_wait3A_577 : memref<1x128xi32, #tpu.memory_space<vmem>> -> memref<128xi32, #tpu.memory_space<vmem>>
        %dma_wait3A_579 = tpu.memref_slice %arg5[%add3A_570] : memref<163840xi32, #tpu.memory_space<hbm>> -> memref<128xi32, #tpu.memory_space<hbm>>
        tpu.wait_dma2 semaphore(%arg24 : memref<!tpu.dma_semaphore, #tpu.memory_space<semaphore_mem>>) src(%dma_wait3A_579 : memref<128xi32, #tpu.memory_space<hbm>>) dst(%dma_wait3A_578 : memref<128xi32, #tpu.memory_space<vmem>>)
        %scan3A_580 = arith.constant 0 : i32
        %scan3A_581 = arith.constant 0 : i32
        %scan3A_582 = arith.constant 0 : i32
        %scan3A_583 = arith.addi %scan3A_581, %scan3A_582 : i32
        %scan3A_584 = arith.constant 0 : i32
        %dma_start3A = arith.constant 2 : i32
        %dma_start3A_585 = arith.constant 0 : i32
        %dma_start3A_586 = tpu.memref_slice %arg8[%dma_start3A, %dma_start3A_585] : memref<4x128xi32, #tpu.memory_space<vmem>> -> memref<1x128xi32, #tpu.memory_space<vmem>>
        %dma_start3A_587 = tpu.memref_squeeze %dma_start3A_586 : memref<1x128xi32, #tpu.memory_space<vmem>> -> memref<128xi32, #tpu.memory_space<vmem>>
        %dma_start3A_588 = arith.constant 0 : i32
        %dma_start3A_589 = arith.constant 0 : i32
        %dma_start3A_590 = tpu.memref_slice %arg12[%dma_start3A_588, %dma_start3A_589] : memref<10112x128xf32, #tpu.memory_space<vmem_shared>> -> memref<10112x128xf32, #tpu.memory_space<vmem_shared>>
        tpu.enqueue_indirect_dma source(%arg9 : memref<128x128xf32, #tpu.memory_space<vmem>>) target(%dma_start3A_590 : memref<10112x128xf32, #tpu.memory_space<vmem_shared>>) offsets(%dma_start3A_587 : memref<128xi32, #tpu.memory_space<vmem>>) semaphore(%arg28 : memref<!tpu.dma_semaphore, #tpu.memory_space<semaphore_mem>>) {add = true}
      } else {
      }
      %lt3A_467 = arith.constant 80 : i32
      %lt3A_468 = arith.cmpi slt, %add3A_444, %lt3A_467 : i32
      %convert_element_type3A_469 = arith.extui %lt3A_468 : i1 to i32
      %cond3A_470 = arith.constant 0 : i32
      %cond3A_471 = arith.cmpi ne, %convert_element_type3A_469, %cond3A_470 : i32
      scf.if %cond3A_471 {
        %ge3A_559 = arith.constant 4 : i32
        %ge3A_560 = arith.cmpi sge, %add3A_444, %ge3A_559 : i32
        %convert_element_type3A_561 = arith.extui %ge3A_560 : i1 to i32
        %cond3A_562 = arith.constant 0 : i32
        %cond3A_563 = arith.cmpi ne, %convert_element_type3A_561, %cond3A_562 : i32
        scf.if %cond3A_563 {
          %dma_wait3A_594 = arith.constant 1 : i32
          %dma_wait3A_595 = arith.constant 0 : i32
          %dma_wait3A_596 = tpu.memref_slice %arg8[%dma_wait3A_594, %dma_wait3A_595] : memref<4x128xi32, #tpu.memory_space<vmem>> -> memref<1x128xi32, #tpu.memory_space<vmem>>
          %dma_wait3A_597 = tpu.memref_squeeze %dma_wait3A_596 : memref<1x128xi32, #tpu.memory_space<vmem>> -> memref<128xi32, #tpu.memory_space<vmem>>
          %dma_wait3A_598 = arith.constant 0 : i32
          %dma_wait3A_599 = arith.constant 0 : i32
          %dma_wait3A_600 = tpu.memref_slice %arg12[%dma_wait3A_598, %dma_wait3A_599] : memref<10112x128xf32, #tpu.memory_space<vmem_shared>> -> memref<10112x128xf32, #tpu.memory_space<vmem_shared>>
          tpu.wait_indirect_dma semaphore(%arg27 : memref<!tpu.dma_semaphore, #tpu.memory_space<semaphore_mem>>) src(%arg11 : memref<128x128xf32, #tpu.memory_space<vmem>>) dst(%dma_wait3A_600 : memref<10112x128xf32, #tpu.memory_space<vmem_shared>>)
        } else {
        }
        %mul3A_564 = arith.constant 163840 : i32
        %mul3A_565 = arith.muli %arg0, %mul3A_564 : i32
        %mul3A_566 = arith.constant 10240 : i32
        %mul3A_567 = arith.muli %arg1, %mul3A_566 : i32
        %add3A_568 = arith.addi %mul3A_565, %mul3A_567 : i32
        %mul3A_569 = arith.constant 128 : i32
        %mul3A_570 = arith.muli %add3A_444, %mul3A_569 : i32
        %add3A_571 = arith.addi %add3A_568, %mul3A_570 : i32
        %dma_start3A = arith.constant 0 : i32
        %dma_start3A_572 = arith.constant 0 : i32
        %dma_start3A_573 = tpu.memref_slice %arg7[%dma_start3A, %dma_start3A_572] : memref<3x128xi32, #tpu.memory_space<vmem>> -> memref<1x128xi32, #tpu.memory_space<vmem>>
        %dma_start3A_574 = tpu.memref_squeeze %dma_start3A_573 : memref<1x128xi32, #tpu.memory_space<vmem>> -> memref<128xi32, #tpu.memory_space<vmem>>
        %dma_start3A_575 = tpu.memref_slice %arg4[%add3A_571] : memref<327680xi32, #tpu.memory_space<hbm>> -> memref<128xi32, #tpu.memory_space<hbm>>
        %dma_start3A_576 = arith.constant 0 : i32
        %dma_start3A_577 = tpu.memref_slice %arg7[%dma_start3A, %dma_start3A_576] : memref<3x128xi32, #tpu.memory_space<vmem>> -> memref<1x128xi32, #tpu.memory_space<vmem>>
        %dma_start3A_578 = tpu.memref_squeeze %dma_start3A_577 : memref<1x128xi32, #tpu.memory_space<vmem>> -> memref<128xi32, #tpu.memory_space<vmem>>
        %dma_start3A_579 = tpu.memref_slice %arg4[%add3A_571] : memref<327680xi32, #tpu.memory_space<hbm>> -> memref<128xi32, #tpu.memory_space<hbm>>
        tpu.enqueue_dma source(%dma_start3A_579 : memref<128xi32, #tpu.memory_space<hbm>>) target(%dma_start3A_578 : memref<128xi32, #tpu.memory_space<vmem>>) target_semaphore(%arg13 : memref<!tpu.dma_semaphore, #tpu.memory_space<semaphore_mem>>)
        %mul3A_580 = arith.constant 10240 : i32
        %mul3A_581 = arith.muli %arg1, %mul3A_580 : i32
        %mul3A_582 = arith.constant 128 : i32
        %mul3A_583 = arith.muli %add3A_444, %mul3A_582 : i32
        %add3A_584 = arith.addi %mul3A_581, %mul3A_583 : i32
        %dma_start3A_585 = arith.constant 1 : i32
        %dma_start3A_586 = arith.constant 0 : i32
        %dma_start3A_587 = tpu.memref_slice %arg8[%dma_start3A_585, %dma_start3A_586] : memref<4x128xi32, #tpu.memory_space<vmem>> -> memref<1x128xi32, #tpu.memory_space<vmem>>
        %dma_start3A_588 = tpu.memref_squeeze %dma_start3A_587 : memref<1x128xi32, #tpu.memory_space<vmem>> -> memref<128xi32, #tpu.memory_space<vmem>>
        %dma_start3A_589 = tpu.memref_slice %arg5[%add3A_584] : memref<163840xi32, #tpu.memory_space<hbm>> -> memref<128xi32, #tpu.memory_space<hbm>>
        %dma_start3A_590 = arith.constant 0 : i32
        %dma_start3A_591 = tpu.memref_slice %arg8[%dma_start3A_585, %dma_start3A_590] : memref<4x128xi32, #tpu.memory_space<vmem>> -> memref<1x128xi32, #tpu.memory_space<vmem>>
        %dma_start3A_592 = tpu.memref_squeeze %dma_start3A_591 : memref<1x128xi32, #tpu.memory_space<vmem>> -> memref<128xi32, #tpu.memory_space<vmem>>
        %dma_start3A_593 = tpu.memref_slice %arg5[%add3A_584] : memref<163840xi32, #tpu.memory_space<hbm>> -> memref<128xi32, #tpu.memory_space<hbm>>
        tpu.enqueue_dma source(%dma_start3A_593 : memref<128xi32, #tpu.memory_space<hbm>>) target(%dma_start3A_592 : memref<128xi32, #tpu.memory_space<vmem>>) target_semaphore(%arg23 : memref<!tpu.dma_semaphore, #tpu.memory_space<semaphore_mem>>)
      } else {
      }
      %ge3A_472 = arith.constant 0 : i32
      %ge3A_473 = arith.cmpi sge, %sub3A_446, %ge3A_472 : i32
      %lt3A_474 = arith.constant 80 : i32
      %lt3A_475 = arith.cmpi slt, %sub3A_446, %lt3A_474 : i32
      %and3A_476 = arith.andi %ge3A_473, %lt3A_475 : i1
      %convert_element_type3A_477 = arith.extui %and3A_476 : i1 to i32
      %cond3A_478 = arith.constant 0 : i32
      %cond3A_479 = arith.cmpi ne, %convert_element_type3A_477, %cond3A_478 : i32
      scf.if %cond3A_479 {
        %mul3A_559 = arith.constant 163840 : i32
        %mul3A_560 = arith.muli %arg0, %mul3A_559 : i32
        %mul3A_561 = arith.constant 10240 : i32
        %mul3A_562 = arith.muli %arg1, %mul3A_561 : i32
        %add3A_563 = arith.addi %mul3A_560, %mul3A_562 : i32
        %mul3A_564 = arith.constant 128 : i32
        %mul3A_565 = arith.muli %sub3A_446, %mul3A_564 : i32
        %add3A_566 = arith.addi %add3A_563, %mul3A_565 : i32
        %multiple_of3A = tpu.assume_multiple %add3A_566, 8 : i32
        %dma_start3A = arith.constant 0 : i32
        %dma_start3A_567 = tpu.memref_slice %arg3[%multiple_of3A, %dma_start3A] : memref<327680x128xf32, #tpu.memory_space<hbm>> -> memref<128x128xf32, #tpu.memory_space<hbm>>
        %dma_start3A_568 = arith.constant 0 : i32
        %dma_start3A_569 = tpu.memref_slice %arg3[%multiple_of3A, %dma_start3A_568] : memref<327680x128xf32, #tpu.memory_space<hbm>> -> memref<128x128xf32, #tpu.memory_space<hbm>>
        tpu.enqueue_dma source(%dma_start3A_569 : memref<128x128xf32, #tpu.memory_space<hbm>>) target(%arg11 : memref<128x128xf32, #tpu.memory_space<vmem>>) target_semaphore(%arg18 : memref<!tpu.dma_semaphore, #tpu.memory_space<semaphore_mem>>)
      } else {
      }
      %mul3A_480 = arith.constant 12 : i32
      %mul3A_481 = arith.muli %scan3A_94, %mul3A_480 : i32
      %add3A_482 = arith.constant 10 : i32
      %add3A_483 = arith.addi %mul3A_481, %add3A_482 : i32
      %sub3A_484 = arith.constant 1 : i32
      %sub3A_485 = arith.subi %add3A_483, %sub3A_484 : i32
      %sub3A_486 = arith.constant 2 : i32
      %sub3A_487 = arith.subi %add3A_483, %sub3A_486 : i32
      %sub3A_488 = arith.constant 3 : i32
      %sub3A_489 = arith.subi %add3A_483, %sub3A_488 : i32
      %ge3A_490 = arith.constant 0 : i32
      %ge3A_491 = arith.cmpi sge, %sub3A_487, %ge3A_490 : i32
      %lt3A_492 = arith.constant 80 : i32
      %lt3A_493 = arith.cmpi slt, %sub3A_487, %lt3A_492 : i32
      %and3A_494 = arith.andi %ge3A_491, %lt3A_493 : i1
      %convert_element_type3A_495 = arith.extui %and3A_494 : i1 to i32
      %cond3A_496 = arith.constant 0 : i32
      %cond3A_497 = arith.cmpi ne, %convert_element_type3A_495, %cond3A_496 : i32
      scf.if %cond3A_497 {
        %mul3A_559 = arith.constant 163840 : i32
        %mul3A_560 = arith.muli %arg0, %mul3A_559 : i32
        %mul3A_561 = arith.constant 10240 : i32
        %mul3A_562 = arith.muli %arg1, %mul3A_561 : i32
        %add3A_563 = arith.addi %mul3A_560, %mul3A_562 : i32
        %mul3A_564 = arith.constant 128 : i32
        %mul3A_565 = arith.muli %sub3A_487, %mul3A_564 : i32
        %add3A_566 = arith.addi %add3A_563, %mul3A_565 : i32
        %multiple_of3A = tpu.assume_multiple %add3A_566, 8 : i32
        %dma_wait3A_567 = arith.constant 0 : i32
        %dma_wait3A_568 = tpu.memref_slice %arg3[%multiple_of3A, %dma_wait3A_567] : memref<327680x128xf32, #tpu.memory_space<hbm>> -> memref<128x128xf32, #tpu.memory_space<hbm>>
        %dma_wait3A_569 = arith.constant 0 : i32
        %dma_wait3A_570 = tpu.memref_slice %arg3[%multiple_of3A, %dma_wait3A_569] : memref<327680x128xf32, #tpu.memory_space<hbm>> -> memref<128x128xf32, #tpu.memory_space<hbm>>
        tpu.wait_dma2 semaphore(%arg18 : memref<!tpu.dma_semaphore, #tpu.memory_space<semaphore_mem>>) src(%dma_wait3A_570 : memref<128x128xf32, #tpu.memory_space<hbm>>) dst(%arg11 : memref<128x128xf32, #tpu.memory_space<vmem>>)
        %mul3A_571 = arith.constant 163840 : i32
        %mul3A_572 = arith.muli %arg0, %mul3A_571 : i32
        %mul3A_573 = arith.constant 10240 : i32
        %mul3A_574 = arith.muli %arg1, %mul3A_573 : i32
        %add3A_575 = arith.addi %mul3A_572, %mul3A_574 : i32
        %mul3A_576 = arith.constant 128 : i32
        %mul3A_577 = arith.muli %sub3A_487, %mul3A_576 : i32
        %add3A_578 = arith.addi %add3A_575, %mul3A_577 : i32
        %dma_wait3A_579 = arith.constant 2 : i32
        %dma_wait3A_580 = arith.constant 0 : i32
        %dma_wait3A_581 = tpu.memref_slice %arg7[%dma_wait3A_579, %dma_wait3A_580] : memref<3x128xi32, #tpu.memory_space<vmem>> -> memref<1x128xi32, #tpu.memory_space<vmem>>
        %dma_wait3A_582 = tpu.memref_squeeze %dma_wait3A_581 : memref<1x128xi32, #tpu.memory_space<vmem>> -> memref<128xi32, #tpu.memory_space<vmem>>
        %dma_wait3A_583 = tpu.memref_slice %arg4[%add3A_578] : memref<327680xi32, #tpu.memory_space<hbm>> -> memref<128xi32, #tpu.memory_space<hbm>>
        %dma_wait3A_584 = arith.constant 0 : i32
        %dma_wait3A_585 = tpu.memref_slice %arg7[%dma_wait3A_579, %dma_wait3A_584] : memref<3x128xi32, #tpu.memory_space<vmem>> -> memref<1x128xi32, #tpu.memory_space<vmem>>
        %dma_wait3A_586 = tpu.memref_squeeze %dma_wait3A_585 : memref<1x128xi32, #tpu.memory_space<vmem>> -> memref<128xi32, #tpu.memory_space<vmem>>
        %dma_wait3A_587 = tpu.memref_slice %arg4[%add3A_578] : memref<327680xi32, #tpu.memory_space<hbm>> -> memref<128xi32, #tpu.memory_space<hbm>>
        tpu.wait_dma2 semaphore(%arg15 : memref<!tpu.dma_semaphore, #tpu.memory_space<semaphore_mem>>) src(%dma_wait3A_587 : memref<128xi32, #tpu.memory_space<hbm>>) dst(%dma_wait3A_586 : memref<128xi32, #tpu.memory_space<vmem>>)
        %dma_start3A = arith.constant 2 : i32
        %dma_start3A_588 = arith.constant 0 : i32
        %dma_start3A_589 = tpu.memref_slice %arg7[%dma_start3A, %dma_start3A_588] : memref<3x128xi32, #tpu.memory_space<vmem>> -> memref<1x128xi32, #tpu.memory_space<vmem>>
        %dma_start3A_590 = tpu.memref_squeeze %dma_start3A_589 : memref<1x128xi32, #tpu.memory_space<vmem>> -> memref<128xi32, #tpu.memory_space<vmem>>
        %dma_start3A_591 = arith.constant 0 : i32
        %dma_start3A_592 = arith.constant 0 : i32
        %dma_start3A_593 = tpu.memref_slice %arg2[%dma_start3A_591, %dma_start3A_592] : memref<20000x128xf32, #tpu.memory_space<hbm>> -> memref<20000x128xf32, #tpu.memory_space<hbm>>
        tpu.enqueue_indirect_dma source(%dma_start3A_593 : memref<20000x128xf32, #tpu.memory_space<hbm>>) target(%arg11 : memref<128x128xf32, #tpu.memory_space<vmem>>) offsets(%dma_start3A_590 : memref<128xi32, #tpu.memory_space<vmem>>) semaphore(%arg21 : memref<!tpu.dma_semaphore, #tpu.memory_space<semaphore_mem>>) {add = true}
      } else {
      }
      %ge3A_498 = arith.constant 0 : i32
      %ge3A_499 = arith.cmpi sge, %sub3A_489, %ge3A_498 : i32
      %lt3A_500 = arith.constant 80 : i32
      %lt3A_501 = arith.cmpi slt, %sub3A_489, %lt3A_500 : i32
      %and3A_502 = arith.andi %ge3A_499, %lt3A_501 : i1
      %convert_element_type3A_503 = arith.extui %and3A_502 : i1 to i32
      %cond3A_504 = arith.constant 0 : i32
      %cond3A_505 = arith.cmpi ne, %convert_element_type3A_503, %cond3A_504 : i32
      scf.if %cond3A_505 {
        %dma_wait3A_559 = arith.constant 1 : i32
        %dma_wait3A_560 = arith.constant 0 : i32
        %dma_wait3A_561 = tpu.memref_slice %arg7[%dma_wait3A_559, %dma_wait3A_560] : memref<3x128xi32, #tpu.memory_space<vmem>> -> memref<1x128xi32, #tpu.memory_space<vmem>>
        %dma_wait3A_562 = tpu.memref_squeeze %dma_wait3A_561 : memref<1x128xi32, #tpu.memory_space<vmem>> -> memref<128xi32, #tpu.memory_space<vmem>>
        %dma_wait3A_563 = arith.constant 0 : i32
        %dma_wait3A_564 = arith.constant 0 : i32
        %dma_wait3A_565 = tpu.memref_slice %arg2[%dma_wait3A_563, %dma_wait3A_564] : memref<20000x128xf32, #tpu.memory_space<hbm>> -> memref<20000x128xf32, #tpu.memory_space<hbm>>
        tpu.wait_indirect_dma semaphore(%arg20 : memref<!tpu.dma_semaphore, #tpu.memory_space<semaphore_mem>>) src(%dma_wait3A_565 : memref<20000x128xf32, #tpu.memory_space<hbm>>) dst(%arg10 : memref<128x128xf32, #tpu.memory_space<vmem>>)
        %mul3A_566 = arith.constant 10240 : i32
        %mul3A_567 = arith.muli %arg1, %mul3A_566 : i32
        %mul3A_568 = arith.constant 128 : i32
        %mul3A_569 = arith.muli %sub3A_489, %mul3A_568 : i32
        %add3A_570 = arith.addi %mul3A_567, %mul3A_569 : i32
        %dma_wait3A_571 = arith.constant 3 : i32
        %dma_wait3A_572 = arith.constant 0 : i32
        %dma_wait3A_573 = tpu.memref_slice %arg8[%dma_wait3A_571, %dma_wait3A_572] : memref<4x128xi32, #tpu.memory_space<vmem>> -> memref<1x128xi32, #tpu.memory_space<vmem>>
        %dma_wait3A_574 = tpu.memref_squeeze %dma_wait3A_573 : memref<1x128xi32, #tpu.memory_space<vmem>> -> memref<128xi32, #tpu.memory_space<vmem>>
        %dma_wait3A_575 = tpu.memref_slice %arg5[%add3A_570] : memref<163840xi32, #tpu.memory_space<hbm>> -> memref<128xi32, #tpu.memory_space<hbm>>
        %dma_wait3A_576 = arith.constant 0 : i32
        %dma_wait3A_577 = tpu.memref_slice %arg8[%dma_wait3A_571, %dma_wait3A_576] : memref<4x128xi32, #tpu.memory_space<vmem>> -> memref<1x128xi32, #tpu.memory_space<vmem>>
        %dma_wait3A_578 = tpu.memref_squeeze %dma_wait3A_577 : memref<1x128xi32, #tpu.memory_space<vmem>> -> memref<128xi32, #tpu.memory_space<vmem>>
        %dma_wait3A_579 = tpu.memref_slice %arg5[%add3A_570] : memref<163840xi32, #tpu.memory_space<hbm>> -> memref<128xi32, #tpu.memory_space<hbm>>
        tpu.wait_dma2 semaphore(%arg25 : memref<!tpu.dma_semaphore, #tpu.memory_space<semaphore_mem>>) src(%dma_wait3A_579 : memref<128xi32, #tpu.memory_space<hbm>>) dst(%dma_wait3A_578 : memref<128xi32, #tpu.memory_space<vmem>>)
        %scan3A_580 = arith.constant 0 : i32
        %scan3A_581 = arith.constant 0 : i32
        %scan3A_582 = arith.constant 0 : i32
        %scan3A_583 = arith.addi %scan3A_581, %scan3A_582 : i32
        %scan3A_584 = arith.constant 0 : i32
        %dma_start3A = arith.constant 3 : i32
        %dma_start3A_585 = arith.constant 0 : i32
        %dma_start3A_586 = tpu.memref_slice %arg8[%dma_start3A, %dma_start3A_585] : memref<4x128xi32, #tpu.memory_space<vmem>> -> memref<1x128xi32, #tpu.memory_space<vmem>>
        %dma_start3A_587 = tpu.memref_squeeze %dma_start3A_586 : memref<1x128xi32, #tpu.memory_space<vmem>> -> memref<128xi32, #tpu.memory_space<vmem>>
        %dma_start3A_588 = arith.constant 0 : i32
        %dma_start3A_589 = arith.constant 0 : i32
        %dma_start3A_590 = tpu.memref_slice %arg12[%dma_start3A_588, %dma_start3A_589] : memref<10112x128xf32, #tpu.memory_space<vmem_shared>> -> memref<10112x128xf32, #tpu.memory_space<vmem_shared>>
        tpu.enqueue_indirect_dma source(%arg10 : memref<128x128xf32, #tpu.memory_space<vmem>>) target(%dma_start3A_590 : memref<10112x128xf32, #tpu.memory_space<vmem_shared>>) offsets(%dma_start3A_587 : memref<128xi32, #tpu.memory_space<vmem>>) semaphore(%arg29 : memref<!tpu.dma_semaphore, #tpu.memory_space<semaphore_mem>>) {add = true}
      } else {
      }
      %lt3A_506 = arith.constant 80 : i32
      %lt3A_507 = arith.cmpi slt, %add3A_483, %lt3A_506 : i32
      %convert_element_type3A_508 = arith.extui %lt3A_507 : i1 to i32
      %cond3A_509 = arith.constant 0 : i32
      %cond3A_510 = arith.cmpi ne, %convert_element_type3A_508, %cond3A_509 : i32
      scf.if %cond3A_510 {
        %ge3A_559 = arith.constant 4 : i32
        %ge3A_560 = arith.cmpi sge, %add3A_483, %ge3A_559 : i32
        %convert_element_type3A_561 = arith.extui %ge3A_560 : i1 to i32
        %cond3A_562 = arith.constant 0 : i32
        %cond3A_563 = arith.cmpi ne, %convert_element_type3A_561, %cond3A_562 : i32
        scf.if %cond3A_563 {
          %dma_wait3A_594 = arith.constant 2 : i32
          %dma_wait3A_595 = arith.constant 0 : i32
          %dma_wait3A_596 = tpu.memref_slice %arg8[%dma_wait3A_594, %dma_wait3A_595] : memref<4x128xi32, #tpu.memory_space<vmem>> -> memref<1x128xi32, #tpu.memory_space<vmem>>
          %dma_wait3A_597 = tpu.memref_squeeze %dma_wait3A_596 : memref<1x128xi32, #tpu.memory_space<vmem>> -> memref<128xi32, #tpu.memory_space<vmem>>
          %dma_wait3A_598 = arith.constant 0 : i32
          %dma_wait3A_599 = arith.constant 0 : i32
          %dma_wait3A_600 = tpu.memref_slice %arg12[%dma_wait3A_598, %dma_wait3A_599] : memref<10112x128xf32, #tpu.memory_space<vmem_shared>> -> memref<10112x128xf32, #tpu.memory_space<vmem_shared>>
          tpu.wait_indirect_dma semaphore(%arg28 : memref<!tpu.dma_semaphore, #tpu.memory_space<semaphore_mem>>) src(%arg9 : memref<128x128xf32, #tpu.memory_space<vmem>>) dst(%dma_wait3A_600 : memref<10112x128xf32, #tpu.memory_space<vmem_shared>>)
        } else {
        }
        %mul3A_564 = arith.constant 163840 : i32
        %mul3A_565 = arith.muli %arg0, %mul3A_564 : i32
        %mul3A_566 = arith.constant 10240 : i32
        %mul3A_567 = arith.muli %arg1, %mul3A_566 : i32
        %add3A_568 = arith.addi %mul3A_565, %mul3A_567 : i32
        %mul3A_569 = arith.constant 128 : i32
        %mul3A_570 = arith.muli %add3A_483, %mul3A_569 : i32
        %add3A_571 = arith.addi %add3A_568, %mul3A_570 : i32
        %dma_start3A = arith.constant 1 : i32
        %dma_start3A_572 = arith.constant 0 : i32
        %dma_start3A_573 = tpu.memref_slice %arg7[%dma_start3A, %dma_start3A_572] : memref<3x128xi32, #tpu.memory_space<vmem>> -> memref<1x128xi32, #tpu.memory_space<vmem>>
        %dma_start3A_574 = tpu.memref_squeeze %dma_start3A_573 : memref<1x128xi32, #tpu.memory_space<vmem>> -> memref<128xi32, #tpu.memory_space<vmem>>
        %dma_start3A_575 = tpu.memref_slice %arg4[%add3A_571] : memref<327680xi32, #tpu.memory_space<hbm>> -> memref<128xi32, #tpu.memory_space<hbm>>
        %dma_start3A_576 = arith.constant 0 : i32
        %dma_start3A_577 = tpu.memref_slice %arg7[%dma_start3A, %dma_start3A_576] : memref<3x128xi32, #tpu.memory_space<vmem>> -> memref<1x128xi32, #tpu.memory_space<vmem>>
        %dma_start3A_578 = tpu.memref_squeeze %dma_start3A_577 : memref<1x128xi32, #tpu.memory_space<vmem>> -> memref<128xi32, #tpu.memory_space<vmem>>
        %dma_start3A_579 = tpu.memref_slice %arg4[%add3A_571] : memref<327680xi32, #tpu.memory_space<hbm>> -> memref<128xi32, #tpu.memory_space<hbm>>
        tpu.enqueue_dma source(%dma_start3A_579 : memref<128xi32, #tpu.memory_space<hbm>>) target(%dma_start3A_578 : memref<128xi32, #tpu.memory_space<vmem>>) target_semaphore(%arg14 : memref<!tpu.dma_semaphore, #tpu.memory_space<semaphore_mem>>)
        %mul3A_580 = arith.constant 10240 : i32
        %mul3A_581 = arith.muli %arg1, %mul3A_580 : i32
        %mul3A_582 = arith.constant 128 : i32
        %mul3A_583 = arith.muli %add3A_483, %mul3A_582 : i32
        %add3A_584 = arith.addi %mul3A_581, %mul3A_583 : i32
        %dma_start3A_585 = arith.constant 2 : i32
        %dma_start3A_586 = arith.constant 0 : i32
        %dma_start3A_587 = tpu.memref_slice %arg8[%dma_start3A_585, %dma_start3A_586] : memref<4x128xi32, #tpu.memory_space<vmem>> -> memref<1x128xi32, #tpu.memory_space<vmem>>
        %dma_start3A_588 = tpu.memref_squeeze %dma_start3A_587 : memref<1x128xi32, #tpu.memory_space<vmem>> -> memref<128xi32, #tpu.memory_space<vmem>>
        %dma_start3A_589 = tpu.memref_slice %arg5[%add3A_584] : memref<163840xi32, #tpu.memory_space<hbm>> -> memref<128xi32, #tpu.memory_space<hbm>>
        %dma_start3A_590 = arith.constant 0 : i32
        %dma_start3A_591 = tpu.memref_slice %arg8[%dma_start3A_585, %dma_start3A_590] : memref<4x128xi32, #tpu.memory_space<vmem>> -> memref<1x128xi32, #tpu.memory_space<vmem>>
        %dma_start3A_592 = tpu.memref_squeeze %dma_start3A_591 : memref<1x128xi32, #tpu.memory_space<vmem>> -> memref<128xi32, #tpu.memory_space<vmem>>
        %dma_start3A_593 = tpu.memref_slice %arg5[%add3A_584] : memref<163840xi32, #tpu.memory_space<hbm>> -> memref<128xi32, #tpu.memory_space<hbm>>
        tpu.enqueue_dma source(%dma_start3A_593 : memref<128xi32, #tpu.memory_space<hbm>>) target(%dma_start3A_592 : memref<128xi32, #tpu.memory_space<vmem>>) target_semaphore(%arg24 : memref<!tpu.dma_semaphore, #tpu.memory_space<semaphore_mem>>)
      } else {
      }
      %ge3A_511 = arith.constant 0 : i32
      %ge3A_512 = arith.cmpi sge, %sub3A_485, %ge3A_511 : i32
      %lt3A_513 = arith.constant 80 : i32
      %lt3A_514 = arith.cmpi slt, %sub3A_485, %lt3A_513 : i32
      %and3A_515 = arith.andi %ge3A_512, %lt3A_514 : i1
      %convert_element_type3A_516 = arith.extui %and3A_515 : i1 to i32
      %cond3A_517 = arith.constant 0 : i32
      %cond3A_518 = arith.cmpi ne, %convert_element_type3A_516, %cond3A_517 : i32
      scf.if %cond3A_518 {
        %mul3A_559 = arith.constant 163840 : i32
        %mul3A_560 = arith.muli %arg0, %mul3A_559 : i32
        %mul3A_561 = arith.constant 10240 : i32
        %mul3A_562 = arith.muli %arg1, %mul3A_561 : i32
        %add3A_563 = arith.addi %mul3A_560, %mul3A_562 : i32
        %mul3A_564 = arith.constant 128 : i32
        %mul3A_565 = arith.muli %sub3A_485, %mul3A_564 : i32
        %add3A_566 = arith.addi %add3A_563, %mul3A_565 : i32
        %multiple_of3A = tpu.assume_multiple %add3A_566, 8 : i32
        %dma_start3A = arith.constant 0 : i32
        %dma_start3A_567 = tpu.memref_slice %arg3[%multiple_of3A, %dma_start3A] : memref<327680x128xf32, #tpu.memory_space<hbm>> -> memref<128x128xf32, #tpu.memory_space<hbm>>
        %dma_start3A_568 = arith.constant 0 : i32
        %dma_start3A_569 = tpu.memref_slice %arg3[%multiple_of3A, %dma_start3A_568] : memref<327680x128xf32, #tpu.memory_space<hbm>> -> memref<128x128xf32, #tpu.memory_space<hbm>>
        tpu.enqueue_dma source(%dma_start3A_569 : memref<128x128xf32, #tpu.memory_space<hbm>>) target(%arg9 : memref<128x128xf32, #tpu.memory_space<vmem>>) target_semaphore(%arg16 : memref<!tpu.dma_semaphore, #tpu.memory_space<semaphore_mem>>)
      } else {
      }
      %mul3A_519 = arith.constant 12 : i32
      %mul3A_520 = arith.muli %scan3A_94, %mul3A_519 : i32
      %add3A_521 = arith.constant 11 : i32
      %add3A_522 = arith.addi %mul3A_520, %add3A_521 : i32
      %sub3A_523 = arith.constant 1 : i32
      %sub3A_524 = arith.subi %add3A_522, %sub3A_523 : i32
      %sub3A_525 = arith.constant 2 : i32
      %sub3A_526 = arith.subi %add3A_522, %sub3A_525 : i32
      %sub3A_527 = arith.constant 3 : i32
      %sub3A_528 = arith.subi %add3A_522, %sub3A_527 : i32
      %ge3A_529 = arith.constant 0 : i32
      %ge3A_530 = arith.cmpi sge, %sub3A_526, %ge3A_529 : i32
      %lt3A_531 = arith.constant 80 : i32
      %lt3A_532 = arith.cmpi slt, %sub3A_526, %lt3A_531 : i32
      %and3A_533 = arith.andi %ge3A_530, %lt3A_532 : i1
      %convert_element_type3A_534 = arith.extui %and3A_533 : i1 to i32
      %cond3A_535 = arith.constant 0 : i32
      %cond3A_536 = arith.cmpi ne, %convert_element_type3A_534, %cond3A_535 : i32
      scf.if %cond3A_536 {
        %mul3A_559 = arith.constant 163840 : i32
        %mul3A_560 = arith.muli %arg0, %mul3A_559 : i32
        %mul3A_561 = arith.constant 10240 : i32
        %mul3A_562 = arith.muli %arg1, %mul3A_561 : i32
        %add3A_563 = arith.addi %mul3A_560, %mul3A_562 : i32
        %mul3A_564 = arith.constant 128 : i32
        %mul3A_565 = arith.muli %sub3A_526, %mul3A_564 : i32
        %add3A_566 = arith.addi %add3A_563, %mul3A_565 : i32
        %multiple_of3A = tpu.assume_multiple %add3A_566, 8 : i32
        %dma_wait3A_567 = arith.constant 0 : i32
        %dma_wait3A_568 = tpu.memref_slice %arg3[%multiple_of3A, %dma_wait3A_567] : memref<327680x128xf32, #tpu.memory_space<hbm>> -> memref<128x128xf32, #tpu.memory_space<hbm>>
        %dma_wait3A_569 = arith.constant 0 : i32
        %dma_wait3A_570 = tpu.memref_slice %arg3[%multiple_of3A, %dma_wait3A_569] : memref<327680x128xf32, #tpu.memory_space<hbm>> -> memref<128x128xf32, #tpu.memory_space<hbm>>
        tpu.wait_dma2 semaphore(%arg16 : memref<!tpu.dma_semaphore, #tpu.memory_space<semaphore_mem>>) src(%dma_wait3A_570 : memref<128x128xf32, #tpu.memory_space<hbm>>) dst(%arg9 : memref<128x128xf32, #tpu.memory_space<vmem>>)
        %mul3A_571 = arith.constant 163840 : i32
        %mul3A_572 = arith.muli %arg0, %mul3A_571 : i32
        %mul3A_573 = arith.constant 10240 : i32
        %mul3A_574 = arith.muli %arg1, %mul3A_573 : i32
        %add3A_575 = arith.addi %mul3A_572, %mul3A_574 : i32
        %mul3A_576 = arith.constant 128 : i32
        %mul3A_577 = arith.muli %sub3A_526, %mul3A_576 : i32
        %add3A_578 = arith.addi %add3A_575, %mul3A_577 : i32
        %dma_wait3A_579 = arith.constant 0 : i32
        %dma_wait3A_580 = arith.constant 0 : i32
        %dma_wait3A_581 = tpu.memref_slice %arg7[%dma_wait3A_579, %dma_wait3A_580] : memref<3x128xi32, #tpu.memory_space<vmem>> -> memref<1x128xi32, #tpu.memory_space<vmem>>
        %dma_wait3A_582 = tpu.memref_squeeze %dma_wait3A_581 : memref<1x128xi32, #tpu.memory_space<vmem>> -> memref<128xi32, #tpu.memory_space<vmem>>
        %dma_wait3A_583 = tpu.memref_slice %arg4[%add3A_578] : memref<327680xi32, #tpu.memory_space<hbm>> -> memref<128xi32, #tpu.memory_space<hbm>>
        %dma_wait3A_584 = arith.constant 0 : i32
        %dma_wait3A_585 = tpu.memref_slice %arg7[%dma_wait3A_579, %dma_wait3A_584] : memref<3x128xi32, #tpu.memory_space<vmem>> -> memref<1x128xi32, #tpu.memory_space<vmem>>
        %dma_wait3A_586 = tpu.memref_squeeze %dma_wait3A_585 : memref<1x128xi32, #tpu.memory_space<vmem>> -> memref<128xi32, #tpu.memory_space<vmem>>
        %dma_wait3A_587 = tpu.memref_slice %arg4[%add3A_578] : memref<327680xi32, #tpu.memory_space<hbm>> -> memref<128xi32, #tpu.memory_space<hbm>>
        tpu.wait_dma2 semaphore(%arg13 : memref<!tpu.dma_semaphore, #tpu.memory_space<semaphore_mem>>) src(%dma_wait3A_587 : memref<128xi32, #tpu.memory_space<hbm>>) dst(%dma_wait3A_586 : memref<128xi32, #tpu.memory_space<vmem>>)
        %dma_start3A = arith.constant 0 : i32
        %dma_start3A_588 = arith.constant 0 : i32
        %dma_start3A_589 = tpu.memref_slice %arg7[%dma_start3A, %dma_start3A_588] : memref<3x128xi32, #tpu.memory_space<vmem>> -> memref<1x128xi32, #tpu.memory_space<vmem>>
        %dma_start3A_590 = tpu.memref_squeeze %dma_start3A_589 : memref<1x128xi32, #tpu.memory_space<vmem>> -> memref<128xi32, #tpu.memory_space<vmem>>
        %dma_start3A_591 = arith.constant 0 : i32
        %dma_start3A_592 = arith.constant 0 : i32
        %dma_start3A_593 = tpu.memref_slice %arg2[%dma_start3A_591, %dma_start3A_592] : memref<20000x128xf32, #tpu.memory_space<hbm>> -> memref<20000x128xf32, #tpu.memory_space<hbm>>
        tpu.enqueue_indirect_dma source(%dma_start3A_593 : memref<20000x128xf32, #tpu.memory_space<hbm>>) target(%arg9 : memref<128x128xf32, #tpu.memory_space<vmem>>) offsets(%dma_start3A_590 : memref<128xi32, #tpu.memory_space<vmem>>) semaphore(%arg19 : memref<!tpu.dma_semaphore, #tpu.memory_space<semaphore_mem>>) {add = true}
      } else {
      }
      %ge3A_537 = arith.constant 0 : i32
      %ge3A_538 = arith.cmpi sge, %sub3A_528, %ge3A_537 : i32
      %lt3A_539 = arith.constant 80 : i32
      %lt3A_540 = arith.cmpi slt, %sub3A_528, %lt3A_539 : i32
      %and3A_541 = arith.andi %ge3A_538, %lt3A_540 : i1
      %convert_element_type3A_542 = arith.extui %and3A_541 : i1 to i32
      %cond3A_543 = arith.constant 0 : i32
      %cond3A_544 = arith.cmpi ne, %convert_element_type3A_542, %cond3A_543 : i32
      scf.if %cond3A_544 {
        %dma_wait3A_559 = arith.constant 2 : i32
        %dma_wait3A_560 = arith.constant 0 : i32
        %dma_wait3A_561 = tpu.memref_slice %arg7[%dma_wait3A_559, %dma_wait3A_560] : memref<3x128xi32, #tpu.memory_space<vmem>> -> memref<1x128xi32, #tpu.memory_space<vmem>>
        %dma_wait3A_562 = tpu.memref_squeeze %dma_wait3A_561 : memref<1x128xi32, #tpu.memory_space<vmem>> -> memref<128xi32, #tpu.memory_space<vmem>>
        %dma_wait3A_563 = arith.constant 0 : i32
        %dma_wait3A_564 = arith.constant 0 : i32
        %dma_wait3A_565 = tpu.memref_slice %arg2[%dma_wait3A_563, %dma_wait3A_564] : memref<20000x128xf32, #tpu.memory_space<hbm>> -> memref<20000x128xf32, #tpu.memory_space<hbm>>
        tpu.wait_indirect_dma semaphore(%arg21 : memref<!tpu.dma_semaphore, #tpu.memory_space<semaphore_mem>>) src(%dma_wait3A_565 : memref<20000x128xf32, #tpu.memory_space<hbm>>) dst(%arg11 : memref<128x128xf32, #tpu.memory_space<vmem>>)
        %mul3A_566 = arith.constant 10240 : i32
        %mul3A_567 = arith.muli %arg1, %mul3A_566 : i32
        %mul3A_568 = arith.constant 128 : i32
        %mul3A_569 = arith.muli %sub3A_528, %mul3A_568 : i32
        %add3A_570 = arith.addi %mul3A_567, %mul3A_569 : i32
        %dma_wait3A_571 = arith.constant 0 : i32
        %dma_wait3A_572 = arith.constant 0 : i32
        %dma_wait3A_573 = tpu.memref_slice %arg8[%dma_wait3A_571, %dma_wait3A_572] : memref<4x128xi32, #tpu.memory_space<vmem>> -> memref<1x128xi32, #tpu.memory_space<vmem>>
        %dma_wait3A_574 = tpu.memref_squeeze %dma_wait3A_573 : memref<1x128xi32, #tpu.memory_space<vmem>> -> memref<128xi32, #tpu.memory_space<vmem>>
        %dma_wait3A_575 = tpu.memref_slice %arg5[%add3A_570] : memref<163840xi32, #tpu.memory_space<hbm>> -> memref<128xi32, #tpu.memory_space<hbm>>
        %dma_wait3A_576 = arith.constant 0 : i32
        %dma_wait3A_577 = tpu.memref_slice %arg8[%dma_wait3A_571, %dma_wait3A_576] : memref<4x128xi32, #tpu.memory_space<vmem>> -> memref<1x128xi32, #tpu.memory_space<vmem>>
        %dma_wait3A_578 = tpu.memref_squeeze %dma_wait3A_577 : memref<1x128xi32, #tpu.memory_space<vmem>> -> memref<128xi32, #tpu.memory_space<vmem>>
        %dma_wait3A_579 = tpu.memref_slice %arg5[%add3A_570] : memref<163840xi32, #tpu.memory_space<hbm>> -> memref<128xi32, #tpu.memory_space<hbm>>
        tpu.wait_dma2 semaphore(%arg22 : memref<!tpu.dma_semaphore, #tpu.memory_space<semaphore_mem>>) src(%dma_wait3A_579 : memref<128xi32, #tpu.memory_space<hbm>>) dst(%dma_wait3A_578 : memref<128xi32, #tpu.memory_space<vmem>>)
        %scan3A_580 = arith.constant 0 : i32
        %scan3A_581 = arith.constant 0 : i32
        %scan3A_582 = arith.constant 0 : i32
        %scan3A_583 = arith.addi %scan3A_581, %scan3A_582 : i32
        %scan3A_584 = arith.constant 0 : i32
        %dma_start3A = arith.constant 0 : i32
        %dma_start3A_585 = arith.constant 0 : i32
        %dma_start3A_586 = tpu.memref_slice %arg8[%dma_start3A, %dma_start3A_585] : memref<4x128xi32, #tpu.memory_space<vmem>> -> memref<1x128xi32, #tpu.memory_space<vmem>>
        %dma_start3A_587 = tpu.memref_squeeze %dma_start3A_586 : memref<1x128xi32, #tpu.memory_space<vmem>> -> memref<128xi32, #tpu.memory_space<vmem>>
        %dma_start3A_588 = arith.constant 0 : i32
        %dma_start3A_589 = arith.constant 0 : i32
        %dma_start3A_590 = tpu.memref_slice %arg12[%dma_start3A_588, %dma_start3A_589] : memref<10112x128xf32, #tpu.memory_space<vmem_shared>> -> memref<10112x128xf32, #tpu.memory_space<vmem_shared>>
        tpu.enqueue_indirect_dma source(%arg11 : memref<128x128xf32, #tpu.memory_space<vmem>>) target(%dma_start3A_590 : memref<10112x128xf32, #tpu.memory_space<vmem_shared>>) offsets(%dma_start3A_587 : memref<128xi32, #tpu.memory_space<vmem>>) semaphore(%arg26 : memref<!tpu.dma_semaphore, #tpu.memory_space<semaphore_mem>>) {add = true}
      } else {
      }
      %lt3A_545 = arith.constant 80 : i32
      %lt3A_546 = arith.cmpi slt, %add3A_522, %lt3A_545 : i32
      %convert_element_type3A_547 = arith.extui %lt3A_546 : i1 to i32
      %cond3A_548 = arith.constant 0 : i32
      %cond3A_549 = arith.cmpi ne, %convert_element_type3A_547, %cond3A_548 : i32
      scf.if %cond3A_549 {
        %ge3A_559 = arith.constant 4 : i32
        %ge3A_560 = arith.cmpi sge, %add3A_522, %ge3A_559 : i32
        %convert_element_type3A_561 = arith.extui %ge3A_560 : i1 to i32
        %cond3A_562 = arith.constant 0 : i32
        %cond3A_563 = arith.cmpi ne, %convert_element_type3A_561, %cond3A_562 : i32
        scf.if %cond3A_563 {
          %dma_wait3A_594 = arith.constant 3 : i32
          %dma_wait3A_595 = arith.constant 0 : i32
          %dma_wait3A_596 = tpu.memref_slice %arg8[%dma_wait3A_594, %dma_wait3A_595] : memref<4x128xi32, #tpu.memory_space<vmem>> -> memref<1x128xi32, #tpu.memory_space<vmem>>
          %dma_wait3A_597 = tpu.memref_squeeze %dma_wait3A_596 : memref<1x128xi32, #tpu.memory_space<vmem>> -> memref<128xi32, #tpu.memory_space<vmem>>
          %dma_wait3A_598 = arith.constant 0 : i32
          %dma_wait3A_599 = arith.constant 0 : i32
          %dma_wait3A_600 = tpu.memref_slice %arg12[%dma_wait3A_598, %dma_wait3A_599] : memref<10112x128xf32, #tpu.memory_space<vmem_shared>> -> memref<10112x128xf32, #tpu.memory_space<vmem_shared>>
          tpu.wait_indirect_dma semaphore(%arg29 : memref<!tpu.dma_semaphore, #tpu.memory_space<semaphore_mem>>) src(%arg10 : memref<128x128xf32, #tpu.memory_space<vmem>>) dst(%dma_wait3A_600 : memref<10112x128xf32, #tpu.memory_space<vmem_shared>>)
        } else {
        }
        %mul3A_564 = arith.constant 163840 : i32
        %mul3A_565 = arith.muli %arg0, %mul3A_564 : i32
        %mul3A_566 = arith.constant 10240 : i32
        %mul3A_567 = arith.muli %arg1, %mul3A_566 : i32
        %add3A_568 = arith.addi %mul3A_565, %mul3A_567 : i32
        %mul3A_569 = arith.constant 128 : i32
        %mul3A_570 = arith.muli %add3A_522, %mul3A_569 : i32
        %add3A_571 = arith.addi %add3A_568, %mul3A_570 : i32
        %dma_start3A = arith.constant 2 : i32
        %dma_start3A_572 = arith.constant 0 : i32
        %dma_start3A_573 = tpu.memref_slice %arg7[%dma_start3A, %dma_start3A_572] : memref<3x128xi32, #tpu.memory_space<vmem>> -> memref<1x128xi32, #tpu.memory_space<vmem>>
        %dma_start3A_574 = tpu.memref_squeeze %dma_start3A_573 : memref<1x128xi32, #tpu.memory_space<vmem>> -> memref<128xi32, #tpu.memory_space<vmem>>
        %dma_start3A_575 = tpu.memref_slice %arg4[%add3A_571] : memref<327680xi32, #tpu.memory_space<hbm>> -> memref<128xi32, #tpu.memory_space<hbm>>
        %dma_start3A_576 = arith.constant 0 : i32
        %dma_start3A_577 = tpu.memref_slice %arg7[%dma_start3A, %dma_start3A_576] : memref<3x128xi32, #tpu.memory_space<vmem>> -> memref<1x128xi32, #tpu.memory_space<vmem>>
        %dma_start3A_578 = tpu.memref_squeeze %dma_start3A_577 : memref<1x128xi32, #tpu.memory_space<vmem>> -> memref<128xi32, #tpu.memory_space<vmem>>
        %dma_start3A_579 = tpu.memref_slice %arg4[%add3A_571] : memref<327680xi32, #tpu.memory_space<hbm>> -> memref<128xi32, #tpu.memory_space<hbm>>
        tpu.enqueue_dma source(%dma_start3A_579 : memref<128xi32, #tpu.memory_space<hbm>>) target(%dma_start3A_578 : memref<128xi32, #tpu.memory_space<vmem>>) target_semaphore(%arg15 : memref<!tpu.dma_semaphore, #tpu.memory_space<semaphore_mem>>)
        %mul3A_580 = arith.constant 10240 : i32
        %mul3A_581 = arith.muli %arg1, %mul3A_580 : i32
        %mul3A_582 = arith.constant 128 : i32
        %mul3A_583 = arith.muli %add3A_522, %mul3A_582 : i32
        %add3A_584 = arith.addi %mul3A_581, %mul3A_583 : i32
        %dma_start3A_585 = arith.constant 3 : i32
        %dma_start3A_586 = arith.constant 0 : i32
        %dma_start3A_587 = tpu.memref_slice %arg8[%dma_start3A_585, %dma_start3A_586] : memref<4x128xi32, #tpu.memory_space<vmem>> -> memref<1x128xi32, #tpu.memory_space<vmem>>
        %dma_start3A_588 = tpu.memref_squeeze %dma_start3A_587 : memref<1x128xi32, #tpu.memory_space<vmem>> -> memref<128xi32, #tpu.memory_space<vmem>>
        %dma_start3A_589 = tpu.memref_slice %arg5[%add3A_584] : memref<163840xi32, #tpu.memory_space<hbm>> -> memref<128xi32, #tpu.memory_space<hbm>>
        %dma_start3A_590 = arith.constant 0 : i32
        %dma_start3A_591 = tpu.memref_slice %arg8[%dma_start3A_585, %dma_start3A_590] : memref<4x128xi32, #tpu.memory_space<vmem>> -> memref<1x128xi32, #tpu.memory_space<vmem>>
        %dma_start3A_592 = tpu.memref_squeeze %dma_start3A_591 : memref<1x128xi32, #tpu.memory_space<vmem>> -> memref<128xi32, #tpu.memory_space<vmem>>
        %dma_start3A_593 = tpu.memref_slice %arg5[%add3A_584] : memref<163840xi32, #tpu.memory_space<hbm>> -> memref<128xi32, #tpu.memory_space<hbm>>
        tpu.enqueue_dma source(%dma_start3A_593 : memref<128xi32, #tpu.memory_space<hbm>>) target(%dma_start3A_592 : memref<128xi32, #tpu.memory_space<vmem>>) target_semaphore(%arg25 : memref<!tpu.dma_semaphore, #tpu.memory_space<semaphore_mem>>)
      } else {
      }
      %ge3A_550 = arith.constant 0 : i32
      %ge3A_551 = arith.cmpi sge, %sub3A_524, %ge3A_550 : i32
      %lt3A_552 = arith.constant 80 : i32
      %lt3A_553 = arith.cmpi slt, %sub3A_524, %lt3A_552 : i32
      %and3A_554 = arith.andi %ge3A_551, %lt3A_553 : i1
      %convert_element_type3A_555 = arith.extui %and3A_554 : i1 to i32
      %cond3A_556 = arith.constant 0 : i32
      %cond3A_557 = arith.cmpi ne, %convert_element_type3A_555, %cond3A_556 : i32
      scf.if %cond3A_557 {
        %mul3A_559 = arith.constant 163840 : i32
        %mul3A_560 = arith.muli %arg0, %mul3A_559 : i32
        %mul3A_561 = arith.constant 10240 : i32
        %mul3A_562 = arith.muli %arg1, %mul3A_561 : i32
        %add3A_563 = arith.addi %mul3A_560, %mul3A_562 : i32
        %mul3A_564 = arith.constant 128 : i32
        %mul3A_565 = arith.muli %sub3A_524, %mul3A_564 : i32
        %add3A_566 = arith.addi %add3A_563, %mul3A_565 : i32
        %multiple_of3A = tpu.assume_multiple %add3A_566, 8 : i32
        %dma_start3A = arith.constant 0 : i32
        %dma_start3A_567 = tpu.memref_slice %arg3[%multiple_of3A, %dma_start3A] : memref<327680x128xf32, #tpu.memory_space<hbm>> -> memref<128x128xf32, #tpu.memory_space<hbm>>
        %dma_start3A_568 = arith.constant 0 : i32
        %dma_start3A_569 = tpu.memref_slice %arg3[%multiple_of3A, %dma_start3A_568] : memref<327680x128xf32, #tpu.memory_space<hbm>> -> memref<128x128xf32, #tpu.memory_space<hbm>>
        tpu.enqueue_dma source(%dma_start3A_569 : memref<128x128xf32, #tpu.memory_space<hbm>>) target(%arg10 : memref<128x128xf32, #tpu.memory_space<vmem>>) target_semaphore(%arg17 : memref<!tpu.dma_semaphore, #tpu.memory_space<semaphore_mem>>)
      } else {
      }
      %scan3A_558 = arith.constant 0 : i32
      scf.yield %scan3A_558 : i32
    }
    %scan3A_30 = arith.constant 7 : i32
    %dma_wait3A = arith.constant 0 : i32
    %dma_wait3A_31 = arith.constant 0 : i32
    %dma_wait3A_32 = tpu.memref_slice %arg8[%dma_wait3A, %dma_wait3A_31] : memref<4x128xi32, #tpu.memory_space<vmem>> -> memref<1x128xi32, #tpu.memory_space<vmem>>
    %dma_wait3A_33 = tpu.memref_squeeze %dma_wait3A_32 : memref<1x128xi32, #tpu.memory_space<vmem>> -> memref<128xi32, #tpu.memory_space<vmem>>
    %dma_wait3A_34 = arith.constant 0 : i32
    %dma_wait3A_35 = arith.constant 0 : i32
    %dma_wait3A_36 = tpu.memref_slice %arg12[%dma_wait3A_34, %dma_wait3A_35] : memref<10112x128xf32, #tpu.memory_space<vmem_shared>> -> memref<10112x128xf32, #tpu.memory_space<vmem_shared>>
    tpu.wait_indirect_dma semaphore(%arg26 : memref<!tpu.dma_semaphore, #tpu.memory_space<semaphore_mem>>) src(%arg10 : memref<128x128xf32, #tpu.memory_space<vmem>>) dst(%dma_wait3A_36 : memref<10112x128xf32, #tpu.memory_space<vmem_shared>>)
    %dma_wait3A_37 = arith.constant 1 : i32
    %dma_wait3A_38 = arith.constant 0 : i32
    %dma_wait3A_39 = tpu.memref_slice %arg8[%dma_wait3A_37, %dma_wait3A_38] : memref<4x128xi32, #tpu.memory_space<vmem>> -> memref<1x128xi32, #tpu.memory_space<vmem>>
    %dma_wait3A_40 = tpu.memref_squeeze %dma_wait3A_39 : memref<1x128xi32, #tpu.memory_space<vmem>> -> memref<128xi32, #tpu.memory_space<vmem>>
    %dma_wait3A_41 = arith.constant 0 : i32
    %dma_wait3A_42 = arith.constant 0 : i32
    %dma_wait3A_43 = tpu.memref_slice %arg12[%dma_wait3A_41, %dma_wait3A_42] : memref<10112x128xf32, #tpu.memory_space<vmem_shared>> -> memref<10112x128xf32, #tpu.memory_space<vmem_shared>>
    tpu.wait_indirect_dma semaphore(%arg27 : memref<!tpu.dma_semaphore, #tpu.memory_space<semaphore_mem>>) src(%arg11 : memref<128x128xf32, #tpu.memory_space<vmem>>) dst(%dma_wait3A_43 : memref<10112x128xf32, #tpu.memory_space<vmem_shared>>)
    %dma_wait3A_44 = arith.constant 2 : i32
    %dma_wait3A_45 = arith.constant 0 : i32
    %dma_wait3A_46 = tpu.memref_slice %arg8[%dma_wait3A_44, %dma_wait3A_45] : memref<4x128xi32, #tpu.memory_space<vmem>> -> memref<1x128xi32, #tpu.memory_space<vmem>>
    %dma_wait3A_47 = tpu.memref_squeeze %dma_wait3A_46 : memref<1x128xi32, #tpu.memory_space<vmem>> -> memref<128xi32, #tpu.memory_space<vmem>>
    %dma_wait3A_48 = arith.constant 0 : i32
    %dma_wait3A_49 = arith.constant 0 : i32
    %dma_wait3A_50 = tpu.memref_slice %arg12[%dma_wait3A_48, %dma_wait3A_49] : memref<10112x128xf32, #tpu.memory_space<vmem_shared>> -> memref<10112x128xf32, #tpu.memory_space<vmem_shared>>
    tpu.wait_indirect_dma semaphore(%arg28 : memref<!tpu.dma_semaphore, #tpu.memory_space<semaphore_mem>>) src(%arg9 : memref<128x128xf32, #tpu.memory_space<vmem>>) dst(%dma_wait3A_50 : memref<10112x128xf32, #tpu.memory_space<vmem_shared>>)
    %dma_wait3A_51 = arith.constant 3 : i32
    %dma_wait3A_52 = arith.constant 0 : i32
    %dma_wait3A_53 = tpu.memref_slice %arg8[%dma_wait3A_51, %dma_wait3A_52] : memref<4x128xi32, #tpu.memory_space<vmem>> -> memref<1x128xi32, #tpu.memory_space<vmem>>
    %dma_wait3A_54 = tpu.memref_squeeze %dma_wait3A_53 : memref<1x128xi32, #tpu.memory_space<vmem>> -> memref<128xi32, #tpu.memory_space<vmem>>
    %dma_wait3A_55 = arith.constant 0 : i32
    %dma_wait3A_56 = arith.constant 0 : i32
    %dma_wait3A_57 = tpu.memref_slice %arg12[%dma_wait3A_55, %dma_wait3A_56] : memref<10112x128xf32, #tpu.memory_space<vmem_shared>> -> memref<10112x128xf32, #tpu.memory_space<vmem_shared>>
    tpu.wait_indirect_dma semaphore(%arg29 : memref<!tpu.dma_semaphore, #tpu.memory_space<semaphore_mem>>) src(%arg10 : memref<128x128xf32, #tpu.memory_space<vmem>>) dst(%dma_wait3A_57 : memref<10112x128xf32, #tpu.memory_space<vmem_shared>>)
    %barrier3A_58 = arith.constant 0 : index
    tpu.barrier barrier_id(%barrier3A_58)
    %mul3A_59 = arith.constant 632 : i32
    %mul3A_60 = arith.muli %arg1, %mul3A_59 : i32
    %add3A_61 = arith.constant 0 : i32
    %add3A_62 = arith.addi %mul3A_60, %add3A_61 : i32
    %mul3A_63 = arith.constant 10112 : i32
    %mul3A_64 = arith.muli %arg0, %mul3A_63 : i32
    %add3A_65 = arith.addi %mul3A_64, %add3A_62 : i32
    "tpu.region"() ({
      %run_scoped3A = tpu.sem_alloc : memref<!tpu.dma_semaphore, #tpu.memory_space<semaphore_mem>>
      %dma_start3A = arith.constant 0 : i32
      %dma_start3A_94 = tpu.memref_slice %arg6[%add3A_65, %dma_start3A] : memref<20224x128xf32, #tpu.memory_space<hbm>> -> memref<128x128xf32, #tpu.memory_space<hbm>>
      %dma_start3A_95 = arith.constant 0 : i32
      %dma_start3A_96 = tpu.memref_slice %arg12[%add3A_62, %dma_start3A_95] : memref<10112x128xf32, #tpu.memory_space<vmem_shared>> -> memref<128x128xf32, #tpu.memory_space<vmem_shared>>
      tpu.enqueue_dma source(%dma_start3A_96 : memref<128x128xf32, #tpu.memory_space<vmem_shared>>) target(%dma_start3A_94 : memref<128x128xf32, #tpu.memory_space<hbm>>) target_semaphore(%run_scoped3A : memref<!tpu.dma_semaphore, #tpu.memory_space<semaphore_mem>>)
      %dma_wait3A_97 = arith.constant 0 : i32
      %dma_wait3A_98 = tpu.memref_slice %arg6[%add3A_65, %dma_wait3A_97] : memref<20224x128xf32, #tpu.memory_space<hbm>> -> memref<128x128xf32, #tpu.memory_space<hbm>>
      %dma_wait3A_99 = arith.constant 0 : i32
      %dma_wait3A_100 = tpu.memref_slice %arg12[%add3A_62, %dma_wait3A_99] : memref<10112x128xf32, #tpu.memory_space<vmem_shared>> -> memref<128x128xf32, #tpu.memory_space<vmem_shared>>
      tpu.wait_dma2 semaphore(%run_scoped3A : memref<!tpu.dma_semaphore, #tpu.memory_space<semaphore_mem>>) src(%dma_wait3A_100 : memref<128x128xf32, #tpu.memory_space<vmem_shared>>) dst(%dma_wait3A_98 : memref<128x128xf32, #tpu.memory_space<hbm>>)
      tpu.yield
    }) : () -> ()
    %mul3A_66 = arith.constant 632 : i32
    %mul3A_67 = arith.muli %arg1, %mul3A_66 : i32
    %add3A_68 = arith.constant 128 : i32
    %add3A_69 = arith.addi %mul3A_67, %add3A_68 : i32
    %mul3A_70 = arith.constant 10112 : i32
    %mul3A_71 = arith.muli %arg0, %mul3A_70 : i32
    %add3A_72 = arith.addi %mul3A_71, %add3A_69 : i32
    "tpu.region"() ({
      %run_scoped3A = tpu.sem_alloc : memref<!tpu.dma_semaphore, #tpu.memory_space<semaphore_mem>>
      %dma_start3A = arith.constant 0 : i32
      %dma_start3A_94 = tpu.memref_slice %arg6[%add3A_72, %dma_start3A] : memref<20224x128xf32, #tpu.memory_space<hbm>> -> memref<128x128xf32, #tpu.memory_space<hbm>>
      %dma_start3A_95 = arith.constant 0 : i32
      %dma_start3A_96 = tpu.memref_slice %arg12[%add3A_69, %dma_start3A_95] : memref<10112x128xf32, #tpu.memory_space<vmem_shared>> -> memref<128x128xf32, #tpu.memory_space<vmem_shared>>
      tpu.enqueue_dma source(%dma_start3A_96 : memref<128x128xf32, #tpu.memory_space<vmem_shared>>) target(%dma_start3A_94 : memref<128x128xf32, #tpu.memory_space<hbm>>) target_semaphore(%run_scoped3A : memref<!tpu.dma_semaphore, #tpu.memory_space<semaphore_mem>>)
      %dma_wait3A_97 = arith.constant 0 : i32
      %dma_wait3A_98 = tpu.memref_slice %arg6[%add3A_72, %dma_wait3A_97] : memref<20224x128xf32, #tpu.memory_space<hbm>> -> memref<128x128xf32, #tpu.memory_space<hbm>>
      %dma_wait3A_99 = arith.constant 0 : i32
      %dma_wait3A_100 = tpu.memref_slice %arg12[%add3A_69, %dma_wait3A_99] : memref<10112x128xf32, #tpu.memory_space<vmem_shared>> -> memref<128x128xf32, #tpu.memory_space<vmem_shared>>
      tpu.wait_dma2 semaphore(%run_scoped3A : memref<!tpu.dma_semaphore, #tpu.memory_space<semaphore_mem>>) src(%dma_wait3A_100 : memref<128x128xf32, #tpu.memory_space<vmem_shared>>) dst(%dma_wait3A_98 : memref<128x128xf32, #tpu.memory_space<hbm>>)
      tpu.yield
    }) : () -> ()
    %mul3A_73 = arith.constant 632 : i32
    %mul3A_74 = arith.muli %arg1, %mul3A_73 : i32
    %add3A_75 = arith.constant 256 : i32
    %add3A_76 = arith.addi %mul3A_74, %add3A_75 : i32
    %mul3A_77 = arith.constant 10112 : i32
    %mul3A_78 = arith.muli %arg0, %mul3A_77 : i32
    %add3A_79 = arith.addi %mul3A_78, %add3A_76 : i32
    "tpu.region"() ({
      %run_scoped3A = tpu.sem_alloc : memref<!tpu.dma_semaphore, #tpu.memory_space<semaphore_mem>>
      %dma_start3A = arith.constant 0 : i32
      %dma_start3A_94 = tpu.memref_slice %arg6[%add3A_79, %dma_start3A] : memref<20224x128xf32, #tpu.memory_space<hbm>> -> memref<128x128xf32, #tpu.memory_space<hbm>>
      %dma_start3A_95 = arith.constant 0 : i32
      %dma_start3A_96 = tpu.memref_slice %arg12[%add3A_76, %dma_start3A_95] : memref<10112x128xf32, #tpu.memory_space<vmem_shared>> -> memref<128x128xf32, #tpu.memory_space<vmem_shared>>
      tpu.enqueue_dma source(%dma_start3A_96 : memref<128x128xf32, #tpu.memory_space<vmem_shared>>) target(%dma_start3A_94 : memref<128x128xf32, #tpu.memory_space<hbm>>) target_semaphore(%run_scoped3A : memref<!tpu.dma_semaphore, #tpu.memory_space<semaphore_mem>>)
      %dma_wait3A_97 = arith.constant 0 : i32
      %dma_wait3A_98 = tpu.memref_slice %arg6[%add3A_79, %dma_wait3A_97] : memref<20224x128xf32, #tpu.memory_space<hbm>> -> memref<128x128xf32, #tpu.memory_space<hbm>>
      %dma_wait3A_99 = arith.constant 0 : i32
      %dma_wait3A_100 = tpu.memref_slice %arg12[%add3A_76, %dma_wait3A_99] : memref<10112x128xf32, #tpu.memory_space<vmem_shared>> -> memref<128x128xf32, #tpu.memory_space<vmem_shared>>
      tpu.wait_dma2 semaphore(%run_scoped3A : memref<!tpu.dma_semaphore, #tpu.memory_space<semaphore_mem>>) src(%dma_wait3A_100 : memref<128x128xf32, #tpu.memory_space<vmem_shared>>) dst(%dma_wait3A_98 : memref<128x128xf32, #tpu.memory_space<hbm>>)
      tpu.yield
    }) : () -> ()
    %mul3A_80 = arith.constant 632 : i32
    %mul3A_81 = arith.muli %arg1, %mul3A_80 : i32
    %add3A_82 = arith.constant 384 : i32
    %add3A_83 = arith.addi %mul3A_81, %add3A_82 : i32
    %mul3A_84 = arith.constant 10112 : i32
    %mul3A_85 = arith.muli %arg0, %mul3A_84 : i32
    %add3A_86 = arith.addi %mul3A_85, %add3A_83 : i32
    "tpu.region"() ({
      %run_scoped3A = tpu.sem_alloc : memref<!tpu.dma_semaphore, #tpu.memory_space<semaphore_mem>>
      %dma_start3A = arith.constant 0 : i32
      %dma_start3A_94 = tpu.memref_slice %arg6[%add3A_86, %dma_start3A] : memref<20224x128xf32, #tpu.memory_space<hbm>> -> memref<128x128xf32, #tpu.memory_space<hbm>>
      %dma_start3A_95 = arith.constant 0 : i32
      %dma_start3A_96 = tpu.memref_slice %arg12[%add3A_83, %dma_start3A_95] : memref<10112x128xf32, #tpu.memory_space<vmem_shared>> -> memref<128x128xf32, #tpu.memory_space<vmem_shared>>
      tpu.enqueue_dma source(%dma_start3A_96 : memref<128x128xf32, #tpu.memory_space<vmem_shared>>) target(%dma_start3A_94 : memref<128x128xf32, #tpu.memory_space<hbm>>) target_semaphore(%run_scoped3A : memref<!tpu.dma_semaphore, #tpu.memory_space<semaphore_mem>>)
      %dma_wait3A_97 = arith.constant 0 : i32
      %dma_wait3A_98 = tpu.memref_slice %arg6[%add3A_86, %dma_wait3A_97] : memref<20224x128xf32, #tpu.memory_space<hbm>> -> memref<128x128xf32, #tpu.memory_space<hbm>>
      %dma_wait3A_99 = arith.constant 0 : i32
      %dma_wait3A_100 = tpu.memref_slice %arg12[%add3A_83, %dma_wait3A_99] : memref<10112x128xf32, #tpu.memory_space<vmem_shared>> -> memref<128x128xf32, #tpu.memory_space<vmem_shared>>
      tpu.wait_dma2 semaphore(%run_scoped3A : memref<!tpu.dma_semaphore, #tpu.memory_space<semaphore_mem>>) src(%dma_wait3A_100 : memref<128x128xf32, #tpu.memory_space<vmem_shared>>) dst(%dma_wait3A_98 : memref<128x128xf32, #tpu.memory_space<hbm>>)
      tpu.yield
    }) : () -> ()
    %mul3A_87 = arith.constant 632 : i32
    %mul3A_88 = arith.muli %arg1, %mul3A_87 : i32
    %add3A_89 = arith.constant 512 : i32
    %add3A_90 = arith.addi %mul3A_88, %add3A_89 : i32
    %mul3A_91 = arith.constant 10112 : i32
    %mul3A_92 = arith.muli %arg0, %mul3A_91 : i32
    %add3A_93 = arith.addi %mul3A_92, %add3A_90 : i32
    "tpu.region"() ({
      %run_scoped3A = tpu.sem_alloc : memref<!tpu.dma_semaphore, #tpu.memory_space<semaphore_mem>>
      %dma_start3A = arith.constant 0 : i32
      %dma_start3A_94 = tpu.memref_slice %arg6[%add3A_93, %dma_start3A] : memref<20224x128xf32, #tpu.memory_space<hbm>> -> memref<120x128xf32, #tpu.memory_space<hbm>>
      %dma_start3A_95 = arith.constant 0 : i32
      %dma_start3A_96 = tpu.memref_slice %arg12[%add3A_90, %dma_start3A_95] : memref<10112x128xf32, #tpu.memory_space<vmem_shared>> -> memref<120x128xf32, #tpu.memory_space<vmem_shared>>
      tpu.enqueue_dma source(%dma_start3A_96 : memref<120x128xf32, #tpu.memory_space<vmem_shared>>) target(%dma_start3A_94 : memref<120x128xf32, #tpu.memory_space<hbm>>) target_semaphore(%run_scoped3A : memref<!tpu.dma_semaphore, #tpu.memory_space<semaphore_mem>>)
      %dma_wait3A_97 = arith.constant 0 : i32
      %dma_wait3A_98 = tpu.memref_slice %arg6[%add3A_93, %dma_wait3A_97] : memref<20224x128xf32, #tpu.memory_space<hbm>> -> memref<120x128xf32, #tpu.memory_space<hbm>>
      %dma_wait3A_99 = arith.constant 0 : i32
      %dma_wait3A_100 = tpu.memref_slice %arg12[%add3A_90, %dma_wait3A_99] : memref<10112x128xf32, #tpu.memory_space<vmem_shared>> -> memref<120x128xf32, #tpu.memory_space<vmem_shared>>
      tpu.wait_dma2 semaphore(%run_scoped3A : memref<!tpu.dma_semaphore, #tpu.memory_space<semaphore_mem>>) src(%dma_wait3A_100 : memref<120x128xf32, #tpu.memory_space<vmem_shared>>) dst(%dma_wait3A_98 : memref<120x128xf32, #tpu.memory_space<hbm>>)
      tpu.yield
    }) : () -> ()
    return
  }
}

module attributes {stable_mosaic.version = 14 : i64} {
  func.func @_eproj_body(%arg0: i32, %arg1: memref<4000x16xf32, #tpu.memory_space<vmem>>, %arg2: memref<16x256xf32, #tpu.memory_space<vmem>>, %arg3: memref<1x256xf32, #tpu.memory_space<vmem>>, %arg4: memref<2x4000x128xf32, #tpu.memory_space<vmem>>) attributes {dimension_semantics = [#tpu.dimension_semantics<arbitrary>], iteration_bounds = array<i64: 40>, scalar_prefetch = 0 : i64, scratch_operands = 0 : i64, tpu.core_type = #tpu.core_type<tc>, window_params = [{transform_indices = @transform_0, window_bounds = array<i64: 4000, 16>}, {pipeline_mode = #tpu.pipeline_mode<synchronous>, transform_indices = @transform_1, window_bounds = array<i64: 16, 256>}, {pipeline_mode = #tpu.pipeline_mode<synchronous>, transform_indices = @transform_2, window_bounds = array<i64: 1, 256>}, {transform_indices = @transform_3, window_bounds = array<i64: 2, 4000, 128>}]} {
    %get3A = arith.constant 0 : index
    %get3A_0 = arith.constant 0 : index
    %get3A_1 = vector.load %arg1[%get3A, %get3A_0] : memref<4000x16xf32, #tpu.memory_space<vmem>>, vector<4000x16xf32>
    %get3A_2 = arith.constant 0 : index
    %get3A_3 = arith.constant 0 : index
    %get3A_4 = vector.load %arg2[%get3A_2, %get3A_3] : memref<16x256xf32, #tpu.memory_space<vmem>>, vector<16x256xf32>
    %dot_general3A = arith.constant dense<0.000000e+00> : vector<4000x256xf32>
    %dot_general3A_5 = tpu.matmul %get3A_1, %get3A_4, %dot_general3A {dimension_numbers = #tpu.dot_dimension_numbers<[1], [0], [0], [1], [0, 0, 1, 1], [], []>, transpose_lhs_hint = false} : vector<4000x16xf32>, vector<16x256xf32>, vector<4000x256xf32> -> vector<4000x256xf32>
    %get3A_6 = arith.constant 0 : index
    %get3A_7 = arith.constant 0 : index
    %get3A_8 = vector.load %arg3[%get3A_6, %get3A_7] : memref<1x256xf32, #tpu.memory_space<vmem>>, vector<1x256xf32>
    %add3A = vector.broadcast %get3A_8 : vector<1x256xf32> to vector<4000x256xf32>
    %add3A_9 = arith.addf %dot_general3A_5, %add3A : vector<4000x256xf32>
    %slice3A = vector.extract_strided_slice %add3A_9 {offsets = [0, 0], sizes = [4000, 128], strides = [1, 1]} : vector<4000x256xf32> to vector<4000x128xf32>
    %swap3A = arith.constant 0 : index
    %swap3A_10 = arith.constant 0 : index
    %swap3A_11 = arith.constant 0 : index
    %swap3A_12 = vector.load %arg4[%swap3A, %swap3A_10, %swap3A_11] : memref<2x4000x128xf32, #tpu.memory_space<vmem>>, vector<1x4000x128xf32>
    %swap3A_13 = vector.shape_cast %swap3A_12 : vector<1x4000x128xf32> to vector<4000x128xf32>
    %swap3A_14 = vector.shape_cast %slice3A : vector<4000x128xf32> to vector<1x4000x128xf32>
    tpu.vector_store %arg4[%swap3A, %swap3A_10, %swap3A_11], %swap3A_14 {strides = array<i32>} : memref<2x4000x128xf32, #tpu.memory_space<vmem>>, vector<1x4000x128xf32>,
    %slice3A_15 = vector.extract_strided_slice %add3A_9 {offsets = [0, 128], sizes = [4000, 128], strides = [1, 1]} : vector<4000x256xf32> to vector<4000x128xf32>
    %swap3A_16 = arith.constant 1 : index
    %swap3A_17 = arith.constant 0 : index
    %swap3A_18 = arith.constant 0 : index
    %swap3A_19 = vector.load %arg4[%swap3A_16, %swap3A_17, %swap3A_18] : memref<2x4000x128xf32, #tpu.memory_space<vmem>>, vector<1x4000x128xf32>
    %swap3A_20 = vector.shape_cast %swap3A_19 : vector<1x4000x128xf32> to vector<4000x128xf32>
    %swap3A_21 = vector.shape_cast %slice3A_15 : vector<4000x128xf32> to vector<1x4000x128xf32>
    tpu.vector_store %arg4[%swap3A_16, %swap3A_17, %swap3A_18], %swap3A_21 {strides = array<i32>} : memref<2x4000x128xf32, #tpu.memory_space<vmem>>, vector<1x4000x128xf32>,
    return
  }
  func.func @transform_0(%arg0: i32) -> (i32, i32) {
    %c0_i32 = arith.constant 0 : i32
    %c0_i32_0 = arith.constant 0 : i32
    return %arg0, %c0_i32 : i32, i32
  }
  func.func @transform_1(%arg0: i32) -> (i32, i32) {
    %c0_i32 = arith.constant 0 : i32
    %c0_i32_0 = arith.constant 0 : i32
    %c0_i32_1 = arith.constant 0 : i32
    return %c0_i32, %c0_i32_0 : i32, i32
  }
  func.func @transform_2(%arg0: i32) -> (i32, i32) {
    %c0_i32 = arith.constant 0 : i32
    %c0_i32_0 = arith.constant 0 : i32
    %c0_i32_1 = arith.constant 0 : i32
    return %c0_i32, %c0_i32_0 : i32, i32
  }
  func.func @transform_3(%arg0: i32) -> (i32, i32, i32) {
    %c0_i32 = arith.constant 0 : i32
    %c0_i32_0 = arith.constant 0 : i32
    %c0_i32_1 = arith.constant 0 : i32
    return %c0_i32, %arg0, %c0_i32_0 : i32, i32, i32
  }
}

module attributes {stable_mosaic.version = 14 : i64} {
  func.func @_mlp1_body(%arg0: i32, %arg1: memref<1xf32, #tpu.memory_space<smem>>, %arg2: memref<400x128xf32, #tpu.memory_space<vmem>>, %arg3: memref<400x128xf32, #tpu.memory_space<vmem>>, %arg4: memref<400x256xf32, #tpu.memory_space<vmem>>, %arg5: memref<256x512xf32, #tpu.memory_space<vmem>>, %arg6: memref<1x512xf32, #tpu.memory_space<vmem>>, %arg7: memref<400x512xf32, #tpu.memory_space<vmem>>, %arg8: memref<1x512xf32, #tpu.memory_space<vmem>>, %arg9: memref<1x512xf32, #tpu.memory_space<vmem>>) attributes {dimension_semantics = [#tpu.dimension_semantics<arbitrary>], iteration_bounds = array<i64: 25>, scalar_prefetch = 0 : i64, scratch_operands = 0 : i64, tpu.core_type = #tpu.core_type<tc>, window_params = [{transform_indices = @transform_0, window_bounds = array<i64: 1>}, {transform_indices = @transform_1, window_bounds = array<i64: 400, 128>}, {transform_indices = @transform_2, window_bounds = array<i64: 400, 128>}, {transform_indices = @transform_3, window_bounds = array<i64: 400, 256>}, {pipeline_mode = #tpu.pipeline_mode<synchronous>, transform_indices = @transform_4, window_bounds = array<i64: 256, 512>}, {pipeline_mode = #tpu.pipeline_mode<synchronous>, transform_indices = @transform_5, window_bounds = array<i64: 1, 512>}, {transform_indices = @transform_6, window_bounds = array<i64: 400, 512>}, {pipeline_mode = #tpu.pipeline_mode<synchronous>, transform_indices = @transform_7, window_bounds = array<i64: 1, 512>}, {pipeline_mode = #tpu.pipeline_mode<synchronous>, transform_indices = @transform_8, window_bounds = array<i64: 1, 512>}]} {
    %get3A = arith.constant 0 : index
    %get3A_0 = memref.load %arg1[%get3A] : memref<1xf32, #tpu.memory_space<smem>>
    %add3A = arith.constant 1.000000e+00 : f32
    %add3A_1 = arith.addf %add3A, %get3A_0 : f32
    %get3A_2 = arith.constant 0 : index
    %get3A_3 = arith.constant 0 : index
    %get3A_4 = vector.load %arg2[%get3A_2, %get3A_3] : memref<400x128xf32, #tpu.memory_space<vmem>>, vector<400x128xf32>
    %get3A_5 = arith.constant 0 : index
    %get3A_6 = arith.constant 0 : index
    %get3A_7 = vector.load %arg4[%get3A_5, %get3A_6] : memref<400x256xf32, #tpu.memory_space<vmem>>, vector<400x128xf32>
    %mul3A = vector.broadcast %add3A_1 : f32 to vector<400x128xf32>
    %mul3A_8 = arith.mulf %mul3A, %get3A_7 : vector<400x128xf32>
    %add3A_9 = arith.addf %get3A_4, %mul3A_8 : vector<400x128xf32>
    %get3A_10 = arith.constant 0 : index
    %get3A_11 = arith.constant 0 : index
    %get3A_12 = vector.load %arg3[%get3A_10, %get3A_11] : memref<400x128xf32, #tpu.memory_space<vmem>>, vector<400x128xf32>
    %get3A_13 = arith.constant 0 : index
    %get3A_14 = arith.constant 128 : index
    %get3A_15 = vector.load %arg4[%get3A_13, %get3A_14] : memref<400x256xf32, #tpu.memory_space<vmem>>, vector<400x128xf32>
    %mul3A_16 = vector.broadcast %add3A_1 : f32 to vector<400x128xf32>
    %mul3A_17 = arith.mulf %mul3A_16, %get3A_15 : vector<400x128xf32>
    %add3A_18 = arith.addf %get3A_12, %mul3A_17 : vector<400x128xf32>
    %get3A_19 = arith.constant 0 : index
    %get3A_20 = arith.constant 0 : index
    %get3A_21 = vector.load %arg5[%get3A_19, %get3A_20] : memref<256x512xf32, #tpu.memory_space<vmem>>, vector<128x512xf32>
    %dot_general3A = arith.constant dense<0.000000e+00> : vector<400x512xf32>
    %dot_general3A_22 = tpu.matmul %add3A_9, %get3A_21, %dot_general3A {dimension_numbers = #tpu.dot_dimension_numbers<[1], [0], [0], [1], [0, 0, 1, 1], [], []>, transpose_lhs_hint = false} : vector<400x128xf32>, vector<128x512xf32>, vector<400x512xf32> -> vector<400x512xf32>
    %get3A_23 = arith.constant 128 : index
    %get3A_24 = arith.constant 0 : index
    %get3A_25 = vector.load %arg5[%get3A_23, %get3A_24] : memref<256x512xf32, #tpu.memory_space<vmem>>, vector<128x512xf32>
    %dot_general3A_26 = arith.constant dense<0.000000e+00> : vector<400x512xf32>
    %dot_general3A_27 = tpu.matmul %add3A_18, %get3A_25, %dot_general3A_26 {dimension_numbers = #tpu.dot_dimension_numbers<[1], [0], [0], [1], [0, 0, 1, 1], [], []>, transpose_lhs_hint = false} : vector<400x128xf32>, vector<128x512xf32>, vector<400x512xf32> -> vector<400x512xf32>
    %add3A_28 = arith.addf %dot_general3A_22, %dot_general3A_27 : vector<400x512xf32>
    %get3A_29 = arith.constant 0 : index
    %get3A_30 = arith.constant 0 : index
    %get3A_31 = vector.load %arg6[%get3A_29, %get3A_30] : memref<1x512xf32, #tpu.memory_space<vmem>>, vector<1x512xf32>
    %add3A_32 = vector.broadcast %get3A_31 : vector<1x512xf32> to vector<400x512xf32>
    %add3A_33 = arith.addf %add3A_28, %add3A_32 : vector<400x512xf32>
    %swap3A = arith.constant 0 : index
    %swap3A_34 = arith.constant 0 : index
    %swap3A_35 = vector.load %arg7[%swap3A, %swap3A_34] : memref<400x512xf32, #tpu.memory_space<vmem>>, vector<400x512xf32>
    tpu.vector_store %arg7[%swap3A, %swap3A_34], %add3A_33 {strides = array<i32>} : memref<400x512xf32, #tpu.memory_space<vmem>>, vector<400x512xf32>,
    %eq3A = arith.constant 0 : i32
    %eq3A_36 = arith.cmpi eq, %arg0, %eq3A : i32
    %convert_element_type3A = arith.extui %eq3A_36 : i1 to i32
    %cond3A = arith.constant 0 : i32
    %cond3A_37 = arith.cmpi ne, %convert_element_type3A, %cond3A : i32
    scf.if %cond3A_37 {
      %broadcast_in_dim3A_57 = arith.constant 0.000000e+00 : f32
      %broadcast_in_dim3A_58 = vector.broadcast %broadcast_in_dim3A_57 : f32 to vector<1x512xf32>
      %swap3A_59 = arith.constant 0 : index
      %swap3A_60 = arith.constant 0 : index
      %swap3A_61 = vector.load %arg8[%swap3A_59, %swap3A_60] : memref<1x512xf32, #tpu.memory_space<vmem>>, vector<1x512xf32>
      tpu.vector_store %arg8[%swap3A_59, %swap3A_60], %broadcast_in_dim3A_58 {strides = array<i32>} : memref<1x512xf32, #tpu.memory_space<vmem>>, vector<1x512xf32>,
      %broadcast_in_dim3A_62 = arith.constant 0.000000e+00 : f32
      %broadcast_in_dim3A_63 = vector.broadcast %broadcast_in_dim3A_62 : f32 to vector<1x512xf32>
      %swap3A_64 = arith.constant 0 : index
      %swap3A_65 = arith.constant 0 : index
      %swap3A_66 = vector.load %arg9[%swap3A_64, %swap3A_65] : memref<1x512xf32, #tpu.memory_space<vmem>>, vector<1x512xf32>
      tpu.vector_store %arg9[%swap3A_64, %swap3A_65], %broadcast_in_dim3A_63 {strides = array<i32>} : memref<1x512xf32, #tpu.memory_space<vmem>>, vector<1x512xf32>,
    } else {
    }
    %get3A_38 = arith.constant 0 : index
    %get3A_39 = arith.constant 0 : index
    %get3A_40 = vector.load %arg8[%get3A_38, %get3A_39] : memref<1x512xf32, #tpu.memory_space<vmem>>, vector<1x512xf32>
    %reduce_sum3A = arith.constant dense<0.000000e+00> : vector<512xf32>
    %reduce_sum3A_41 = vector.multi_reduction <add>, %add3A_33, %reduce_sum3A [0] : vector<400x512xf32> to vector<512xf32>
    %broadcast_in_dim3A = vector.shape_cast %reduce_sum3A_41 : vector<512xf32> to vector<1x512xf32>
    %add3A_42 = arith.addf %get3A_40, %broadcast_in_dim3A : vector<1x512xf32>
    %swap3A_43 = arith.constant 0 : index
    %swap3A_44 = arith.constant 0 : index
    %swap3A_45 = vector.load %arg8[%swap3A_43, %swap3A_44] : memref<1x512xf32, #tpu.memory_space<vmem>>, vector<1x512xf32>
    tpu.vector_store %arg8[%swap3A_43, %swap3A_44], %add3A_42 {strides = array<i32>} : memref<1x512xf32, #tpu.memory_space<vmem>>, vector<1x512xf32>,
    %get3A_46 = arith.constant 0 : index
    %get3A_47 = arith.constant 0 : index
    %get3A_48 = vector.load %arg9[%get3A_46, %get3A_47] : memref<1x512xf32, #tpu.memory_space<vmem>>, vector<1x512xf32>
    %mul3A_49 = arith.mulf %add3A_33, %add3A_33 : vector<400x512xf32>
    %reduce_sum3A_50 = arith.constant dense<0.000000e+00> : vector<512xf32>
    %reduce_sum3A_51 = vector.multi_reduction <add>, %mul3A_49, %reduce_sum3A_50 [0] : vector<400x512xf32> to vector<512xf32>
    %broadcast_in_dim3A_52 = vector.shape_cast %reduce_sum3A_51 : vector<512xf32> to vector<1x512xf32>
    %add3A_53 = arith.addf %get3A_48, %broadcast_in_dim3A_52 : vector<1x512xf32>
    %swap3A_54 = arith.constant 0 : index
    %swap3A_55 = arith.constant 0 : index
    %swap3A_56 = vector.load %arg9[%swap3A_54, %swap3A_55] : memref<1x512xf32, #tpu.memory_space<vmem>>, vector<1x512xf32>
    tpu.vector_store %arg9[%swap3A_54, %swap3A_55], %add3A_53 {strides = array<i32>} : memref<1x512xf32, #tpu.memory_space<vmem>>, vector<1x512xf32>,
    return
  }
  func.func @transform_0(%arg0: i32) -> i32 {
    %c0_i32 = arith.constant 0 : i32
    %c0_i32_0 = arith.constant 0 : i32
    return %c0_i32 : i32
  }
  func.func @transform_1(%arg0: i32) -> (i32, i32) {
    %c0_i32 = arith.constant 0 : i32
    %c0_i32_0 = arith.constant 0 : i32
    return %arg0, %c0_i32 : i32, i32
  }
  func.func @transform_2(%arg0: i32) -> (i32, i32) {
    %c0_i32 = arith.constant 0 : i32
    %c0_i32_0 = arith.constant 0 : i32
    return %arg0, %c0_i32 : i32, i32
  }
  func.func @transform_3(%arg0: i32) -> (i32, i32) {
    %c0_i32 = arith.constant 0 : i32
    %c0_i32_0 = arith.constant 0 : i32
    return %arg0, %c0_i32 : i32, i32
  }
  func.func @transform_4(%arg0: i32) -> (i32, i32) {
    %c0_i32 = arith.constant 0 : i32
    %c0_i32_0 = arith.constant 0 : i32
    %c0_i32_1 = arith.constant 0 : i32
    return %c0_i32, %c0_i32_0 : i32, i32
  }
  func.func @transform_5(%arg0: i32) -> (i32, i32) {
    %c0_i32 = arith.constant 0 : i32
    %c0_i32_0 = arith.constant 0 : i32
    %c0_i32_1 = arith.constant 0 : i32
    return %c0_i32, %c0_i32_0 : i32, i32
  }
  func.func @transform_6(%arg0: i32) -> (i32, i32) {
    %c0_i32 = arith.constant 0 : i32
    %c0_i32_0 = arith.constant 0 : i32
    return %arg0, %c0_i32 : i32, i32
  }
  func.func @transform_7(%arg0: i32) -> (i32, i32) {
    %c0_i32 = arith.constant 0 : i32
    %c0_i32_0 = arith.constant 0 : i32
    %c0_i32_1 = arith.constant 0 : i32
    return %c0_i32, %c0_i32_0 : i32, i32
  }
  func.func @transform_8(%arg0: i32) -> (i32, i32) {
    %c0_i32 = arith.constant 0 : i32
    %c0_i32_0 = arith.constant 0 : i32
    %c0_i32_1 = arith.constant 0 : i32
    return %c0_i32, %c0_i32_0 : i32, i32
  }
}

module attributes {stable_mosaic.version = 14 : i64} {
  func.func @_mlp2_body(%arg0: i32, %arg1: memref<400x512xf32, #tpu.memory_space<vmem>>, %arg2: memref<1x512xf32, #tpu.memory_space<vmem>>, %arg3: memref<1x512xf32, #tpu.memory_space<vmem>>, %arg4: memref<1x512xf32, #tpu.memory_space<vmem>>, %arg5: memref<1x512xf32, #tpu.memory_space<vmem>>, %arg6: memref<512x256xf32, #tpu.memory_space<vmem>>, %arg7: memref<1x256xf32, #tpu.memory_space<vmem>>, %arg8: memref<400x256xf32, #tpu.memory_space<vmem>>) attributes {dimension_semantics = [#tpu.dimension_semantics<arbitrary>], iteration_bounds = array<i64: 25>, scalar_prefetch = 0 : i64, scratch_operands = 0 : i64, tpu.core_type = #tpu.core_type<tc>, window_params = [{transform_indices = @transform_0, window_bounds = array<i64: 400, 512>}, {pipeline_mode = #tpu.pipeline_mode<synchronous>, transform_indices = @transform_1, window_bounds = array<i64: 1, 512>}, {pipeline_mode = #tpu.pipeline_mode<synchronous>, transform_indices = @transform_2, window_bounds = array<i64: 1, 512>}, {pipeline_mode = #tpu.pipeline_mode<synchronous>, transform_indices = @transform_3, window_bounds = array<i64: 1, 512>}, {pipeline_mode = #tpu.pipeline_mode<synchronous>, transform_indices = @transform_4, window_bounds = array<i64: 1, 512>}, {pipeline_mode = #tpu.pipeline_mode<synchronous>, transform_indices = @transform_5, window_bounds = array<i64: 512, 256>}, {pipeline_mode = #tpu.pipeline_mode<synchronous>, transform_indices = @transform_6, window_bounds = array<i64: 1, 256>}, {transform_indices = @transform_7, window_bounds = array<i64: 400, 256>}]} {
    %get3A = arith.constant 0 : index
    %get3A_0 = arith.constant 0 : index
    %get3A_1 = vector.load %arg2[%get3A, %get3A_0] : memref<1x512xf32, #tpu.memory_space<vmem>>, vector<1x512xf32>
    %mul3A = arith.constant 9.99999974E-5 : f32
    %mul3A_2 = vector.broadcast %mul3A : f32 to vector<1x512xf32>
    %mul3A_3 = arith.mulf %get3A_1, %mul3A_2 : vector<1x512xf32>
    %get3A_4 = arith.constant 0 : index
    %get3A_5 = arith.constant 0 : index
    %get3A_6 = vector.load %arg3[%get3A_4, %get3A_5] : memref<1x512xf32, #tpu.memory_space<vmem>>, vector<1x512xf32>
    %mul3A_7 = arith.constant 9.99999974E-5 : f32
    %mul3A_8 = vector.broadcast %mul3A_7 : f32 to vector<1x512xf32>
    %mul3A_9 = arith.mulf %get3A_6, %mul3A_8 : vector<1x512xf32>
    %mul3A_10 = arith.mulf %mul3A_3, %mul3A_3 : vector<1x512xf32>
    %sub3A = arith.subf %mul3A_9, %mul3A_10 : vector<1x512xf32>
    %add3A = arith.constant 9.99999974E-6 : f32
    %add3A_11 = vector.broadcast %add3A : f32 to vector<1x512xf32>
    %add3A_12 = arith.addf %sub3A, %add3A_11 : vector<1x512xf32>
    %rsqrt3A = math.rsqrt %add3A_12 : vector<1x512xf32>
    %get3A_13 = arith.constant 0 : index
    %get3A_14 = arith.constant 0 : index
    %get3A_15 = vector.load %arg4[%get3A_13, %get3A_14] : memref<1x512xf32, #tpu.memory_space<vmem>>, vector<1x512xf32>
    %mul3A_16 = arith.mulf %get3A_15, %rsqrt3A : vector<1x512xf32>
    %get3A_17 = arith.constant 0 : index
    %get3A_18 = arith.constant 0 : index
    %get3A_19 = vector.load %arg5[%get3A_17, %get3A_18] : memref<1x512xf32, #tpu.memory_space<vmem>>, vector<1x512xf32>
    %mul3A_20 = arith.mulf %mul3A_3, %mul3A_16 : vector<1x512xf32>
    %sub3A_21 = arith.subf %get3A_19, %mul3A_20 : vector<1x512xf32>
    %get3A_22 = arith.constant 0 : index
    %get3A_23 = arith.constant 0 : index
    %get3A_24 = vector.load %arg1[%get3A_22, %get3A_23] : memref<400x512xf32, #tpu.memory_space<vmem>>, vector<400x512xf32>
    %mul3A_25 = vector.broadcast %mul3A_16 : vector<1x512xf32> to vector<400x512xf32>
    %mul3A_26 = arith.mulf %get3A_24, %mul3A_25 : vector<400x512xf32>
    %add3A_27 = vector.broadcast %sub3A_21 : vector<1x512xf32> to vector<400x512xf32>
    %add3A_28 = arith.addf %mul3A_26, %add3A_27 : vector<400x512xf32>
    %max3A = arith.constant 0.000000e+00 : f32
    %max3A_29 = vector.broadcast %max3A : f32 to vector<400x512xf32>
    %max3A_30 = arith.maximumf %add3A_28, %max3A_29 : vector<400x512xf32>
    %get3A_31 = arith.constant 0 : index
    %get3A_32 = arith.constant 0 : index
    %get3A_33 = vector.load %arg6[%get3A_31, %get3A_32] : memref<512x256xf32, #tpu.memory_space<vmem>>, vector<512x256xf32>
    %dot_general3A = arith.constant dense<0.000000e+00> : vector<400x256xf32>
    %dot_general3A_34 = tpu.matmul %max3A_30, %get3A_33, %dot_general3A {dimension_numbers = #tpu.dot_dimension_numbers<[1], [0], [0], [1], [0, 0, 1, 1], [], []>, transpose_lhs_hint = false} : vector<400x512xf32>, vector<512x256xf32>, vector<400x256xf32> -> vector<400x256xf32>
    %get3A_35 = arith.constant 0 : index
    %get3A_36 = arith.constant 0 : index
    %get3A_37 = vector.load %arg7[%get3A_35, %get3A_36] : memref<1x256xf32, #tpu.memory_space<vmem>>, vector<1x256xf32>
    %add3A_38 = vector.broadcast %get3A_37 : vector<1x256xf32> to vector<400x256xf32>
    %add3A_39 = arith.addf %dot_general3A_34, %add3A_38 : vector<400x256xf32>
    %swap3A = arith.constant 0 : index
    %swap3A_40 = arith.constant 0 : index
    %swap3A_41 = vector.load %arg8[%swap3A, %swap3A_40] : memref<400x256xf32, #tpu.memory_space<vmem>>, vector<400x256xf32>
    tpu.vector_store %arg8[%swap3A, %swap3A_40], %add3A_39 {strides = array<i32>} : memref<400x256xf32, #tpu.memory_space<vmem>>, vector<400x256xf32>,
    return
  }
  func.func @transform_0(%arg0: i32) -> (i32, i32) {
    %c0_i32 = arith.constant 0 : i32
    %c0_i32_0 = arith.constant 0 : i32
    return %arg0, %c0_i32 : i32, i32
  }
  func.func @transform_1(%arg0: i32) -> (i32, i32) {
    %c0_i32 = arith.constant 0 : i32
    %c0_i32_0 = arith.constant 0 : i32
    %c0_i32_1 = arith.constant 0 : i32
    return %c0_i32, %c0_i32_0 : i32, i32
  }
  func.func @transform_2(%arg0: i32) -> (i32, i32) {
    %c0_i32 = arith.constant 0 : i32
    %c0_i32_0 = arith.constant 0 : i32
    %c0_i32_1 = arith.constant 0 : i32
    return %c0_i32, %c0_i32_0 : i32, i32
  }
  func.func @transform_3(%arg0: i32) -> (i32, i32) {
    %c0_i32 = arith.constant 0 : i32
    %c0_i32_0 = arith.constant 0 : i32
    %c0_i32_1 = arith.constant 0 : i32
    return %c0_i32, %c0_i32_0 : i32, i32
  }
  func.func @transform_4(%arg0: i32) -> (i32, i32) {
    %c0_i32 = arith.constant 0 : i32
    %c0_i32_0 = arith.constant 0 : i32
    %c0_i32_1 = arith.constant 0 : i32
    return %c0_i32, %c0_i32_0 : i32, i32
  }
  func.func @transform_5(%arg0: i32) -> (i32, i32) {
    %c0_i32 = arith.constant 0 : i32
    %c0_i32_0 = arith.constant 0 : i32
    %c0_i32_1 = arith.constant 0 : i32
    return %c0_i32, %c0_i32_0 : i32, i32
  }
  func.func @transform_6(%arg0: i32) -> (i32, i32) {
    %c0_i32 = arith.constant 0 : i32
    %c0_i32_0 = arith.constant 0 : i32
    %c0_i32_1 = arith.constant 0 : i32
    return %c0_i32, %c0_i32_0 : i32, i32
  }
  func.func @transform_7(%arg0: i32) -> (i32, i32) {
    %c0_i32 = arith.constant 0 : i32
    %c0_i32_0 = arith.constant 0 : i32
    return %arg0, %c0_i32 : i32, i32
  }
}

</mosaic_0001>

<sc_bundles>
// kernel: kernel.6.cloned.1.call-start
scs
__scs_entry_jumppad:
0x0: {  	(pc) =	sbr.rel $0x88, $3  }
0x1: {  	(tag) =	ssettag $0x0;
	lr =	simm.s32 $0x1  }
0x2: {  	[smem:$0x3F95] =	sst lr;
	_ =	strace $0xD0000000  }
0x3: {  	_ = 	snop  }
0x4: {  	_ = 	snop  }
0x5: {  	_ = 	snop  }
0x6: {  	_ = 	snop  }
0x7: {  	_ = 	snop  }
__scs_overlays_trampoline_lowered:
0x8: {  	[smem:$0x3FA4] =	sst s0  }
0x9: {  	[smem:$0x3FA5] =	sst s1  }
0xa: {  	[smem:$0x3FA6] =	sst s2  }
0xb: {  	[smem:$0x3FA7] =	sst s3  }
0xc: {  	[smem:$0x3FA8] =	sst s4  }
0xd: {  	[smem:$0x3FA9] =	sst s5  }
0xe: {  	[smem:$0x3FAA] =	sst s6  }
0xf: {  	[smem:$0x3FAB] =	sst s7  }
0x10: {  	[smem:$0x3FAC] =	sst s8  }
0x11: {  	[smem:$0x3FAD] =	sst s9;
	s0 =	simm.s32 @!p0 $0x0  }
0x12: {  	s1 =	sld [smem:$0x3F93];
	s0 =	simm.s32 @p0 $0x1  }
0x13: {  	[smem:$0x3FAE] =	sst s0;
	s0 =	simm.s32 @!p1 $0x0  }
0x14: {  	s2 =	sld [smem:$0x3F92];
	s0 =	simm.s32 @p1 $0x1  }
0x15: {  	[smem:$0x3FAF] =	sst s0;
	s0 =	simm.s32 @!p2 $0x0  }
0x16: {  	s3 =	sld [smem:$0x3FDB];
	s0 =	simm.s32 @p2 $0x1  }
0x17: {  	s4 =	simm.s32 $0x1BF5;
	[smem:$0x3FB1] =	sst s0  }
0x18: {  	s0 =	sld [smem:$0x3F94];
	_ =	swait.ge [sflag:s4], $0x0  }
0x19: {  	s7 =	sld [smem:$0x3F95]  }
0x1a: {  	s8 =	sadd.s32 $0xFFFFE003, lr  }
0x1b: {  	s9 =	sadd.s32 $0xFFFFFEF7, lr;
	s5 =	simm.s32 $0xFFFFFFFF;
	p2 =	slt.u32 s8, $0xFFFFF086  }
0x1c: {  	p1 =	slt.u32 s9, $0xF7A;
	s5 =	simm.s32 @!p2 $0x0  }
0x1d: {  	s5 =	simm.s32 @p1 $0x1;
	p0 =	seq.s32 s7, s2  }
0x1e: {  	s7 =	smul.u32 @!p0 $0xF7A, s2;
	p2 =	seq.s32 @!p0 s5, $0x0  }
0x1f: {  	s9 =	smul.u32 $0xF7A, s1;
	s8 =	simm.s32 @!p0 $0x1BF5;
	p2 =	por !p2, p0  }
0x20: {  	[sflag:s8] =	ssyncset.s32 @!p0 $0xFFFFF086;
	s6 =	sadd.s32 @!p0 s3, s7;
	s7 =	simm.s32 @!p0 $0x108  }
0x21: {  	s3 =	sadd.s32 s3, s9;
	s6 =	sadd.s32 @!p0 $0x88, s6;
	s7 =	simm.s32 @p2 $0x1082  }
0x22: {  	[simem:s7], [sflag:s8] =	dma.local @!p0 [hbm:s6], $0xF7A  }
0x23: {  	s9 =	sor.u32 $0xD0000000, s2;
	s6 =	simm.s32 $0x108;
	_ =	swait.ge @!p0 [sflag:s8], $0x0  }
0x24: {  	s3 =	sadd.s32 $0x88, s3;
	s6 =	simm.s32 @!p1 $0x1082;
	[sflag:s4] =	ssyncset.s32 $0xFFFFF086  }
0x25: {  	[simem:s6], [sflag:s4] =	dma.local [hbm:s3], $0xF7A  }
0x26: {  	[smem:$0x3F95] =	sst s1;
	(tag) =	ssettag s2;
	_ =	strace s9  }
0x27: {  	s1 =	sld [smem:$0x3FA5]  }
0x28: {  	s2 =	sld [smem:$0x3FA6]  }
0x29: {  	s4 =	sld [smem:$0x3FA8]  }
0x2a: {  	p0 =	seq.s32 s5, $0x0;
	s5 =	sld [smem:$0x3FA9]  }
0x2b: {  	s6 =	sld [smem:$0x3FAA]  }
0x2c: {  	s7 =	sld [smem:$0x3FAB]  }
0x2d: {  	s3 =	simm.s32 $0x108;
	s8 =	sld [smem:$0x3FAC]  }
0x2e: {  	s3 =	simm.s32 @!p0 $0x1082;
	s9 =	sld [smem:$0x3FAD]  }
0x2f: {  	lr =	sadd.s32 s0, s3;
	s0 =	sld [smem:$0x3FA4]  }
0x30: {  	s3 =	sld [smem:$0x3FA7]  }
0x31: {  	[smem:$0x3FB0] =	sst s10  }
0x32: {  	s10 =	sld [smem:$0x3FAE];
	_ =	sdelay $0x3  }
0x33: {  	p0 =	seq.s32 s10, $0x1;
	s10 =	sld [smem:$0x3FB0];
	_ =	sdelay $0x3  }
0x34: {  	[smem:$0x3FB0] =	sst s10  }
0x35: {  	s10 =	sld [smem:$0x3FAF];
	_ =	sdelay $0x3  }
0x36: {  	p1 =	seq.s32 s10, $0x1;
	s10 =	sld [smem:$0x3FB0];
	_ =	sdelay $0x3  }
0x37: {  	[smem:$0x3FB0] =	sst s10  }
0x38: {  	s10 =	sld [smem:$0x3FB1]  }
0x39: {  	_ = 	snop;
	(pc) =	sbr.ind lr, $3  }
0x3a: {  	_ = 	snop  }
0x3b: {  	_ = 	snop  }
0x3c: {  	p2 =	seq.s32 s10, $0x1;
	s10 =	sld [smem:$0x3FB0]  }
0x3d: {  	_ =	shalt  }
0x3e: {  	_ =	shalt  }
0x3f: {  	_ =	shalt  }
0x40: {  	_ =	shalt  }
0x41: {  	_ =	shalt  }
0x42: {  	_ =	shalt  }
0x43: {  	_ =	shalt  }
0x44: {  	_ =	shalt  }
0x45: {  	_ =	shalt  }
0x46: {  	_ =	shalt  }
0x47: {  	_ =	shalt  }
0x48: {  	_ =	shalt  }
0x49: {  	_ =	shalt  }
0x4a: {  	_ =	shalt  }
0x4b: {  	_ =	shalt  }
0x4c: {  	_ =	shalt  }
0x4d: {  	_ =	shalt  }
0x4e: {  	_ =	shalt  }
0x4f: {  	_ =	shalt  }
0x50: {  	_ =	shalt  }
0x51: {  	_ =	shalt  }
0x52: {  	_ =	shalt  }
0x53: {  	_ =	shalt  }
0x54: {  	_ =	shalt  }
0x55: {  	_ =	shalt  }
0x56: {  	_ =	shalt  }
0x57: {  	_ =	shalt  }
0x58: {  	_ =	shalt  }
0x59: {  	_ =	shalt  }
0x5a: {  	_ =	shalt  }
0x5b: {  	_ =	shalt  }
0x5c: {  	_ =	shalt  }
0x5d: {  	_ =	shalt  }
0x5e: {  	_ =	shalt  }
0x5f: {  	_ =	shalt  }
0x60: {  	_ =	shalt  }
0x61: {  	_ =	shalt  }
0x62: {  	_ =	shalt  }
0x63: {  	_ =	shalt  }
0x64: {  	_ =	shalt  }
0x65: {  	_ =	shalt  }
0x66: {  	_ =	shalt  }
0x67: {  	_ =	shalt  }
0x68: {  	_ =	shalt  }
0x69: {  	_ =	shalt  }
0x6a: {  	_ =	shalt  }
0x6b: {  	_ =	shalt  }
0x6c: {  	_ =	shalt  }
0x6d: {  	_ =	shalt  }
0x6e: {  	_ =	shalt  }
0x6f: {  	_ =	shalt  }
0x70: {  	_ =	shalt  }
0x71: {  	_ =	shalt  }
0x72: {  	_ =	shalt  }
0x73: {  	_ =	shalt  }
0x74: {  	_ =	shalt  }
0x75: {  	_ =	shalt  }
0x76: {  	_ =	shalt  }
0x77: {  	_ =	shalt  }
0x78: {  	_ =	shalt  }
0x79: {  	_ =	shalt  }
0x7a: {  	_ =	shalt  }
0x7b: {  	_ =	shalt  }
0x7c: {  	_ =	shalt  }
0x7d: {  	_ =	shalt  }
0x7e: {  	_ =	shalt  }
0x7f: {  	_ =	shalt  }
0x80: {  	_ =	shalt  }
0x81: {  	_ =	shalt  }
0x82: {  	_ =	shalt  }
0x83: {  	_ =	shalt  }
0x84: {  	_ =	shalt  }
0x85: {  	_ =	shalt  }
0x86: {  	_ =	shalt  }
0x87: {  	_ =	shalt  }
.Lfunc_end0:
.L_simem_size_0:
called_computation_lowered:
.L_overlay_start_0:
0x88: {  	s2 =	sld [smem:$0x3FD9]  }
0x89: {  	s3 =	sld [smem:$0x3FFE];
	_ =	sdelay $0x1  }
0x8a: {  	s1 =	srdreg.scid  }
0x8b: {  	s0 =	sand.u32 $0x1, s1  }
0x8c: {  	s17 =	sshll.u32 s0, $0xA;
	s2 =	sadd.s32 s3, s2  }
0x8d: {  	s2 =	sadd.s32 s2, s17  }
0x8e: {  	[smem:$0x3FBC] =	sst s2  }
0x8f: {  	_ = 	snop  }
0x90: {  	s2 =	sld [smem:$0x3FD0];
	(tm) =	ssettm $0x1  }
0x91: {  	s18 =	sld [smem:$0x3FFB];
	_ =	sdelay $0x3  }
0x92: {  	_ =	strace s18  }
0x93: {  	s3 =	sld [smem:$0x3FFC];
	_ =	sdelay $0x3  }
0x94: {  	_ =	strace s3  }
0x95: {  	s3 =	sld [smem:$0x3FFD];
	_ =	sdelay $0x3  }
0x96: {  	_ =	strace s3  }
0x97: {  	_ =	strace $0x8FFFFFFF  }
0x98: {  	s19 =	sld [smem:$0x3FDB];
	_ =	sdelay $0x1  }
0x99: {  	s4 =	simm.s32 $_scs_section_size  }
0x9a: {  	s5 =	simm.s32 $_size__tile_overlayer_lowered;
	s6 =	simm.s32 $_tile_overlayer_lowered  }
0x9b: {  	s22 =	simm.s32 $0x1BFF;
	s21 =	sshll.u32 s6, $0x1;
	s3 =	sadd.s32 s4, s19  }
0x9c: {  	s7 =	simm.s32 $0x0;
	s20 =	sshll.u32 s5, $0x1;
	s5 =	sadd.s32 s21, s3  }
0x9d: {  	[timem:s7], [sflag:s22] =	dma.local [hbm:s5], s20  }
0x9e: {  	_ =	swait.ge [sflag:s22], s20  }
0x9f: {  	s4 =	ssub.s32 $0x0, s20;
	[sflag:s22] =	ssyncset.done $0x0  }
0xa0: {  	[sflag:s22] =	ssyncadd.s32 s4;
	_ =	sdelay $0x1  }
0xa1: {  	s23 =	simm.s32 $0x1B8B  }
0xa2: {  	_ =	swait.ge [sflag:s23], $0x1  }
0xa3: {  	[sflag:s23] =	ssyncset.done $0x0  }
0xa4: {  	s25 =	simm.s32 $0x1B8E;
	s24 =	sld [smem:$0x3FFE];
	[sflag:s23] =	ssyncadd.s32 $0xFFFFFFFF  }
0xa5: {  	s26 =	simm.s32 $execute0_lowered;
	[smem:$0x3FD2] =	sst s25  }
0xa6: {  	s5 =	sshll.u32 s26, $0x1;
	_ =	strace $0x80000046;
	[dreg:$0x1] =	wrdreg $0xFFFFFFFF  }
0xa7: {  	s28 =	simm.s32 $_size_execute0_lowered;
	s3 =	sadd.s32 s3, s5;
	[dreg:$0x0] =	wrdreg $0x0  }
0xa8: {  	s5 =	sshll.u32 s28, $0x1;
	[dreg:$0x2] =	wrdreg s3  }
0xa9: {  	[dreg:$0x3] =	wrdreg s5  }
0xaa: {  	[dreg:$0x4] =	wrdreg $0xC0  }
0xab: {  	_ =	task [dreg:s7], $0x5FFFF  }
0xac: {  	[dreg:$0x1] =	wrdreg $0xFFFFFFFF  }
0xad: {  	[dreg:$0x0] =	wrdreg $0x60  }
0xae: {  	[dreg:$0x2] =	wrdreg s2  }
0xaf: {  	[dreg:$0x3] =	wrdreg s24  }
0xb0: {  	[dreg:$0x4] =	wrdreg $0xC4000  }
0xb1: {  	[dreg:$0x5] =	wrdreg $0x9  }
0xb2: {  	_ =	task.clear_ibuf [dreg:s7], $0x6FFFF;
	_ =	strace $0x90000046  }
0xb3: {  	s29 =	simm.s32 $0x9;
	_ =	strace $0x80000048  }
0xb4: {  	_ =	swait.ge [sflag:s29], $0x1  }
0xb5: {  	[sflag:s29] =	ssyncadd.s32 $0xFFFFFFFF  }
0xb6: {  	_ =	strace $0x90000048  }
0xb7: {  	_ =	sfence  }
0xb8: {  	s30 =	sld [smem:$0x0];
	_ =	sdelay $0x2  }
0xb9: {  	s31 =	sshll.u32 s1, $0xD;
	s1 =	sshrl.u32 s1, $0x2  }
0xba: {  	s3 =	sand.u32 $0x4000, s31;
	s1 =	sadd.s32 s1, s30  }
0xbb: {  	s0 =	sor.u32 s3, s0;
	s1 =	sshll.u32 s1, $0x11  }
0xbc: {  	s0 =	sor.u32 s1, s0  }
0xbd: {  	s0 =	sadd.s32 $0x8F2B, s0  }
0xbe: {  	[sflag:s0] =	ssyncadd.remote.s32 $0x1  }
0xbf: {  	_ =	sfence.sel $0xFFFF  }
0xc0: {  	[dreg:$0x0] =	wrdreg $0xFFFFFFFF;
	(pc) =	sbr.abs _section_cstart, $3  }
0xc1: {  	[dreg:$0x1] =	wrdreg $0xFFFFFFFF  }
0xc2: {  	_ =	task.clear_ibuf [dreg:s7], $0x2FFFF;
	_ =	strace $0x9FFFFFFF  }
0xc3: {  	(tm) =	ssettm $0x7FFFFFFF  }
tec
execute0_lowered:
.L_overlay_start_1:
0x0: {  	(tag) =	ssettag $0x1  }
0x1: {  	s1 =	rddreg [dreg:$0x0]  }
0x2: {  	s0 =	rddreg [dreg:$0x1]  }
0x3: {  	s2 =	rddreg [dreg:$0x2]  }
0x4: {  	s4 =	simm.s32 $0x0;
	s3 =	srdreg.scid;
	s16 =	stileid.u32  }
0x5: {  	s30 =	simm.s32 $0x12;
	s28 =	simm.s32 $0x9;
	s5 =	sadd.s32 $0x282E00, s0  }
0x6: {  	[smem:$0x7FF] =	sst s4;
	s7 =	smul.u32 $0x278, s16;
	s17 =	sadd.s32 $0x273E00, s0  }
0x7: {  	s3 =	sand.u32 $0x1, s3;
	s9 =	smul.u32 $0x4F000, s16;
	s18 =	sadd.s32 $0x27DE00, s0  }
0x8: {  	s0 =	sadd.s32 $0x2E00, s0;
	_ =	strace $0x80000047;
	s20 =	smul.u32 $0x28000, s3  }
0x9: {  	s6 =	ssub.s32 $0x2, s3;
	s15 =	smul.u32 $0x2780, s3;
	[dreg:$0x5] =	wrdreg s18  }
0xa: {  	s3 =	smul.u32 $0x280000, s3;
	[dreg:$0x4] =	wrdreg s17;
	s8 =	sshrl.u32 s6, $0x1  }
0xb: {  	s26 =	sshrl.u32 s9, $0x2;
	s31 =	sadd.s32 $0x80, s7;
	s10 =	sadd.s32 $0x100, s7  }
0xc: {  	s22 =	sadd.s32 $0x180, s7;
	s12 =	sadd.s32 $0x200, s7;
	s6 =	ssub.s32 s6, s8  }
0xd: {  	s21 =	sadd.s32 s26, s2;
	s19 =	sshll.u32 s31, $0x7;
	s11 =	sshll.u32 s10, $0x7  }
0xe: {  	s13 =	sshll.u32 s22, $0x7;
	s14 =	sshll.u32 s12, $0x7;
	s7 =	sadd.s32 s7, s15  }
0xf: {  	s9 =	sadd.s32 s15, s31;
	s6 =	smax.u32 s6, $0x1;
	[dreg:$0x6] =	wrdreg s21  }
0x10: {  	s23 =	sadd.s32 s19, s2;
	s24 =	sadd.s32 s11, s2;
	[dreg:$0x13] =	wrdreg s6  }
0x11: {  	s19 =	smul.u32 $0x2800, s16;
	s26 =	sadd.s32 s13, s2;
	[dreg:$0x7] =	wrdreg s23  }
0x12: {  	s29 =	sadd.s32 s14, s2;
	s7 =	sshll.u32 s7, $0x4;
	[dreg:$0x8] =	wrdreg s24  }
0x13: {  	s25 =	sshll.u32 s9, $0x4;
	s9 =	sadd.s32 s15, s22;
	[dreg:$0xa] =	wrdreg s26  }
0x14: {  	s14 =	smul.u32 $0x500, s16;
	s22 =	sadd.s32 s3, s5;
	[dreg:$0xb] =	wrdreg s29  }
0x15: {  	s7 =	sadd.s32 s0, s7;
	s31 =	sadd.s32 s0, s25;
	[dreg:$0x9] =	wrdreg s19  }
0x16: {  	s11 =	sshll.u32 s9, $0x4;
	s13 =	sadd.s32 s19, s20;
	[dreg:$0xe] =	wrdreg s7  }
0x17: {  	[dreg:$0xf] =	wrdreg s31;
	s20 =	smul.u32 $0x28000, s16;
	s8 =	sshll.u32 s13, $0x4  }
0x18: {  	s25 =	sshrl.u32 s13, $0x3;
	s3 =	sor.u32 $0x180, s13;
	s6 =	sor.u32 $0x500, s13  }
0x19: {  	[dreg:$0xc] =	wrdreg s13;
	s8 =	sadd.s32 s5, s8;
	s31 =	sadd.s32 s25, s17  }
0x1a: {  	s5 =	sor.u32 $0x100, s13;
	[dreg:$0xd] =	wrdreg s8;
	s8 =	sadd.s32 s15, s10  }
0x1b: {  	s10 =	sadd.s32 s15, s12;
	s15 =	sor.u32 $0x580, s13;
	[dreg:$0x17] =	wrdreg s31  }
0x1c: {  	s7 =	sshll.u32 s8, $0x4;
	s12 =	sshll.u32 s10, $0x4;
	s19 =	sshrl.u32 s15, $0x3  }
0x1d: {  	s8 =	sshrl.u32 s6, $0x3;
	s10 =	sor.u32 $0x480, s13;
	s7 =	sadd.s32 s0, s7  }
0x1e: {  	s6 =	simm.s32 $0x6;
	s9 =	sadd.s32 s8, s17;
	[dreg:$0x10] =	wrdreg s7  }
0x1f: {  	s7 =	sadd.s32 s0, s11;
	s0 =	sadd.s32 s0, s12;
	[dreg:$0x1a] =	wrdreg s9  }
0x20: {  	s11 =	sor.u32 $0x400, s13;
	s12 =	sor.u32 $0x380, s13;
	[dreg:$0x11] =	wrdreg s7  }
0x21: {  	[dreg:$0x12] =	wrdreg s0;
	s0 =	sadd.s32 s14, s18;
	s7 =	sshrl.u32 s5, $0x3  }
0x22: {  	s14 =	sshrl.u32 s11, $0x3;
	s15 =	sshrl.u32 s12, $0x3;
	s18 =	sor.u32 $0x300, s13  }
0x23: {  	s11 =	simm.s32 $0x4400;
	[dreg:$0x14] =	wrdreg s0;
	s0 =	sadd.s32 s19, s17  }
0x24: {  	s16 =	sadd.s32 s15, s17;
	s19 =	sor.u32 $0x280, s13;
	[dreg:$0x15] =	wrdreg s0  }
0x25: {  	s0 =	sadd.s32 s20, s22;
	[dreg:$0x1d] =	wrdreg s16;
	s20 =	sor.u32 $0x200, s13  }
0x26: {  	s13 =	smov.u32 s1;
	[dreg:$0x16] =	wrdreg s0;
	s0 =	sshrl.u32 s3, $0x3  }
0x27: {  	s22 =	sshrl.u32 s19, $0x3;
	s16 =	simm.s32 $0x400;
	s0 =	sadd.s32 s0, s17  }
0x28: {  	s19 =	simm.s32 $0x1;
	[dreg:$0x18] =	wrdreg s0;
	s0 =	sadd.s32 s7, s17  }
0x29: {  	s1 =	simm.s32 $0x8;
	[dreg:$0x19] =	wrdreg s0;
	s0 =	sshrl.u32 s10, $0x3  }
0x2a: {  	s25 =	sshrl.u32 s20, $0x3;
	s20 =	simm.s32 $0x80;
	s0 =	sadd.s32 s0, s17  }
.Ltmp0:
0x2b: {  	[dreg:$0x1b] =	wrdreg s0;
	s0 =	sadd.s32 s14, s17;
	(pc) =	sbr.rel .LBB2_1-.Ltmp0, $4  }
0x2c: {  	s31 =	sadd.s32 s25, s17;
	[dreg:$0x1c] =	wrdreg s0;
	s0 =	sshrl.u32 s18, $0x3  }
0x2d: {  	s25 =	simm.s32 $0x3;
	[smem:$0x7FD] =	sst s31;
	s0 =	sadd.s32 s0, s17  }
0x2e: {  	s7 =	simm.s32 $0x4;
	[dreg:$0x1e] =	wrdreg s0;
	s0 =	sadd.s32 s22, s17  }
0x2f: {  	v0 =	vimm.f32 $0.0e+00;
	s22 =	simm.s32 $0x7;
	[dreg:$0x1f] =	wrdreg s0;
	s0 =	simm.s32 $0x0  }
.LBB2_6:
0x30: {  	_ =	swait.ge [sflag:s1], $0x4000  }
0x31: {  	[sflag:s1] =	ssyncset.done $0x0  }
0x32: {  	s0 =	simm.s32 $0xD;
	[sflag:s1] =	ssyncadd.s32 $0xFFFFC000  }
0x33: {  	_ =	swait.ge [sflag:s0], $0x80  }
0x34: {  	[sflag:s0] =	ssyncset.done $0x0  }
0x35: {  	s23 =	simm.s32 $0xE;
	[sflag:s0] =	ssyncadd.s32 $0xFFFFFF80  }
0x36: {  	[spmem:s2] =	stream.indirect.scatter.add.f32 [tilespmem:s11], [sflag:$0x11], $0x80, s5, s20, $0xb8;
	v63 =	vld [tilespmem:$0x0]  }
0x37: {  	_ =	swait.ge [sflag:s23], $0x4000  }
0x38: {  	[sflag:s23] =	ssyncset.done $0x0  }
0x39: {  	s24 =	simm.s32 $0xF;
	[sflag:s23] =	ssyncadd.s32 $0xFFFFC000  }
0x3a: {  	_ =	swait.ge [sflag:s24], $0x4000  }
0x3b: {  	[sflag:s24] =	ssyncset.done $0x0  }
0x3c: {  	s26 =	simm.s32 $0x10;
	[sflag:s24] =	ssyncadd.s32 $0xFFFFC000  }
0x3d: {  	_ =	swait.ge [sflag:s26], $0x4000  }
0x3e: {  	[sflag:s26] =	ssyncset.done $0x0  }
0x3f: {  	[sflag:s26] =	ssyncadd.s32 $0xFFFFC000  }
0x40: {  	_ =	swait.ge [sflag:s12], $0x4000  }
0x41: {  	[sflag:s12] =	ssyncset.done $0x0  }
0x42: {  	[sflag:s12] =	ssyncadd.s32 $0xFFFFC000  }
0x43: {  	s8 =	stileid.u32;
	[bflag:$0x0] =	sbarrier.arrive $0xFFFF  }
0x44: {  	s30 =	simm.s32 $0x12;
	s8 =	sshll.u32 s8, $0x6;
	s21 =	rddreg [dreg:$0x6]  }
0x45: {  	s8 =	sor.u32 $0x1C12, s8;
	s10 =	rddreg [dreg:$0xe];
	s9 =	sshrl.u32 s21, $0x3  }
0x46: {  	[hbm:s10], [sflag:s8] =	dma.local [spmem:s9], $0x800  }
0x47: {  	_ =	swait.ge [sflag:s30], $0x800  }
0x48: {  	[sflag:s30] =	ssyncset.done $0x0;
	s23 =	rddreg [dreg:$0x7]  }
0x49: {  	s0 =	rddreg [dreg:$0xf];
	[sflag:s30] =	ssyncadd.s32 $0xFFFFF800;
	s31 =	sshrl.u32 s23, $0x3  }
0x4a: {  	[hbm:s0], [sflag:s8] =	dma.local [spmem:s31], $0x800  }
0x4b: {  	_ =	swait.ge [sflag:s30], $0x800  }
0x4c: {  	[sflag:s30] =	ssyncset.done $0x0;
	s24 =	rddreg [dreg:$0x8]  }
0x4d: {  	s5 =	rddreg [dreg:$0x10];
	[sflag:s30] =	ssyncadd.s32 $0xFFFFF800;
	s3 =	sshrl.u32 s24, $0x3  }
0x4e: {  	[hbm:s5], [sflag:s8] =	dma.local [spmem:s3], $0x800  }
0x4f: {  	_ =	swait.ge [sflag:s30], $0x800  }
0x50: {  	[sflag:s30] =	ssyncset.done $0x0;
	s26 =	rddreg [dreg:$0xa]  }
0x51: {  	s14 =	rddreg [dreg:$0x11];
	[sflag:s30] =	ssyncadd.s32 $0xFFFFF800;
	s12 =	sshrl.u32 s26, $0x3  }
0x52: {  	[hbm:s14], [sflag:s8] =	dma.local [spmem:s12], $0x800  }
0x53: {  	_ =	swait.ge [sflag:s30], $0x800  }
0x54: {  	[sflag:s30] =	ssyncset.done $0x0;
	s29 =	rddreg [dreg:$0xb]  }
0x55: {  	s17 =	rddreg [dreg:$0x12];
	[sflag:s30] =	ssyncadd.s32 $0xFFFFF800;
	s15 =	sshrl.u32 s29, $0x3  }
0x56: {  	[hbm:s17], [sflag:s8] =	dma.local [spmem:s15], $0x780  }
0x57: {  	_ =	swait.ge [sflag:s30], $0x780  }
0x58: {  	s18 =	sld [smem:$0x7FC];
	_ =	sdelay $0x2  }
0x59: {  	s31 =	rddreg [dreg:$0x13];
	s0 =	sadd.s32 $0x1, s18  }
0x5a: {  	p0 =	sne.s32 s0, s31  }
.Ltmp1:
0x5b: {  	_ = 	snop;
	(pc) =	sbr.rel @!p0 .LBB2_7-.Ltmp1, $3  }
0x5c: {  	_ =	sdelay $0x1  }
0x5d: {  	[sflag:s30] =	ssyncset.done $0x0  }
0x5e: {  	[sflag:s30] =	ssyncadd.s32 $0xFFFFF880  }
.LBB2_1:
0x5f: {  	[smem:$0x7FC] =	sst s0;
	s15 =	simm.s32 $0x0;
	s18 =	simm.s32 $0x200  }
.LBB2_2:
0x60: {  	p0 =	sne.s32 s18, $0xFE00;
	[tilespmem:s15+$0x470] =	vst v0  }
0x61: {  	[tilespmem:s15+$0x400] =	vst v0  }
0x62: {  	[tilespmem:s15+$0x410] =	vst v0  }
.Ltmp2:
0x63: {  	[tilespmem:s15+$0x420] =	vst v0;
	(pc) =	sbr.rel @p0 .LBB2_2-.Ltmp2, $4  }
0x64: {  	[tilespmem:s15+$0x430] =	vst v0  }
0x65: {  	[tilespmem:s15+$0x440] =	vst v0  }
0x66: {  	[tilespmem:s15+$0x450] =	vst v0  }
0x67: {  	[tilespmem:s15+$0x460] =	vst v0;
	s15 =	sshra.s32 s18, $0x2;
	s18 =	sadd.s32 $0x200, s18  }
0x68: {  	[tilespmem:s15+$0x470] =	vst v0  }
0x69: {  	[tilespmem:s15+$0x400] =	vst v0  }
0x6a: {  	[tilespmem:s15+$0x410] =	vst v0  }
0x6b: {  	[tilespmem:s15+$0x420] =	vst v0  }
0x6c: {  	[tilespmem:s15+$0x430] =	vst v0  }
0x6d: {  	[tilespmem:s15+$0x440] =	vst v0  }
0x6e: {  	[tilespmem:s15+$0x450] =	vst v0  }
0x6f: {  	[tilespmem:s15+$0x460] =	vst v0  }
0x70: {  	[spmem:s21] =	stream.linear.scatter [tilespmem:s16], [sflag:$0x12], $0x4000, $0x38;
	v63 =	vld [tilespmem:$0x0]  }
0x71: {  	_ =	swait.ge [sflag:s30], $0x4000  }
0x72: {  	[sflag:s30] =	ssyncset.done $0x0  }
0x73: {  	[sflag:s30] =	ssyncadd.s32 $0xFFFFC000  }
0x74: {  	[spmem:s23] =	stream.linear.scatter [tilespmem:s16], [sflag:$0x12], $0x4000, $0x38;
	v63 =	vld [tilespmem:$0x0]  }
0x75: {  	_ =	swait.ge [sflag:s30], $0x4000  }
0x76: {  	[sflag:s30] =	ssyncset.done $0x0  }
0x77: {  	[sflag:s30] =	ssyncadd.s32 $0xFFFFC000  }
0x78: {  	[spmem:s24] =	stream.linear.scatter [tilespmem:s16], [sflag:$0x12], $0x4000, $0x38;
	v63 =	vld [tilespmem:$0x0]  }
0x79: {  	_ =	swait.ge [sflag:s30], $0x4000  }
0x7a: {  	[sflag:s30] =	ssyncset.done $0x0  }
0x7b: {  	[sflag:s30] =	ssyncadd.s32 $0xFFFFC000  }
0x7c: {  	[spmem:s26] =	stream.linear.scatter [tilespmem:s16], [sflag:$0x12], $0x4000, $0x38;
	v63 =	vld [tilespmem:$0x0]  }
0x7d: {  	_ =	swait.ge [sflag:s30], $0x4000  }
0x7e: {  	[sflag:s30] =	ssyncset.done $0x0  }
0x7f: {  	[sflag:s30] =	ssyncadd.s32 $0xFFFFC000  }
0x80: {  	[spmem:s29] =	stream.linear.scatter [tilespmem:s16], [sflag:$0x12], $0x3C00, $0x38;
	v63 =	vld [tilespmem:$0x0]  }
0x81: {  	s15 =	simm.s32 $0x0;
	s31 =	simm.s32 $0x280;
	_ =	swait.ge [sflag:s30], $0x3C00  }
0x82: {  	s0 =	simm.s32 $0x100;
	s3 =	simm.s32 $0x300;
	[sflag:s30] =	ssyncset.done $0x0  }
0x83: {  	s5 =	simm.s32 $0x380;
	s12 =	simm.s32 $0xA;
	[sflag:s30] =	ssyncadd.s32 $0xFFFFC400  }
0x84: {  	s14 =	simm.s32 $0x11;
	s17 =	simm.s32 $0x8400;
	[bflag:$0x0] =	sbarrier.arrive $0xFFFF  }
0x85: {  	s24 =	simm.s32 $0x200;
	s26 =	simm.s32 $0x1;
	s21 =	rddreg [dreg:$0x16]  }
.LBB2_4:
0x86: {  	s18 =	sadd.s32 $0xFFFFFFFB, s26  }
0x87: {  	p1 =	sgt.u32 s18, $0x4F  }
0x88: {  	s18 =	simm.s32 @!p1 $0x5  }
0x89: {  	_ =	swait.ge @!p1 [sflag:s18], $0x4000  }
0x8a: {  	[sflag:s18] =	ssyncset.done @!p1 $0x0  }
0x8b: {  	[sflag:s18] =	ssyncadd.s32 @!p1 $0xFFFFC000;
	s18 =	simm.s32 @!p1 $0x2  }
0x8c: {  	_ =	swait.ge @!p1 [sflag:s18], $0x80  }
0x8d: {  	s23 =	simm.s32 @!p1 $0x80;
	[sflag:s18] =	ssyncset.done @!p1 $0x0  }
0x8e: {  	s9 =	simm.s32 @!p1 $0x4400;
	[sflag:s18] =	ssyncadd.s32 @!p1 $0xFFFFFF80;
	s18 =	simm.s32 @!p1 $0x7  }
0x8f: {  	[tilespmem:s9], [sflag:$0x8] =	stream.indirect.gather.add.f32 @!p1 [hbm:s13], $0x80, s23, s23, $0xb8;
	v63 =	vld [tilespmem:$0x0]  }
0x90: {  	_ =	swait.ge @!p1 [sflag:s18], $0x4000  }
0x91: {  	[sflag:s18] =	ssyncset.done @!p1 $0x0  }
0x92: {  	[sflag:s18] =	ssyncadd.s32 @!p1 $0xFFFFC000;
	s18 =	simm.s32 @!p1 $0xB  }
0x93: {  	_ =	swait.ge @!p1 [sflag:s18], $0x80  }
0x94: {  	p0 =	seq.s32 s15, $0x0;
	[sflag:s18] =	ssyncset.done @!p1 $0x0  }
0x95: {  	s10 =	simm.s32 @!p1 $0x400;
	[sflag:s18] =	ssyncadd.s32 @!p1 $0xFFFFFF80;
	s18 =	simm.s32 @!p1 $0x280  }
0x96: {  	[spmem:s2] =	stream.indirect.scatter.add.f32 @!p1 [tilespmem:s10], [sflag:$0xF], $0x80, s18, s23, $0xb8;
	v63 =	vld [tilespmem:$0x0]  }
0x97: {  	s10 =	simm.s32 @!p0 $0xE  }
0x98: {  	_ =	swait.ge @!p0 [sflag:s10], $0x4000  }
0x99: {  	[sflag:s10] =	ssyncset.done @!p0 $0x0;
	s8 =	rddreg [dreg:$0x17]  }
0x9a: {  	[sflag:s10] =	ssyncadd.s32 @!p0 $0xFFFFC000;
	s30 =	sadd.s32 s15, s8  }
0x9b: {  	[tilespmem:s4], [sflag:$0x1] =	stream.linear.gather [hbm4b:s30+s4], $0x80, $0x38;
	v63 =	vld [tilespmem:$0x0]  }
0x9c: {  	s8 =	sadd.s32 $0xFFFFFFFE, s26;
	s30 =	rddreg [dreg:$0x14]  }
0x9d: {  	p2 =	sgt.u32 s8, $0x4F;
	s18 =	sadd.s32 s15, s30  }
0x9e: {  	[tilespmem:s24], [sflag:$0xA] =	stream.linear.gather [hbm4b:s18+s4], $0x80, $0x38;
	v63 =	vld [tilespmem:$0x0]  }
0x9f: {  	s10 =	sadd.s32 @!p2 $0xFFFFF800, s21;
	s8 =	simm.s32 @!p2 $0x0;
	s29 =	simm.s32 @!p2 $0x8400  }
0xa0: {  	[tilespmem:s29], [sflag:$0x6] =	stream.linear.gather @!p2 [hbm4b:s10+s8], $0x4000, $0x38;
	v63 =	vld [tilespmem:$0x0]  }
0xa1: {  	s8 =	simm.s32 @!p2 $0x6  }
0xa2: {  	_ =	swait.ge @!p2 [sflag:s8], $0x4000  }
0xa3: {  	[sflag:s8] =	ssyncset.done @!p2 $0x0  }
0xa4: {  	[sflag:s8] =	ssyncadd.s32 @!p2 $0xFFFFC000;
	s8 =	simm.s32 @!p2 $0x3  }
0xa5: {  	_ =	swait.ge @!p2 [sflag:s8], $0x80  }
0xa6: {  	[sflag:s8] =	ssyncset.done @!p2 $0x0  }
0xa7: {  	s10 =	simm.s32 @!p2 $0x100;
	[sflag:s8] =	ssyncadd.s32 @!p2 $0xFFFFFF80;
	s8 =	simm.s32 @!p2 $0x80  }
0xa8: {  	[tilespmem:s29], [sflag:$0x9] =	stream.indirect.gather.add.f32 @!p2 [hbm:s13], $0x80, s10, s8, $0xb8;
	v63 =	vld [tilespmem:$0x0]  }
0xa9: {  	s10 =	simm.s32 @!p1 $0x8  }
0xaa: {  	_ =	swait.ge @!p1 [sflag:s10], $0x4000  }
0xab: {  	[sflag:s10] =	ssyncset.done @!p1 $0x0  }
0xac: {  	[sflag:s10] =	ssyncadd.s32 @!p1 $0xFFFFC000;
	s10 =	simm.s32 @!p1 $0xC  }
0xad: {  	_ =	swait.ge @!p1 [sflag:s10], $0x80  }
0xae: {  	[sflag:s10] =	ssyncset.done @!p1 $0x0  }
0xaf: {  	[sflag:s10] =	ssyncadd.s32 @!p1 $0xFFFFFF80;
	s10 =	simm.s32 @!p1 $0x300  }
0xb0: {  	[spmem:s2] =	stream.indirect.scatter.add.f32 @!p1 [tilespmem:s9], [sflag:$0x10], $0x80, s10, s23, $0xb8;
	v63 =	vld [tilespmem:$0x0]  }
0xb1: {  	s24 =	smov.u32 s26;
	s9 =	simm.s32 @!p0 $0xF  }
0xb2: {  	s24 =	simm.s32 @p2 $0x1;
	_ =	swait.ge @!p0 [sflag:s9], $0x4000  }
0xb3: {  	s10 =	sshll.u32 s24, $0x7;
	s23 =	rddreg [dreg:$0xc]  }
0xb4: {  	[sflag:s9] =	ssyncset.done @!p0 $0x0;
	s23 =	sadd.s32 s23, s10  }
0xb5: {  	[sflag:s9] =	ssyncadd.s32 @!p0 $0xFFFFC000;
	s9 =	rddreg [dreg:$0x4];
	s23 =	sshrl.u32 s23, $0x3  }
0xb6: {  	s9 =	sadd.s32 s9, s23;
	s23 =	rddreg [dreg:$0x9]  }
0xb7: {  	[tilespmem:s20], [sflag:$0x2] =	stream.linear.gather [hbm4b:s9+s4], $0x80, $0x38;
	v63 =	vld [tilespmem:$0x0]  }
0xb8: {  	s9 =	sadd.s32 s23, s10  }
0xb9: {  	s23 =	rddreg [dreg:$0x5];
	s9 =	sshrl.u32 s9, $0x3  }
0xba: {  	s9 =	sadd.s32 s23, s9  }
0xbb: {  	[tilespmem:s31], [sflag:$0xB] =	stream.linear.gather [hbm4b:s9+s4], $0x80, $0x38;
	v63 =	vld [tilespmem:$0x0]  }
0xbc: {  	_ = 	snop  }
0xbd: {  	[tilespmem:s16], [sflag:$0x4] =	stream.linear.gather [hbm4b:s21+s4], $0x4000, $0x38;
	v63 =	vld [tilespmem:$0x0]  }
0xbe: {  	_ =	swait.ge [sflag:s7], $0x4000  }
0xbf: {  	[sflag:s7] =	ssyncset.done $0x0  }
0xc0: {  	[sflag:s7] =	ssyncadd.s32 $0xFFFFC000  }
0xc1: {  	_ =	swait.ge [sflag:s19], $0x80  }
0xc2: {  	[sflag:s19] =	ssyncset.done $0x0  }
0xc3: {  	s9 =	simm.s32 @!p2 $0x9;
	[sflag:s19] =	ssyncadd.s32 $0xFFFFFF80  }
0xc4: {  	[tilespmem:s16], [sflag:$0x7] =	stream.indirect.gather.add.f32 [hbm:s13], $0x80, s4, s20, $0xb8;
	v63 =	vld [tilespmem:$0x0]  }
0xc5: {  	_ =	swait.ge @!p2 [sflag:s9], $0x4000  }
0xc6: {  	[sflag:s9] =	ssyncset.done @!p2 $0x0  }
0xc7: {  	[sflag:s9] =	ssyncadd.s32 @!p2 $0xFFFFC000;
	s9 =	simm.s32 @!p2 $0xD  }
0xc8: {  	_ =	swait.ge @!p2 [sflag:s9], $0x80  }
0xc9: {  	[sflag:s9] =	ssyncset.done @!p2 $0x0  }
0xca: {  	[sflag:s9] =	ssyncadd.s32 @!p2 $0xFFFFFF80;
	s9 =	simm.s32 @!p2 $0x380  }
0xcb: {  	[spmem:s2] =	stream.indirect.scatter.add.f32 @!p2 [tilespmem:s29], [sflag:$0x11], $0x80, s9, s8, $0xb8;
	v63 =	vld [tilespmem:$0x0]  }
0xcc: {  	s8 =	simm.s32 @!p0 $0x10  }
0xcd: {  	_ =	swait.ge @!p0 [sflag:s8], $0x4000  }
0xce: {  	[sflag:s8] =	ssyncset.done @!p0 $0x0;
	s10 =	rddreg [dreg:$0x19]  }
0xcf: {  	[sflag:s8] =	ssyncadd.s32 @!p0 $0xFFFFC000;
	s8 =	sadd.s32 s15, s10  }
0xd0: {  	[tilespmem:s0], [sflag:$0x3] =	stream.linear.gather [hbm4b:s8+s4], $0x80, $0x38;
	v63 =	vld [tilespmem:$0x0]  }
0xd1: {  	s23 =	sshll.u32 s24, $0xB;
	s16 =	sadd.s32 $0x20, s18;
	s29 =	rddreg [dreg:$0xd]  }
0xd2: {  	[tilespmem:s3], [sflag:$0xC] =	stream.linear.gather [hbm4b:s16+s4], $0x80, $0x38;
	v63 =	vld [tilespmem:$0x0]  }
0xd3: {  	s8 =	sadd.s32 s23, s29;
	s23 =	simm.s32 $0x5  }
0xd4: {  	[tilespmem:s11], [sflag:$0x5] =	stream.linear.gather [hbm4b:s8+s4], $0x4000, $0x38;
	v63 =	vld [tilespmem:$0x0]  }
0xd5: {  	_ =	swait.ge [sflag:s23], $0x4000  }
0xd6: {  	[sflag:s23] =	ssyncset.done $0x0  }
0xd7: {  	s11 =	simm.s32 $0x2;
	[sflag:s23] =	ssyncadd.s32 $0xFFFFC000  }
0xd8: {  	_ =	swait.ge [sflag:s11], $0x80  }
0xd9: {  	[sflag:s11] =	ssyncset.done $0x0  }
0xda: {  	s16 =	simm.s32 $0x4400;
	[sflag:s11] =	ssyncadd.s32 $0xFFFFFF80  }
0xdb: {  	[tilespmem:s16], [sflag:$0x8] =	stream.indirect.gather.add.f32 [hbm:s13], $0x80, s20, s20, $0xb8;
	v63 =	vld [tilespmem:$0x0]  }
0xdc: {  	_ =	swait.ge [sflag:s22], $0x4000  }
0xdd: {  	[sflag:s22] =	ssyncset.done $0x0  }
0xde: {  	[sflag:s22] =	ssyncadd.s32 $0xFFFFC000  }
0xdf: {  	_ =	swait.ge [sflag:s12], $0x80  }
0xe0: {  	s24 =	simm.s32 $0x200;
	[sflag:s12] =	ssyncset.done $0x0  }
0xe1: {  	s10 =	simm.s32 $0x400;
	s8 =	simm.s32 @!p0 $0x11;
	[sflag:s12] =	ssyncadd.s32 $0xFFFFFF80  }
0xe2: {  	[spmem:s2] =	stream.indirect.scatter.add.f32 [tilespmem:s10], [sflag:$0xE], $0x80, s24, s20, $0xb8;
	v63 =	vld [tilespmem:$0x0]  }
0xe3: {  	_ =	swait.ge @!p0 [sflag:s8], $0x4000  }
0xe4: {  	[sflag:s8] =	ssyncset.done @!p0 $0x0;
	s9 =	rddreg [dreg:$0x18]  }
0xe5: {  	[sflag:s8] =	ssyncadd.s32 @!p0 $0xFFFFC000;
	s8 =	sadd.s32 s15, s9  }
0xe6: {  	[tilespmem:s4], [sflag:$0x1] =	stream.linear.gather [hbm4b:s8+s4], $0x80, $0x38;
	v63 =	vld [tilespmem:$0x0]  }
0xe7: {  	s29 =	sadd.s32 $0x30, s18  }
0xe8: {  	[tilespmem:s5], [sflag:$0xD] =	stream.linear.gather [hbm4b:s29+s4], $0x80, $0x38;
	v63 =	vld [tilespmem:$0x0]  }
0xe9: {  	s9 =	sadd.s32 $0x1000, s21  }
0xea: {  	[tilespmem:s17], [sflag:$0x6] =	stream.linear.gather [hbm4b:s9+s4], $0x4000, $0x38;
	v63 =	vld [tilespmem:$0x0]  }
0xeb: {  	_ =	swait.ge [sflag:s6], $0x4000  }
0xec: {  	[sflag:s6] =	ssyncset.done $0x0  }
0xed: {  	[sflag:s6] =	ssyncadd.s32 $0xFFFFC000  }
0xee: {  	_ =	swait.ge [sflag:s25], $0x80  }
0xef: {  	[sflag:s25] =	ssyncset.done $0x0  }
0xf0: {  	[sflag:s25] =	ssyncadd.s32 $0xFFFFFF80  }
0xf1: {  	[tilespmem:s17], [sflag:$0x9] =	stream.indirect.gather.add.f32 [hbm:s13], $0x80, s0, s20, $0xb8;
	v63 =	vld [tilespmem:$0x0]  }
0xf2: {  	_ =	swait.ge [sflag:s1], $0x4000  }
0xf3: {  	[sflag:s1] =	ssyncset.done $0x0  }
0xf4: {  	s9 =	simm.s32 $0xB;
	[sflag:s1] =	ssyncadd.s32 $0xFFFFC000  }
0xf5: {  	_ =	swait.ge [sflag:s9], $0x80  }
0xf6: {  	[sflag:s9] =	ssyncset.done $0x0  }
0xf7: {  	s29 =	simm.s32 $0xE;
	[sflag:s9] =	ssyncadd.s32 $0xFFFFFF80  }
0xf8: {  	[spmem:s2] =	stream.indirect.scatter.add.f32 [tilespmem:s16], [sflag:$0xF], $0x80, s31, s20, $0xb8;
	v63 =	vld [tilespmem:$0x0]  }
0xf9: {  	_ =	swait.ge [sflag:s29], $0x4000  }
0xfa: {  	[sflag:s29] =	ssyncset.done $0x0  }
0xfb: {  	[sflag:s29] =	ssyncadd.s32 $0xFFFFC000;
	s29 =	sld [smem:$0x7FD];
	_ =	sdelay $0x2  }
0xfc: {  	s8 =	sadd.s32 s15, s29  }
0xfd: {  	[tilespmem:s20], [sflag:$0x2] =	stream.linear.gather [hbm4b:s8+s4], $0x80, $0x38;
	v63 =	vld [tilespmem:$0x0]  }
0xfe: {  	s29 =	sadd.s32 $0x40, s18  }
0xff: {  	[tilespmem:s24], [sflag:$0xA] =	stream.linear.gather [hbm4b:s29+s4], $0x80, $0x38;
	v63 =	vld [tilespmem:$0x0]  }
0x100: {  	s29 =	sadd.s32 $0x1800, s21  }
0x101: {  	[tilespmem:s10], [sflag:$0x4] =	stream.linear.gather [hbm4b:s29+s4], $0x4000, $0x38;
	v63 =	vld [tilespmem:$0x0]  }
0x102: {  	_ =	swait.ge [sflag:s7], $0x4000  }
0x103: {  	[sflag:s7] =	ssyncset.done $0x0  }
0x104: {  	[sflag:s7] =	ssyncadd.s32 $0xFFFFC000  }
0x105: {  	_ =	swait.ge [sflag:s19], $0x80  }
0x106: {  	[sflag:s19] =	ssyncset.done $0x0  }
0x107: {  	[sflag:s19] =	ssyncadd.s32 $0xFFFFFF80  }
0x108: {  	[tilespmem:s10], [sflag:$0x7] =	stream.indirect.gather.add.f32 [hbm:s13], $0x80, s4, s20, $0xb8;
	v63 =	vld [tilespmem:$0x0]  }
0x109: {  	_ =	swait.ge [sflag:s28], $0x4000  }
0x10a: {  	[sflag:s28] =	ssyncset.done $0x0  }
0x10b: {  	s29 =	simm.s32 $0xC;
	[sflag:s28] =	ssyncadd.s32 $0xFFFFC000  }
0x10c: {  	_ =	swait.ge [sflag:s29], $0x80  }
0x10d: {  	[sflag:s29] =	ssyncset.done $0x0  }
0x10e: {  	s8 =	simm.s32 $0xF;
	[sflag:s29] =	ssyncadd.s32 $0xFFFFFF80  }
0x10f: {  	[spmem:s2] =	stream.indirect.scatter.add.f32 [tilespmem:s17], [sflag:$0x10], $0x80, s3, s20, $0xb8;
	v63 =	vld [tilespmem:$0x0]  }
0x110: {  	_ =	swait.ge [sflag:s8], $0x4000  }
0x111: {  	[sflag:s8] =	ssyncset.done $0x0  }
0x112: {  	[sflag:s8] =	ssyncadd.s32 $0xFFFFC000;
	s8 =	rddreg [dreg:$0x1f]  }
0x113: {  	s8 =	sadd.s32 s15, s8  }
0x114: {  	[tilespmem:s0], [sflag:$0x3] =	stream.linear.gather [hbm4b:s8+s4], $0x80, $0x38;
	v63 =	vld [tilespmem:$0x0]  }
0x115: {  	s8 =	sadd.s32 $0x50, s18  }
0x116: {  	[tilespmem:s31], [sflag:$0xB] =	stream.linear.gather [hbm4b:s8+s4], $0x80, $0x38;
	v63 =	vld [tilespmem:$0x0]  }
0x117: {  	s8 =	sadd.s32 $0x2000, s21  }
0x118: {  	[tilespmem:s16], [sflag:$0x5] =	stream.linear.gather [hbm4b:s8+s4], $0x4000, $0x38;
	v63 =	vld [tilespmem:$0x0]  }
0x119: {  	_ =	swait.ge [sflag:s23], $0x4000  }
0x11a: {  	[sflag:s23] =	ssyncset.done $0x0  }
0x11b: {  	[sflag:s23] =	ssyncadd.s32 $0xFFFFC000  }
0x11c: {  	_ =	swait.ge [sflag:s11], $0x80  }
0x11d: {  	[sflag:s11] =	ssyncset.done $0x0  }
0x11e: {  	[sflag:s11] =	ssyncadd.s32 $0xFFFFFF80  }
0x11f: {  	[tilespmem:s16], [sflag:$0x8] =	stream.indirect.gather.add.f32 [hbm:s13], $0x80, s20, s20, $0xb8;
	v63 =	vld [tilespmem:$0x0]  }
0x120: {  	_ =	swait.ge [sflag:s22], $0x4000  }
0x121: {  	[sflag:s22] =	ssyncset.done $0x0  }
0x122: {  	s8 =	simm.s32 $0xD;
	[sflag:s22] =	ssyncadd.s32 $0xFFFFC000  }
0x123: {  	_ =	swait.ge [sflag:s8], $0x80  }
0x124: {  	[sflag:s8] =	ssyncset.done $0x0  }
0x125: {  	[sflag:s8] =	ssyncadd.s32 $0xFFFFFF80;
	s8 =	simm.s32 $0x10  }
0x126: {  	[spmem:s2] =	stream.indirect.scatter.add.f32 [tilespmem:s10], [sflag:$0x11], $0x80, s5, s20, $0xb8;
	v63 =	vld [tilespmem:$0x0]  }
0x127: {  	_ =	swait.ge [sflag:s8], $0x4000  }
0x128: {  	[sflag:s8] =	ssyncset.done $0x0  }
0x129: {  	[sflag:s8] =	ssyncadd.s32 $0xFFFFC000;
	s8 =	rddreg [dreg:$0x1e]  }
0x12a: {  	s8 =	sadd.s32 s15, s8  }
0x12b: {  	[tilespmem:s4], [sflag:$0x1] =	stream.linear.gather [hbm4b:s8+s4], $0x80, $0x38;
	v63 =	vld [tilespmem:$0x0]  }
0x12c: {  	s8 =	sadd.s32 $0x60, s18  }
0x12d: {  	[tilespmem:s3], [sflag:$0xC] =	stream.linear.gather [hbm4b:s8+s4], $0x80, $0x38;
	v63 =	vld [tilespmem:$0x0]  }
0x12e: {  	s8 =	sadd.s32 $0x2800, s21  }
0x12f: {  	[tilespmem:s17], [sflag:$0x6] =	stream.linear.gather [hbm4b:s8+s4], $0x4000, $0x38;
	v63 =	vld [tilespmem:$0x0]  }
0x130: {  	_ =	swait.ge [sflag:s6], $0x4000  }
0x131: {  	[sflag:s6] =	ssyncset.done $0x0  }
0x132: {  	[sflag:s6] =	ssyncadd.s32 $0xFFFFC000  }
0x133: {  	_ =	swait.ge [sflag:s25], $0x80  }
0x134: {  	[sflag:s25] =	ssyncset.done $0x0  }
0x135: {  	[sflag:s25] =	ssyncadd.s32 $0xFFFFFF80  }
0x136: {  	[tilespmem:s17], [sflag:$0x9] =	stream.indirect.gather.add.f32 [hbm:s13], $0x80, s0, s20, $0xb8;
	v63 =	vld [tilespmem:$0x0]  }
0x137: {  	_ =	swait.ge [sflag:s1], $0x4000  }
0x138: {  	[sflag:s1] =	ssyncset.done $0x0  }
0x139: {  	[sflag:s1] =	ssyncadd.s32 $0xFFFFC000  }
0x13a: {  	_ =	swait.ge [sflag:s12], $0x80  }
0x13b: {  	[sflag:s12] =	ssyncset.done $0x0  }
0x13c: {  	[sflag:s12] =	ssyncadd.s32 $0xFFFFFF80  }
0x13d: {  	[spmem:s2] =	stream.indirect.scatter.add.f32 [tilespmem:s16], [sflag:$0xE], $0x80, s24, s20, $0xb8;
	v63 =	vld [tilespmem:$0x0]  }
0x13e: {  	_ =	swait.ge [sflag:s14], $0x4000  }
0x13f: {  	[sflag:s14] =	ssyncset.done $0x0;
	s0 =	rddreg [dreg:$0x1d]  }
0x140: {  	[sflag:s14] =	ssyncadd.s32 $0xFFFFC000;
	s8 =	sadd.s32 s15, s0  }
0x141: {  	[tilespmem:s20], [sflag:$0x2] =	stream.linear.gather [hbm4b:s8+s4], $0x80, $0x38;
	v63 =	vld [tilespmem:$0x0]  }
0x142: {  	s12 =	sadd.s32 $0x70, s18  }
0x143: {  	[tilespmem:s5], [sflag:$0xD] =	stream.linear.gather [hbm4b:s12+s4], $0x80, $0x38;
	v63 =	vld [tilespmem:$0x0]  }
0x144: {  	s14 =	sadd.s32 $0x3000, s21  }
0x145: {  	[tilespmem:s10], [sflag:$0x4] =	stream.linear.gather [hbm4b:s14+s4], $0x4000, $0x38;
	v63 =	vld [tilespmem:$0x0]  }
0x146: {  	_ =	swait.ge [sflag:s7], $0x4000  }
0x147: {  	[sflag:s7] =	ssyncset.done $0x0  }
0x148: {  	[sflag:s7] =	ssyncadd.s32 $0xFFFFC000  }
0x149: {  	_ =	swait.ge [sflag:s19], $0x80  }
0x14a: {  	[sflag:s19] =	ssyncset.done $0x0  }
0x14b: {  	[sflag:s19] =	ssyncadd.s32 $0xFFFFFF80  }
0x14c: {  	[tilespmem:s10], [sflag:$0x7] =	stream.indirect.gather.add.f32 [hbm:s13], $0x80, s4, s20, $0xb8;
	v63 =	vld [tilespmem:$0x0]  }
0x14d: {  	_ =	swait.ge [sflag:s28], $0x4000  }
0x14e: {  	[sflag:s28] =	ssyncset.done $0x0  }
0x14f: {  	[sflag:s28] =	ssyncadd.s32 $0xFFFFC000  }
0x150: {  	_ =	swait.ge [sflag:s9], $0x80  }
0x151: {  	p0 =	seq.s32 s15, $0x480;
	[sflag:s9] =	ssyncset.done $0x0  }
0x152: {  	s8 =	simm.s32 @!p0 $0xE;
	[sflag:s9] =	ssyncadd.s32 $0xFFFFFF80  }
0x153: {  	[spmem:s2] =	stream.indirect.scatter.add.f32 [tilespmem:s17], [sflag:$0xF], $0x80, s31, s20, $0xb8;
	v63 =	vld [tilespmem:$0x0]  }
0x154: {  	_ =	swait.ge @!p0 [sflag:s8], $0x4000  }
0x155: {  	[sflag:s8] =	ssyncset.done @!p0 $0x0  }
0x156: {  	[sflag:s8] =	ssyncadd.s32 @!p0 $0xFFFFC000;
	s8 =	rddreg [dreg:$0x1c]  }
0x157: {  	s10 =	simm.s32 @!p0 $0x100;
	s9 =	simm.s32 @!p0 $0x0;
	s8 =	sadd.s32 @!p0 s15, s8  }
0x158: {  	[tilespmem:s10], [sflag:$0x3] =	stream.linear.gather @!p0 [hbm4b:s8+s9], $0x80, $0x38;
	v63 =	vld [tilespmem:$0x0]  }
0x159: {  	s8 =	sadd.s32 @!p0 s15, s30  }
0x15a: {  	s10 =	simm.s32 @!p0 $0x200;
	s8 =	sadd.s32 @!p0 $0x80, s8  }
0x15b: {  	[tilespmem:s10], [sflag:$0xA] =	stream.linear.gather @!p0 [hbm4b:s8+s9], $0x80, $0x38;
	v63 =	vld [tilespmem:$0x0]  }
0x15c: {  	s31 =	sadd.s32 $0x3800, s21  }
0x15d: {  	[tilespmem:s16], [sflag:$0x5] =	stream.linear.gather [hbm4b:s31+s4], $0x4000, $0x38;
	v63 =	vld [tilespmem:$0x0]  }
0x15e: {  	_ =	swait.ge [sflag:s23], $0x4000  }
0x15f: {  	[sflag:s23] =	ssyncset.done $0x0  }
0x160: {  	[sflag:s23] =	ssyncadd.s32 $0xFFFFC000  }
0x161: {  	_ =	swait.ge [sflag:s11], $0x80  }
0x162: {  	[sflag:s11] =	ssyncset.done $0x0  }
0x163: {  	[sflag:s11] =	ssyncadd.s32 $0xFFFFFF80;
	s11 =	simm.s32 $0x4400  }
0x164: {  	[tilespmem:s11], [sflag:$0x8] =	stream.indirect.gather.add.f32 [hbm:s13], $0x80, s20, s20, $0xb8;
	v63 =	vld [tilespmem:$0x0]  }
0x165: {  	_ =	swait.ge [sflag:s22], $0x4000  }
0x166: {  	[sflag:s22] =	ssyncset.done $0x0  }
0x167: {  	[sflag:s22] =	ssyncadd.s32 $0xFFFFC000  }
.Ltmp3:
0x168: {  	s0 =	simm.s32 $0x100;
	_ =	swait.ge [sflag:s29], $0x80;
	(pc) =	sbr.rel @p0 .LBB2_6-.Ltmp3, $4  }
0x169: {  	s5 =	simm.s32 $0x380;
	s12 =	simm.s32 $0x11;
	[sflag:s29] =	ssyncset.done $0x0  }
0x16a: {  	s14 =	simm.s32 $0x8400;
	s16 =	simm.s32 $0x400;
	[sflag:s29] =	ssyncadd.s32 $0xFFFFFF80  }
0x16b: {  	[spmem:s2] =	stream.indirect.scatter.add.f32 [tilespmem:s16], [sflag:$0x10], $0x80, s3, s20, $0xb8;
	v63 =	vld [tilespmem:$0x0]  }
0x16c: {  	s9 =	simm.s32 $0x280;
	s10 =	simm.s32 $0xA;
	s3 =	simm.s32 $0x300  }
0x16d: {  	s8 =	simm.s32 $0xF  }
0x16e: {  	_ =	swait.ge [sflag:s8], $0x4000  }
0x16f: {  	[sflag:s8] =	ssyncset.done $0x0;
	s29 =	rddreg [dreg:$0x1b]  }
0x170: {  	[sflag:s8] =	ssyncadd.s32 $0xFFFFC000;
	s8 =	sadd.s32 s15, s29  }
0x171: {  	[tilespmem:s4], [sflag:$0x1] =	stream.linear.gather [hbm4b:s8+s4], $0x80, $0x38;
	v63 =	vld [tilespmem:$0x0]  }
0x172: {  	s30 =	sadd.s32 $0x90, s18  }
0x173: {  	[tilespmem:s9], [sflag:$0xB] =	stream.linear.gather [hbm4b:s30+s4], $0x80, $0x38;
	v63 =	vld [tilespmem:$0x0]  }
0x174: {  	s17 =	sadd.s32 $0x4000, s21  }
0x175: {  	[tilespmem:s14], [sflag:$0x6] =	stream.linear.gather [hbm4b:s17+s4], $0x4000, $0x38;
	v63 =	vld [tilespmem:$0x0]  }
0x176: {  	_ =	swait.ge [sflag:s6], $0x4000  }
0x177: {  	[sflag:s6] =	ssyncset.done $0x0  }
0x178: {  	[sflag:s6] =	ssyncadd.s32 $0xFFFFC000  }
0x179: {  	_ =	swait.ge [sflag:s25], $0x80  }
0x17a: {  	[sflag:s25] =	ssyncset.done $0x0  }
0x17b: {  	[sflag:s25] =	ssyncadd.s32 $0xFFFFFF80  }
0x17c: {  	[tilespmem:s14], [sflag:$0x9] =	stream.indirect.gather.add.f32 [hbm:s13], $0x80, s0, s20, $0xb8;
	v63 =	vld [tilespmem:$0x0]  }
0x17d: {  	_ =	swait.ge [sflag:s1], $0x4000  }
0x17e: {  	[sflag:s1] =	ssyncset.done $0x0  }
0x17f: {  	s23 =	simm.s32 $0xD;
	[sflag:s1] =	ssyncadd.s32 $0xFFFFC000  }
0x180: {  	_ =	swait.ge [sflag:s23], $0x80  }
0x181: {  	[sflag:s23] =	ssyncset.done $0x0  }
0x182: {  	s29 =	simm.s32 $0x10;
	[sflag:s23] =	ssyncadd.s32 $0xFFFFFF80  }
0x183: {  	[spmem:s2] =	stream.indirect.scatter.add.f32 [tilespmem:s11], [sflag:$0x11], $0x80, s5, s20, $0xb8;
	v63 =	vld [tilespmem:$0x0]  }
0x184: {  	_ =	swait.ge [sflag:s29], $0x4000  }
0x185: {  	[sflag:s29] =	ssyncset.done $0x0;
	s30 =	rddreg [dreg:$0x1a]  }
0x186: {  	[sflag:s29] =	ssyncadd.s32 $0xFFFFC000;
	s8 =	sadd.s32 s15, s30  }
0x187: {  	[tilespmem:s20], [sflag:$0x2] =	stream.linear.gather [hbm4b:s8+s4], $0x80, $0x38;
	v63 =	vld [tilespmem:$0x0]  }
0x188: {  	s9 =	sadd.s32 $0xA0, s18  }
0x189: {  	[tilespmem:s3], [sflag:$0xC] =	stream.linear.gather [hbm4b:s9+s4], $0x80, $0x38;
	v63 =	vld [tilespmem:$0x0]  }
0x18a: {  	s17 =	sadd.s32 $0x4800, s21  }
0x18b: {  	[tilespmem:s16], [sflag:$0x4] =	stream.linear.gather [hbm4b:s17+s4], $0x4000, $0x38;
	v63 =	vld [tilespmem:$0x0]  }
0x18c: {  	_ =	swait.ge [sflag:s7], $0x4000  }
0x18d: {  	[sflag:s7] =	ssyncset.done $0x0  }
0x18e: {  	[sflag:s7] =	ssyncadd.s32 $0xFFFFC000  }
0x18f: {  	_ =	swait.ge [sflag:s19], $0x80  }
0x190: {  	[sflag:s19] =	ssyncset.done $0x0  }
0x191: {  	[sflag:s19] =	ssyncadd.s32 $0xFFFFFF80  }
0x192: {  	[tilespmem:s16], [sflag:$0x7] =	stream.indirect.gather.add.f32 [hbm:s13], $0x80, s4, s20, $0xb8;
	v63 =	vld [tilespmem:$0x0]  }
0x193: {  	_ =	swait.ge [sflag:s28], $0x4000  }
0x194: {  	[sflag:s28] =	ssyncset.done $0x0  }
0x195: {  	[sflag:s28] =	ssyncadd.s32 $0xFFFFC000  }
0x196: {  	_ =	swait.ge [sflag:s10], $0x80  }
0x197: {  	[sflag:s10] =	ssyncset.done $0x0  }
0x198: {  	[sflag:s10] =	ssyncadd.s32 $0xFFFFFF80  }
0x199: {  	[spmem:s2] =	stream.indirect.scatter.add.f32 [tilespmem:s14], [sflag:$0xE], $0x80, s24, s20, $0xb8;
	v63 =	vld [tilespmem:$0x0]  }
0x19a: {  	s26 =	sadd.s32 $0xC, s26;
	s31 =	simm.s32 $0x280;
	_ =	swait.ge [sflag:s12], $0x4000  }
0x19b: {  	s29 =	sadd.s32 $0xB0, s18;
	[sflag:s12] =	ssyncset.done $0x0;
	s23 =	rddreg [dreg:$0x15]  }
0x19c: {  	s30 =	sadd.s32 $0x5000, s21;
	[sflag:s12] =	ssyncadd.s32 $0xFFFFC000;
	s8 =	sadd.s32 s15, s23  }
0x19d: {  	[tilespmem:s0], [sflag:$0x3] =	stream.linear.gather [hbm4b:s8+s4], $0x80, $0x38;
	v63 =	vld [tilespmem:$0x0]  }
.Ltmp4:
0x19e: {  	s21 =	sadd.s32 $0x6000, s21;
	s3 =	simm.s32 $0x300;
	(pc) =	sbr.rel .LBB2_4-.Ltmp4, $4  }
0x19f: {  	s17 =	simm.s32 $0x8400;
	s14 =	simm.s32 $0x11;
	s15 =	sadd.s32 $0xC0, s15  }
0x1a0: {  	[tilespmem:s5], [sflag:$0xD] =	stream.linear.gather [hbm4b:s29+s4], $0x80, $0x38;
	v63 =	vld [tilespmem:$0x0]  }
0x1a1: {  	s12 =	simm.s32 $0xA;
	s0 =	simm.s32 $0x100;
	s5 =	simm.s32 $0x380  }
0x1a2: {  	[tilespmem:s11], [sflag:$0x5] =	stream.linear.gather [hbm4b:s30+s4], $0x4000, $0x38;
	v63 =	vld [tilespmem:$0x0]  }
.LBB2_7:
0x1a3: {  	_ =	sfence.sel $0x180000  }
0x1a4: {  	[bflag:$0x0] =	sbarrier.arrive $0xFFFF  }
0x1a5: {  	_ =	strace $0x90000047  }
0x1a6: {  	s0 =	stileid.u32;
	[bflag:$0x2] =	sbarrier.arrive $0xFFFF  }
0x1a7: {  	p0 =	sne.s32 s0, $0x0;
	s0 =	rddreg [dreg:$0x3]  }
0x1a8: {  	s0 =	sadd.s32 @!p0 $0x100000, s0  }
0x1a9: {  	[sflag:s0] =	ssyncadd.tile.s32 @!p0 $0x1;
	_ =	shalt  }
.Lfunc_end2:
_tile_overlayer_lowered:
.L_overlay_start_2:
0x1aa: {  	(tag) =	ssettag $0x2  }
0x1ab: {  	s0 =	rddreg [dreg:$0x0];
	s2 =	stileid.u32  }
0x1ac: {  	s1 =	rddreg [dreg:$0x1];
	p0 =	sne.s32 s2, $0x0  }
0x1ad: {  	s3 =	rddreg [dreg:$0x2];
	[bflag:$0x3] =	sbarrier.arrive $0xFFFF;
	s2 =	simm.s32 @!p0 $0x1C12  }
0x1ae: {  	[timem:s3], [sflag:s2] =	dma.local @!p0 [hbm:s0], s1  }
0x1af: {  	s0 =	simm.s32 @!p0 $0x12  }
0x1b0: {  	_ =	swait.ge @!p0 [sflag:s0], s1  }
0x1b1: {  	s1 =	ssub.s32 @!p0 $0x0, s1;
	[sflag:s0] =	ssyncset.done @!p0 $0x0  }
0x1b2: {  	[sflag:s0] =	ssyncadd.s32 @!p0 s1  }
0x1b3: {  	[bflag:$0x3] =	sbarrier.arrive $0xFFFF  }
0x1b4: {  	_ =	shalt  }

</sc_bundles>
